<compile_context>
chip_gen: v7x
topology: tpu7x:2x2x1
jax: 0.10.2.dev20260603
libtpu: 0.0.44.dev20260713+nightly
codegen_flags: <defaults>
</compile_context>

<pallas_src>
import functools

import jax
import jax.numpy as jnp
from jax import lax
from jax.experimental import pallas as pl
from jax.experimental.pallas import tpu as pltpu
from jax.experimental.pallas import tpu_sc as plsc

N_NODES = 10000
D = 256
E = 160000

NC = 2
NS = 16
LANES = 16

HALF = N_NODES // NC
ACC_R = HALF + 8
SUB = 128
NSUB = 10
CHUNK = SUB * NSUB
NCHUNK = E // CHUNK
NSUBG = E // SUB
RING = 12
LOOK = 10


def _sc_aggregate(x, src_f, dst_f):
    mesh = plsc.VectorSubcoreMesh(core_axis_name="c", subcore_axis_name="s")

    @functools.partial(
        pl.kernel,
        out_type=jax.ShapeDtypeStruct((N_NODES, D), jnp.float32),
        mesh=mesh,
        compiler_params=pltpu.CompilerParams(use_tc_tiling_on_sc=False),
        scratch_types=[
            pltpu.VMEM((3, CHUNK), jnp.int32),
            pltpu.VMEM((3, CHUNK), jnp.int32),
            pltpu.VMEM((RING, SUB, LANES), jnp.float32),
            pltpu.VMEM((ACC_R, LANES), jnp.float32),
            pltpu.SemaphoreType.DMA,
            pltpu.SemaphoreType.DMA,
        ],
    )
    def agg(x_hbm, src_hbm, dst_hbm, out_hbm, src_v, dst_v, rows_v, acc_v,
            isem, gsem):
        h = lax.axis_index("c")
        q = lax.axis_index("s")
        qc = q * LANES

        def idx_copies(k, p):
            kb = k * CHUNK
            a = pltpu.make_async_copy(
                src_hbm.at[pl.ds(kb, CHUNK)], src_v.at[p], isem)
            b = pltpu.make_async_copy(
                dst_hbm.at[pl.ds(h * E + kb, CHUNK)], dst_v.at[p], isem)
            return a, b

        def gather_copy(p, m, mp):
            return pltpu.make_async_copy(
                x_hbm.at[src_v.at[p, pl.ds(m * SUB, SUB)]], rows_v.at[mp],
                gsem)

        qoff = jnp.full((LANES,), q * N_NODES, jnp.int32)

        def offs(b):
            def body(i, carry2):
                src_v[b, pl.ds(i * LANES, LANES)] = (
                    src_v[b, pl.ds(i * LANES, LANES)] + qoff)
                return carry2

            lax.fori_loop(0, CHUNK // LANES, body, 0)

        def gather_sub(n):
            b = lax.rem(lax.div(n, NSUB), 3)
            m = lax.rem(n, NSUB)
            return gather_copy(b, m, lax.rem(n, RING))

        for cp in idx_copies(0, 0):
            cp.start()

        def zero(r, carry):
            acc_v[r, :] = jnp.zeros((LANES,), jnp.float32)
            return carry

        lax.fori_loop(0, ACC_R, zero, 0)

        for cp in idx_copies(0, 0):
            cp.wait()
        offs(0)
        for cp in idx_copies(1, 1):
            cp.start()
        for nn in range(LOOK):
            gather_sub(jnp.int32(nn)).start()

        def sub_chunk(n, carry):
            k = lax.div(n, NSUB)
            m = lax.rem(n, NSUB)

            @pl.when((m == 0) & (k < NCHUNK - 1))
            def _stage_next():
                for cp in idx_copies(k + 1, lax.rem(k + 1, 3)):
                    cp.wait()
                offs(lax.rem(k + 1, 3))

                @pl.when(k < NCHUNK - 2)
                def _stage_next2():
                    for cp in idx_copies(k + 2, lax.rem(k + 2, 3)):
                        cp.start()

            mp = lax.rem(n, RING)
            gather_sub(n).wait()

            @pl.when(n < NSUBG - LOOK)
            def _prefetch_rows():
                gather_sub(n + LOOK).start()

            kb = lax.rem(k, 3)
            mb = m * SUB
            for g in range(SUB // LANES):
                dvec = dst_v[kb, pl.ds(mb + g * LANES, LANES)]
                rows = [rows_v[mp, g * LANES + l, :] for l in range(LANES)]
                for l in range(LANES):
                    d0 = dvec[l]
                    plsc.addupdate(acc_v.at[d0], rows[l])
            return carry

        lax.fori_loop(0, NSUBG, sub_chunk, 0)

        pltpu.sync_copy(
            acc_v.at[pl.ds(0, HALF)],
            out_hbm.at[pl.ds(h * HALF, HALF), pl.ds(qc, LANES)])

    return agg(x, src_f, dst_f)


def _tc_finish(a):
    blk = 1000

    def body(a_ref, o_ref):
        v = jnp.maximum(a_ref[...], 0.0)
        n = jnp.sqrt(jnp.sum(v * v, axis=1, keepdims=True))
        o_ref[...] = v / jnp.maximum(n, 1e-12)

    return pl.pallas_call(
        body,
        grid=(N_NODES // blk,),
        in_specs=[pl.BlockSpec((blk, D), lambda i: (i, 0))],
        out_specs=pl.BlockSpec((blk, D), lambda i: (i, 0)),
        out_shape=jax.ShapeDtypeStruct((N_NODES, D), jnp.float32),
    )(a)


def kernel(x, edge):
    src = edge[0].astype(jnp.int32)
    dst = edge[2].astype(jnp.int32)

    locs = []
    for h in range(NC):
        l = dst - h * HALF
        locs.append(jnp.where((l >= 0) & (l < HALF), l, HALF))
    dst_f = jnp.concatenate(locs, axis=0)

    xf = x.reshape(N_NODES, NS, LANES).transpose(1, 0, 2).reshape(
        NS * N_NODES, LANES)

    agg = _sc_aggregate(xf, src, dst_f)
    return _tc_finish(agg)

# --- scband reference (transcript-rebuilt; emitter-appended) ---
"""Pipeline reference for scband-gcn-layer-66022237274401 (READ-ONLY COPY).

The authoritative reference and input builder live on the scoring server;
editing this copy changes nothing except your own understanding.
"""

import jax, jax.numpy as jnp
import numpy as np

N_NODES = 10000
N_EDGES = 160000
D_FEAT = 256


def setup_inputs(seed: int = 0) -> dict:
    key = jax.random.key(seed)
    kx, ke = jax.random.split(key)
    x = jax.random.normal(kx, (N_NODES, D_FEAT), dtype=jnp.float32)
    edge = jax.random.randint(ke, (3, N_EDGES), 0, N_NODES, dtype=jnp.int64)
    return {"x": x, "edge": edge}


def reference(x, edge):
    n = x.shape[0]
    edge_j = edge[0]
    edge_i = edge[2]
    # degree of each destination node via scatter-add of ones
    weight = jnp.ones((edge_i.shape[0],), dtype=x.dtype)
    deg = jnp.zeros((n,), dtype=x.dtype).at[edge_i].add(weight)
    # per-edge weight 1/deg[dst]
    w = 1.0 / deg[edge_i]
    # sparse matmul: out[i] = sum_{e: dst==i} w_e * x[src_e]
    msgs = w[:, None] * jnp.take(x, edge_j, axis=0)
    out = jax.ops.segment_sum(msgs, edge_i, num_segments=n)
    # relu then L2 row-normalize (torch F.normalize: x / max(||x||_2, 1e-12))
    out = jax.nn.relu(out)
    norm = jnp.sqrt(jnp.sum(out * out, axis=1, keepdims=True))
    out = out / jnp.maximum(norm, 1e-12)
    return out

if __name__ == "__main__":
    import jax
    _d = setup_inputs()
    print(jax.jit(kernel)(*tuple(_d.values())))

</pallas_src>

<mosaic_0001>
#map = affine_map<(d0, d1) -> (0, 0)>
#map1 = affine_map<(d0, d1) -> (0)>
module attributes {stable_mosaic.version = 14 : i64} {
  func.func @agg(%arg0: i32, %arg1: i32, %arg2: memref<160000x16xf32, #tpu.memory_space<hbm>>, %arg3: memref<160000xi32, #tpu.memory_space<hbm>>, %arg4: memref<320000xi32, #tpu.memory_space<hbm>>, %arg5: memref<10000x256xf32, #tpu.memory_space<hbm>>, %arg6: memref<3x1280xi32, #tpu.memory_space<vmem>>, %arg7: memref<3x1280xi32, #tpu.memory_space<vmem>>, %arg8: memref<12x128x16xf32, #tpu.memory_space<vmem>>, %arg9: memref<5008x16xf32, #tpu.memory_space<vmem>>, %arg10: memref<!tpu.dma_semaphore, #tpu.memory_space<semaphore_mem>>, %arg11: memref<!tpu.dma_semaphore, #tpu.memory_space<semaphore_mem>>) attributes {dimension_semantics = [#tpu.dimension_semantics<core_parallel>, #tpu.dimension_semantics<subcore_parallel>], iteration_bounds = array<i64: 2, 16>, scalar_prefetch = 0 : i64, scratch_operands = 6 : i64, tpu.core_type = #tpu.core_type<sc_vector_subcore>, window_params = [{transform_indices = #map}, {transform_indices = #map1}, {transform_indices = #map1}, {transform_indices = #map}]} {
    %mul3A = arith.constant 16 : i32
    %mul3A_0 = arith.muli %arg1, %mul3A : i32
    %mul3A_1 = arith.constant 10000 : i32
    %mul3A_2 = arith.muli %arg1, %mul3A_1 : i32
    %broadcast_in_dim3A = vector.broadcast %mul3A_2 : i32 to vector<16xi32>
    %mul3A_3 = arith.constant 160000 : i32
    %mul3A_4 = arith.muli %arg0, %mul3A_3 : i32
    %add3A = arith.constant 0 : i32
    %add3A_5 = arith.addi %mul3A_4, %add3A : i32
    %dma_start3A = arith.constant 0 : i32
    %dma_start3A_6 = arith.constant 0 : i32
    %dma_start3A_7 = tpu.memref_slice %arg6[%dma_start3A, %dma_start3A_6] : memref<3x1280xi32, #tpu.memory_space<vmem>> -> memref<1x1280xi32, #tpu.memory_space<vmem>>
    %dma_start3A_8 = tpu.memref_squeeze %dma_start3A_7 : memref<1x1280xi32, #tpu.memory_space<vmem>> -> memref<1280xi32, #tpu.memory_space<vmem>>
    %dma_start3A_9 = arith.constant 0 : i32
    %dma_start3A_10 = tpu.memref_slice %arg3[%dma_start3A_9] : memref<160000xi32, #tpu.memory_space<hbm>> -> memref<1280xi32, #tpu.memory_space<hbm>>
    %dma_start3A_11 = arith.constant 0 : i32
    %dma_start3A_12 = tpu.memref_slice %arg6[%dma_start3A, %dma_start3A_11] : memref<3x1280xi32, #tpu.memory_space<vmem>> -> memref<1x1280xi32, #tpu.memory_space<vmem>>
    %dma_start3A_13 = tpu.memref_squeeze %dma_start3A_12 : memref<1x1280xi32, #tpu.memory_space<vmem>> -> memref<1280xi32, #tpu.memory_space<vmem>>
    %dma_start3A_14 = arith.constant 0 : i32
    %dma_start3A_15 = tpu.memref_slice %arg3[%dma_start3A_14] : memref<160000xi32, #tpu.memory_space<hbm>> -> memref<1280xi32, #tpu.memory_space<hbm>>
    tpu.enqueue_dma source(%dma_start3A_15 : memref<1280xi32, #tpu.memory_space<hbm>>) target(%dma_start3A_13 : memref<1280xi32, #tpu.memory_space<vmem>>) target_semaphore(%arg10 : memref<!tpu.dma_semaphore, #tpu.memory_space<semaphore_mem>>)
    %dma_start3A_16 = arith.constant 0 : i32
    %dma_start3A_17 = arith.constant 0 : i32
    %dma_start3A_18 = tpu.memref_slice %arg7[%dma_start3A_16, %dma_start3A_17] : memref<3x1280xi32, #tpu.memory_space<vmem>> -> memref<1x1280xi32, #tpu.memory_space<vmem>>
    %dma_start3A_19 = tpu.memref_squeeze %dma_start3A_18 : memref<1x1280xi32, #tpu.memory_space<vmem>> -> memref<1280xi32, #tpu.memory_space<vmem>>
    %dma_start3A_20 = tpu.memref_slice %arg4[%add3A_5] : memref<320000xi32, #tpu.memory_space<hbm>> -> memref<1280xi32, #tpu.memory_space<hbm>>
    %dma_start3A_21 = arith.constant 0 : i32
    %dma_start3A_22 = tpu.memref_slice %arg7[%dma_start3A_16, %dma_start3A_21] : memref<3x1280xi32, #tpu.memory_space<vmem>> -> memref<1x1280xi32, #tpu.memory_space<vmem>>
    %dma_start3A_23 = tpu.memref_squeeze %dma_start3A_22 : memref<1x1280xi32, #tpu.memory_space<vmem>> -> memref<1280xi32, #tpu.memory_space<vmem>>
    %dma_start3A_24 = tpu.memref_slice %arg4[%add3A_5] : memref<320000xi32, #tpu.memory_space<hbm>> -> memref<1280xi32, #tpu.memory_space<hbm>>
    tpu.enqueue_dma source(%dma_start3A_24 : memref<1280xi32, #tpu.memory_space<hbm>>) target(%dma_start3A_23 : memref<1280xi32, #tpu.memory_space<vmem>>) target_semaphore(%arg10 : memref<!tpu.dma_semaphore, #tpu.memory_space<semaphore_mem>>)
    %scan3A = arith.constant 0 : i32
    %scan3A_25 = arith.constant 0 : i32
    %scan3A_26 = arith.constant 5008 : i32
    %scan3A_27 = arith.addi %scan3A_25, %scan3A_26 : i32
    %scan3A_28 = arith.constant 1 : i32
    scf.for %scan3A_309 = %scan3A_25 to %scan3A_27 step %scan3A_28  : i32 {
      %broadcast_in_dim3A_310 = arith.constant 0.000000e+00 : f32
      %broadcast_in_dim3A_311 = vector.broadcast %broadcast_in_dim3A_310 : f32 to vector<16xf32>
      %swap3A = arith.index_cast %scan3A_309 : i32 to index
      %swap3A_312 = arith.constant 0 : index
      %swap3A_313 = tpu.vector_load %arg9[%swap3A, %swap3A_312] {strides = array<i32>} : memref<5008x16xf32, #tpu.memory_space<vmem>>, vector<1x16xf32>,
      %swap3A_314 = vector.shape_cast %swap3A_313 : vector<1x16xf32> to vector<16xf32>
      %swap3A_315 = vector.shape_cast %broadcast_in_dim3A_311 : vector<16xf32> to vector<1x16xf32>
      tpu.vector_store %arg9[%swap3A, %swap3A_312], %swap3A_315 {strides = array<i32>} : memref<5008x16xf32, #tpu.memory_space<vmem>>, vector<1x16xf32>,
    }
    %scan3A_29 = arith.constant 5008 : i32
    %mul3A_30 = arith.constant 160000 : i32
    %mul3A_31 = arith.muli %arg0, %mul3A_30 : i32
    %add3A_32 = arith.constant 0 : i32
    %add3A_33 = arith.addi %mul3A_31, %add3A_32 : i32
    %dma_wait3A = arith.constant 0 : i32
    %dma_wait3A_34 = arith.constant 0 : i32
    %dma_wait3A_35 = tpu.memref_slice %arg6[%dma_wait3A, %dma_wait3A_34] : memref<3x1280xi32, #tpu.memory_space<vmem>> -> memref<1x1280xi32, #tpu.memory_space<vmem>>
    %dma_wait3A_36 = tpu.memref_squeeze %dma_wait3A_35 : memref<1x1280xi32, #tpu.memory_space<vmem>> -> memref<1280xi32, #tpu.memory_space<vmem>>
    %dma_wait3A_37 = arith.constant 0 : i32
    %dma_wait3A_38 = tpu.memref_slice %arg3[%dma_wait3A_37] : memref<160000xi32, #tpu.memory_space<hbm>> -> memref<1280xi32, #tpu.memory_space<hbm>>
    %dma_wait3A_39 = arith.constant 0 : i32
    %dma_wait3A_40 = tpu.memref_slice %arg6[%dma_wait3A, %dma_wait3A_39] : memref<3x1280xi32, #tpu.memory_space<vmem>> -> memref<1x1280xi32, #tpu.memory_space<vmem>>
    %dma_wait3A_41 = tpu.memref_squeeze %dma_wait3A_40 : memref<1x1280xi32, #tpu.memory_space<vmem>> -> memref<1280xi32, #tpu.memory_space<vmem>>
    %dma_wait3A_42 = arith.constant 0 : i32
    %dma_wait3A_43 = tpu.memref_slice %arg3[%dma_wait3A_42] : memref<160000xi32, #tpu.memory_space<hbm>> -> memref<1280xi32, #tpu.memory_space<hbm>>
    tpu.wait_dma2 semaphore(%arg10 : memref<!tpu.dma_semaphore, #tpu.memory_space<semaphore_mem>>) src(%dma_wait3A_43 : memref<1280xi32, #tpu.memory_space<hbm>>) dst(%dma_wait3A_41 : memref<1280xi32, #tpu.memory_space<vmem>>)
    %dma_wait3A_44 = arith.constant 0 : i32
    %dma_wait3A_45 = arith.constant 0 : i32
    %dma_wait3A_46 = tpu.memref_slice %arg7[%dma_wait3A_44, %dma_wait3A_45] : memref<3x1280xi32, #tpu.memory_space<vmem>> -> memref<1x1280xi32, #tpu.memory_space<vmem>>
    %dma_wait3A_47 = tpu.memref_squeeze %dma_wait3A_46 : memref<1x1280xi32, #tpu.memory_space<vmem>> -> memref<1280xi32, #tpu.memory_space<vmem>>
    %dma_wait3A_48 = tpu.memref_slice %arg4[%add3A_33] : memref<320000xi32, #tpu.memory_space<hbm>> -> memref<1280xi32, #tpu.memory_space<hbm>>
    %dma_wait3A_49 = arith.constant 0 : i32
    %dma_wait3A_50 = tpu.memref_slice %arg7[%dma_wait3A_44, %dma_wait3A_49] : memref<3x1280xi32, #tpu.memory_space<vmem>> -> memref<1x1280xi32, #tpu.memory_space<vmem>>
    %dma_wait3A_51 = tpu.memref_squeeze %dma_wait3A_50 : memref<1x1280xi32, #tpu.memory_space<vmem>> -> memref<1280xi32, #tpu.memory_space<vmem>>
    %dma_wait3A_52 = tpu.memref_slice %arg4[%add3A_33] : memref<320000xi32, #tpu.memory_space<hbm>> -> memref<1280xi32, #tpu.memory_space<hbm>>
    tpu.wait_dma2 semaphore(%arg10 : memref<!tpu.dma_semaphore, #tpu.memory_space<semaphore_mem>>) src(%dma_wait3A_52 : memref<1280xi32, #tpu.memory_space<hbm>>) dst(%dma_wait3A_51 : memref<1280xi32, #tpu.memory_space<vmem>>)
    %scan3A_53 = arith.constant 0 : i32
    %scan3A_54 = arith.constant 0 : i32
    %scan3A_55 = arith.constant 80 : i32
    %scan3A_56 = arith.addi %scan3A_54, %scan3A_55 : i32
    %scan3A_57 = arith.constant 1 : i32
    scf.for %scan3A_309 = %scan3A_54 to %scan3A_56 step %scan3A_57  : i32 {
      %mul3A_310 = arith.constant 16 : i32
      %mul3A_311 = arith.muli %scan3A_309, %mul3A_310 : i32
      %get3A = arith.constant 0 : i32
      %get3A_312 = arith.index_cast %get3A : i32 to index
      %get3A_313 = arith.index_cast %mul3A_311 : i32 to index
      %get3A_314 = tpu.vector_load %arg6[%get3A_312, %get3A_313] {strides = array<i32>} : memref<3x1280xi32, #tpu.memory_space<vmem>>, vector<1x16xi32>,
      %get3A_315 = vector.shape_cast %get3A_314 : vector<1x16xi32> to vector<16xi32>
      %add3A_316 = arith.addi %get3A_315, %broadcast_in_dim3A : vector<16xi32>
      %mul3A_317 = arith.constant 16 : i32
      %mul3A_318 = arith.muli %scan3A_309, %mul3A_317 : i32
      %swap3A = arith.constant 0 : i32
      %swap3A_319 = arith.index_cast %swap3A : i32 to index
      %swap3A_320 = arith.index_cast %mul3A_318 : i32 to index
      %swap3A_321 = tpu.vector_load %arg6[%swap3A_319, %swap3A_320] {strides = array<i32>} : memref<3x1280xi32, #tpu.memory_space<vmem>>, vector<1x16xi32>,
      %swap3A_322 = vector.shape_cast %swap3A_321 : vector<1x16xi32> to vector<16xi32>
      %swap3A_323 = vector.shape_cast %add3A_316 : vector<16xi32> to vector<1x16xi32>
      tpu.vector_store %arg6[%swap3A_319, %swap3A_320], %swap3A_323 {strides = array<i32>} : memref<3x1280xi32, #tpu.memory_space<vmem>>, vector<1x16xi32>,
    }
    %scan3A_58 = arith.constant 80 : i32
    %mul3A_59 = arith.constant 160000 : i32
    %mul3A_60 = arith.muli %arg0, %mul3A_59 : i32
    %add3A_61 = arith.constant 1280 : i32
    %add3A_62 = arith.addi %mul3A_60, %add3A_61 : i32
    %dma_start3A_63 = arith.constant 1 : i32
    %dma_start3A_64 = arith.constant 0 : i32
    %dma_start3A_65 = tpu.memref_slice %arg6[%dma_start3A_63, %dma_start3A_64] : memref<3x1280xi32, #tpu.memory_space<vmem>> -> memref<1x1280xi32, #tpu.memory_space<vmem>>
    %dma_start3A_66 = tpu.memref_squeeze %dma_start3A_65 : memref<1x1280xi32, #tpu.memory_space<vmem>> -> memref<1280xi32, #tpu.memory_space<vmem>>
    %dma_start3A_67 = arith.constant 1280 : i32
    %dma_start3A_68 = tpu.memref_slice %arg3[%dma_start3A_67] : memref<160000xi32, #tpu.memory_space<hbm>> -> memref<1280xi32, #tpu.memory_space<hbm>>
    %dma_start3A_69 = arith.constant 0 : i32
    %dma_start3A_70 = tpu.memref_slice %arg6[%dma_start3A_63, %dma_start3A_69] : memref<3x1280xi32, #tpu.memory_space<vmem>> -> memref<1x1280xi32, #tpu.memory_space<vmem>>
    %dma_start3A_71 = tpu.memref_squeeze %dma_start3A_70 : memref<1x1280xi32, #tpu.memory_space<vmem>> -> memref<1280xi32, #tpu.memory_space<vmem>>
    %dma_start3A_72 = arith.constant 1280 : i32
    %dma_start3A_73 = tpu.memref_slice %arg3[%dma_start3A_72] : memref<160000xi32, #tpu.memory_space<hbm>> -> memref<1280xi32, #tpu.memory_space<hbm>>
    tpu.enqueue_dma source(%dma_start3A_73 : memref<1280xi32, #tpu.memory_space<hbm>>) target(%dma_start3A_71 : memref<1280xi32, #tpu.memory_space<vmem>>) target_semaphore(%arg10 : memref<!tpu.dma_semaphore, #tpu.memory_space<semaphore_mem>>)
    %dma_start3A_74 = arith.constant 1 : i32
    %dma_start3A_75 = arith.constant 0 : i32
    %dma_start3A_76 = tpu.memref_slice %arg7[%dma_start3A_74, %dma_start3A_75] : memref<3x1280xi32, #tpu.memory_space<vmem>> -> memref<1x1280xi32, #tpu.memory_space<vmem>>
    %dma_start3A_77 = tpu.memref_squeeze %dma_start3A_76 : memref<1x1280xi32, #tpu.memory_space<vmem>> -> memref<1280xi32, #tpu.memory_space<vmem>>
    %dma_start3A_78 = tpu.memref_slice %arg4[%add3A_62] : memref<320000xi32, #tpu.memory_space<hbm>> -> memref<1280xi32, #tpu.memory_space<hbm>>
    %dma_start3A_79 = arith.constant 0 : i32
    %dma_start3A_80 = tpu.memref_slice %arg7[%dma_start3A_74, %dma_start3A_79] : memref<3x1280xi32, #tpu.memory_space<vmem>> -> memref<1x1280xi32, #tpu.memory_space<vmem>>
    %dma_start3A_81 = tpu.memref_squeeze %dma_start3A_80 : memref<1x1280xi32, #tpu.memory_space<vmem>> -> memref<1280xi32, #tpu.memory_space<vmem>>
    %dma_start3A_82 = tpu.memref_slice %arg4[%add3A_62] : memref<320000xi32, #tpu.memory_space<hbm>> -> memref<1280xi32, #tpu.memory_space<hbm>>
    tpu.enqueue_dma source(%dma_start3A_82 : memref<1280xi32, #tpu.memory_space<hbm>>) target(%dma_start3A_81 : memref<1280xi32, #tpu.memory_space<vmem>>) target_semaphore(%arg10 : memref<!tpu.dma_semaphore, #tpu.memory_space<semaphore_mem>>)
    %div3A = arith.constant 0 : i32
    %div3A_83 = arith.constant 10 : i32
    %div3A_84 = arith.divsi %div3A, %div3A_83 : i32
    %rem3A = arith.constant 3 : i32
    %rem3A_85 = arith.remsi %div3A_84, %rem3A : i32
    %rem3A_86 = arith.constant 0 : i32
    %rem3A_87 = arith.constant 10 : i32
    %rem3A_88 = arith.remsi %rem3A_86, %rem3A_87 : i32
    %rem3A_89 = arith.constant 0 : i32
    %rem3A_90 = arith.constant 12 : i32
    %rem3A_91 = arith.remsi %rem3A_89, %rem3A_90 : i32
    %mul3A_92 = arith.constant 128 : i32
    %mul3A_93 = arith.muli %rem3A_88, %mul3A_92 : i32
    %dma_start3A_94 = arith.constant 0 : i32
    %dma_start3A_95 = arith.constant 0 : i32
    %dma_start3A_96 = tpu.memref_slice %arg8[%rem3A_91, %dma_start3A_94, %dma_start3A_95] : memref<12x128x16xf32, #tpu.memory_space<vmem>> -> memref<1x128x16xf32, #tpu.memory_space<vmem>>
    %dma_start3A_97 = tpu.memref_squeeze %dma_start3A_96 : memref<1x128x16xf32, #tpu.memory_space<vmem>> -> memref<128x16xf32, #tpu.memory_space<vmem>>
    %dma_start3A_98 = tpu.memref_slice %arg6[%rem3A_85, %mul3A_93] : memref<3x1280xi32, #tpu.memory_space<vmem>> -> memref<1x128xi32, #tpu.memory_space<vmem>>
    %dma_start3A_99 = tpu.memref_squeeze %dma_start3A_98 : memref<1x128xi32, #tpu.memory_space<vmem>> -> memref<128xi32, #tpu.memory_space<vmem>>
    %dma_start3A_100 = arith.constant 0 : i32
    %dma_start3A_101 = arith.constant 0 : i32
    %dma_start3A_102 = tpu.memref_slice %arg2[%dma_start3A_100, %dma_start3A_101] : memref<160000x16xf32, #tpu.memory_space<hbm>> -> memref<160000x16xf32, #tpu.memory_space<hbm>>
    tpu.enqueue_indirect_dma source(%dma_start3A_102 : memref<160000x16xf32, #tpu.memory_space<hbm>>) target(%dma_start3A_97 : memref<128x16xf32, #tpu.memory_space<vmem>>) offsets(%dma_start3A_99 : memref<128xi32, #tpu.memory_space<vmem>>) semaphore(%arg11 : memref<!tpu.dma_semaphore, #tpu.memory_space<semaphore_mem>>)
    %div3A_103 = arith.constant 1 : i32
    %div3A_104 = arith.constant 10 : i32
    %div3A_105 = arith.divsi %div3A_103, %div3A_104 : i32
    %rem3A_106 = arith.constant 3 : i32
    %rem3A_107 = arith.remsi %div3A_105, %rem3A_106 : i32
    %rem3A_108 = arith.constant 1 : i32
    %rem3A_109 = arith.constant 10 : i32
    %rem3A_110 = arith.remsi %rem3A_108, %rem3A_109 : i32
    %rem3A_111 = arith.constant 1 : i32
    %rem3A_112 = arith.constant 12 : i32
    %rem3A_113 = arith.remsi %rem3A_111, %rem3A_112 : i32
    %mul3A_114 = arith.constant 128 : i32
    %mul3A_115 = arith.muli %rem3A_110, %mul3A_114 : i32
    %dma_start3A_116 = arith.constant 0 : i32
    %dma_start3A_117 = arith.constant 0 : i32
    %dma_start3A_118 = tpu.memref_slice %arg8[%rem3A_113, %dma_start3A_116, %dma_start3A_117] : memref<12x128x16xf32, #tpu.memory_space<vmem>> -> memref<1x128x16xf32, #tpu.memory_space<vmem>>
    %dma_start3A_119 = tpu.memref_squeeze %dma_start3A_118 : memref<1x128x16xf32, #tpu.memory_space<vmem>> -> memref<128x16xf32, #tpu.memory_space<vmem>>
    %dma_start3A_120 = tpu.memref_slice %arg6[%rem3A_107, %mul3A_115] : memref<3x1280xi32, #tpu.memory_space<vmem>> -> memref<1x128xi32, #tpu.memory_space<vmem>>
    %dma_start3A_121 = tpu.memref_squeeze %dma_start3A_120 : memref<1x128xi32, #tpu.memory_space<vmem>> -> memref<128xi32, #tpu.memory_space<vmem>>
    %dma_start3A_122 = arith.constant 0 : i32
    %dma_start3A_123 = arith.constant 0 : i32
    %dma_start3A_124 = tpu.memref_slice %arg2[%dma_start3A_122, %dma_start3A_123] : memref<160000x16xf32, #tpu.memory_space<hbm>> -> memref<160000x16xf32, #tpu.memory_space<hbm>>
    tpu.enqueue_indirect_dma source(%dma_start3A_124 : memref<160000x16xf32, #tpu.memory_space<hbm>>) target(%dma_start3A_119 : memref<128x16xf32, #tpu.memory_space<vmem>>) offsets(%dma_start3A_121 : memref<128xi32, #tpu.memory_space<vmem>>) semaphore(%arg11 : memref<!tpu.dma_semaphore, #tpu.memory_space<semaphore_mem>>)
    %div3A_125 = arith.constant 2 : i32
    %div3A_126 = arith.constant 10 : i32
    %div3A_127 = arith.divsi %div3A_125, %div3A_126 : i32
    %rem3A_128 = arith.constant 3 : i32
    %rem3A_129 = arith.remsi %div3A_127, %rem3A_128 : i32
    %rem3A_130 = arith.constant 2 : i32
    %rem3A_131 = arith.constant 10 : i32
    %rem3A_132 = arith.remsi %rem3A_130, %rem3A_131 : i32
    %rem3A_133 = arith.constant 2 : i32
    %rem3A_134 = arith.constant 12 : i32
    %rem3A_135 = arith.remsi %rem3A_133, %rem3A_134 : i32
    %mul3A_136 = arith.constant 128 : i32
    %mul3A_137 = arith.muli %rem3A_132, %mul3A_136 : i32
    %dma_start3A_138 = arith.constant 0 : i32
    %dma_start3A_139 = arith.constant 0 : i32
    %dma_start3A_140 = tpu.memref_slice %arg8[%rem3A_135, %dma_start3A_138, %dma_start3A_139] : memref<12x128x16xf32, #tpu.memory_space<vmem>> -> memref<1x128x16xf32, #tpu.memory_space<vmem>>
    %dma_start3A_141 = tpu.memref_squeeze %dma_start3A_140 : memref<1x128x16xf32, #tpu.memory_space<vmem>> -> memref<128x16xf32, #tpu.memory_space<vmem>>
    %dma_start3A_142 = tpu.memref_slice %arg6[%rem3A_129, %mul3A_137] : memref<3x1280xi32, #tpu.memory_space<vmem>> -> memref<1x128xi32, #tpu.memory_space<vmem>>
    %dma_start3A_143 = tpu.memref_squeeze %dma_start3A_142 : memref<1x128xi32, #tpu.memory_space<vmem>> -> memref<128xi32, #tpu.memory_space<vmem>>
    %dma_start3A_144 = arith.constant 0 : i32
    %dma_start3A_145 = arith.constant 0 : i32
    %dma_start3A_146 = tpu.memref_slice %arg2[%dma_start3A_144, %dma_start3A_145] : memref<160000x16xf32, #tpu.memory_space<hbm>> -> memref<160000x16xf32, #tpu.memory_space<hbm>>
    tpu.enqueue_indirect_dma source(%dma_start3A_146 : memref<160000x16xf32, #tpu.memory_space<hbm>>) target(%dma_start3A_141 : memref<128x16xf32, #tpu.memory_space<vmem>>) offsets(%dma_start3A_143 : memref<128xi32, #tpu.memory_space<vmem>>) semaphore(%arg11 : memref<!tpu.dma_semaphore, #tpu.memory_space<semaphore_mem>>)
    %div3A_147 = arith.constant 3 : i32
    %div3A_148 = arith.constant 10 : i32
    %div3A_149 = arith.divsi %div3A_147, %div3A_148 : i32
    %rem3A_150 = arith.constant 3 : i32
    %rem3A_151 = arith.remsi %div3A_149, %rem3A_150 : i32
    %rem3A_152 = arith.constant 3 : i32
    %rem3A_153 = arith.constant 10 : i32
    %rem3A_154 = arith.remsi %rem3A_152, %rem3A_153 : i32
    %rem3A_155 = arith.constant 3 : i32
    %rem3A_156 = arith.constant 12 : i32
    %rem3A_157 = arith.remsi %rem3A_155, %rem3A_156 : i32
    %mul3A_158 = arith.constant 128 : i32
    %mul3A_159 = arith.muli %rem3A_154, %mul3A_158 : i32
    %dma_start3A_160 = arith.constant 0 : i32
    %dma_start3A_161 = arith.constant 0 : i32
    %dma_start3A_162 = tpu.memref_slice %arg8[%rem3A_157, %dma_start3A_160, %dma_start3A_161] : memref<12x128x16xf32, #tpu.memory_space<vmem>> -> memref<1x128x16xf32, #tpu.memory_space<vmem>>
    %dma_start3A_163 = tpu.memref_squeeze %dma_start3A_162 : memref<1x128x16xf32, #tpu.memory_space<vmem>> -> memref<128x16xf32, #tpu.memory_space<vmem>>
    %dma_start3A_164 = tpu.memref_slice %arg6[%rem3A_151, %mul3A_159] : memref<3x1280xi32, #tpu.memory_space<vmem>> -> memref<1x128xi32, #tpu.memory_space<vmem>>
    %dma_start3A_165 = tpu.memref_squeeze %dma_start3A_164 : memref<1x128xi32, #tpu.memory_space<vmem>> -> memref<128xi32, #tpu.memory_space<vmem>>
    %dma_start3A_166 = arith.constant 0 : i32
    %dma_start3A_167 = arith.constant 0 : i32
    %dma_start3A_168 = tpu.memref_slice %arg2[%dma_start3A_166, %dma_start3A_167] : memref<160000x16xf32, #tpu.memory_space<hbm>> -> memref<160000x16xf32, #tpu.memory_space<hbm>>
    tpu.enqueue_indirect_dma source(%dma_start3A_168 : memref<160000x16xf32, #tpu.memory_space<hbm>>) target(%dma_start3A_163 : memref<128x16xf32, #tpu.memory_space<vmem>>) offsets(%dma_start3A_165 : memref<128xi32, #tpu.memory_space<vmem>>) semaphore(%arg11 : memref<!tpu.dma_semaphore, #tpu.memory_space<semaphore_mem>>)
    %div3A_169 = arith.constant 4 : i32
    %div3A_170 = arith.constant 10 : i32
    %div3A_171 = arith.divsi %div3A_169, %div3A_170 : i32
    %rem3A_172 = arith.constant 3 : i32
    %rem3A_173 = arith.remsi %div3A_171, %rem3A_172 : i32
    %rem3A_174 = arith.constant 4 : i32
    %rem3A_175 = arith.constant 10 : i32
    %rem3A_176 = arith.remsi %rem3A_174, %rem3A_175 : i32
    %rem3A_177 = arith.constant 4 : i32
    %rem3A_178 = arith.constant 12 : i32
    %rem3A_179 = arith.remsi %rem3A_177, %rem3A_178 : i32
    %mul3A_180 = arith.constant 128 : i32
    %mul3A_181 = arith.muli %rem3A_176, %mul3A_180 : i32
    %dma_start3A_182 = arith.constant 0 : i32
    %dma_start3A_183 = arith.constant 0 : i32
    %dma_start3A_184 = tpu.memref_slice %arg8[%rem3A_179, %dma_start3A_182, %dma_start3A_183] : memref<12x128x16xf32, #tpu.memory_space<vmem>> -> memref<1x128x16xf32, #tpu.memory_space<vmem>>
    %dma_start3A_185 = tpu.memref_squeeze %dma_start3A_184 : memref<1x128x16xf32, #tpu.memory_space<vmem>> -> memref<128x16xf32, #tpu.memory_space<vmem>>
    %dma_start3A_186 = tpu.memref_slice %arg6[%rem3A_173, %mul3A_181] : memref<3x1280xi32, #tpu.memory_space<vmem>> -> memref<1x128xi32, #tpu.memory_space<vmem>>
    %dma_start3A_187 = tpu.memref_squeeze %dma_start3A_186 : memref<1x128xi32, #tpu.memory_space<vmem>> -> memref<128xi32, #tpu.memory_space<vmem>>
    %dma_start3A_188 = arith.constant 0 : i32
    %dma_start3A_189 = arith.constant 0 : i32
    %dma_start3A_190 = tpu.memref_slice %arg2[%dma_start3A_188, %dma_start3A_189] : memref<160000x16xf32, #tpu.memory_space<hbm>> -> memref<160000x16xf32, #tpu.memory_space<hbm>>
    tpu.enqueue_indirect_dma source(%dma_start3A_190 : memref<160000x16xf32, #tpu.memory_space<hbm>>) target(%dma_start3A_185 : memref<128x16xf32, #tpu.memory_space<vmem>>) offsets(%dma_start3A_187 : memref<128xi32, #tpu.memory_space<vmem>>) semaphore(%arg11 : memref<!tpu.dma_semaphore, #tpu.memory_space<semaphore_mem>>)
    %div3A_191 = arith.constant 5 : i32
    %div3A_192 = arith.constant 10 : i32
    %div3A_193 = arith.divsi %div3A_191, %div3A_192 : i32
    %rem3A_194 = arith.constant 3 : i32
    %rem3A_195 = arith.remsi %div3A_193, %rem3A_194 : i32
    %rem3A_196 = arith.constant 5 : i32
    %rem3A_197 = arith.constant 10 : i32
    %rem3A_198 = arith.remsi %rem3A_196, %rem3A_197 : i32
    %rem3A_199 = arith.constant 5 : i32
    %rem3A_200 = arith.constant 12 : i32
    %rem3A_201 = arith.remsi %rem3A_199, %rem3A_200 : i32
    %mul3A_202 = arith.constant 128 : i32
    %mul3A_203 = arith.muli %rem3A_198, %mul3A_202 : i32
    %dma_start3A_204 = arith.constant 0 : i32
    %dma_start3A_205 = arith.constant 0 : i32
    %dma_start3A_206 = tpu.memref_slice %arg8[%rem3A_201, %dma_start3A_204, %dma_start3A_205] : memref<12x128x16xf32, #tpu.memory_space<vmem>> -> memref<1x128x16xf32, #tpu.memory_space<vmem>>
    %dma_start3A_207 = tpu.memref_squeeze %dma_start3A_206 : memref<1x128x16xf32, #tpu.memory_space<vmem>> -> memref<128x16xf32, #tpu.memory_space<vmem>>
    %dma_start3A_208 = tpu.memref_slice %arg6[%rem3A_195, %mul3A_203] : memref<3x1280xi32, #tpu.memory_space<vmem>> -> memref<1x128xi32, #tpu.memory_space<vmem>>
    %dma_start3A_209 = tpu.memref_squeeze %dma_start3A_208 : memref<1x128xi32, #tpu.memory_space<vmem>> -> memref<128xi32, #tpu.memory_space<vmem>>
    %dma_start3A_210 = arith.constant 0 : i32
    %dma_start3A_211 = arith.constant 0 : i32
    %dma_start3A_212 = tpu.memref_slice %arg2[%dma_start3A_210, %dma_start3A_211] : memref<160000x16xf32, #tpu.memory_space<hbm>> -> memref<160000x16xf32, #tpu.memory_space<hbm>>
    tpu.enqueue_indirect_dma source(%dma_start3A_212 : memref<160000x16xf32, #tpu.memory_space<hbm>>) target(%dma_start3A_207 : memref<128x16xf32, #tpu.memory_space<vmem>>) offsets(%dma_start3A_209 : memref<128xi32, #tpu.memory_space<vmem>>) semaphore(%arg11 : memref<!tpu.dma_semaphore, #tpu.memory_space<semaphore_mem>>)
    %div3A_213 = arith.constant 6 : i32
    %div3A_214 = arith.constant 10 : i32
    %div3A_215 = arith.divsi %div3A_213, %div3A_214 : i32
    %rem3A_216 = arith.constant 3 : i32
    %rem3A_217 = arith.remsi %div3A_215, %rem3A_216 : i32
    %rem3A_218 = arith.constant 6 : i32
    %rem3A_219 = arith.constant 10 : i32
    %rem3A_220 = arith.remsi %rem3A_218, %rem3A_219 : i32
    %rem3A_221 = arith.constant 6 : i32
    %rem3A_222 = arith.constant 12 : i32
    %rem3A_223 = arith.remsi %rem3A_221, %rem3A_222 : i32
    %mul3A_224 = arith.constant 128 : i32
    %mul3A_225 = arith.muli %rem3A_220, %mul3A_224 : i32
    %dma_start3A_226 = arith.constant 0 : i32
    %dma_start3A_227 = arith.constant 0 : i32
    %dma_start3A_228 = tpu.memref_slice %arg8[%rem3A_223, %dma_start3A_226, %dma_start3A_227] : memref<12x128x16xf32, #tpu.memory_space<vmem>> -> memref<1x128x16xf32, #tpu.memory_space<vmem>>
    %dma_start3A_229 = tpu.memref_squeeze %dma_start3A_228 : memref<1x128x16xf32, #tpu.memory_space<vmem>> -> memref<128x16xf32, #tpu.memory_space<vmem>>
    %dma_start3A_230 = tpu.memref_slice %arg6[%rem3A_217, %mul3A_225] : memref<3x1280xi32, #tpu.memory_space<vmem>> -> memref<1x128xi32, #tpu.memory_space<vmem>>
    %dma_start3A_231 = tpu.memref_squeeze %dma_start3A_230 : memref<1x128xi32, #tpu.memory_space<vmem>> -> memref<128xi32, #tpu.memory_space<vmem>>
    %dma_start3A_232 = arith.constant 0 : i32
    %dma_start3A_233 = arith.constant 0 : i32
    %dma_start3A_234 = tpu.memref_slice %arg2[%dma_start3A_232, %dma_start3A_233] : memref<160000x16xf32, #tpu.memory_space<hbm>> -> memref<160000x16xf32, #tpu.memory_space<hbm>>
    tpu.enqueue_indirect_dma source(%dma_start3A_234 : memref<160000x16xf32, #tpu.memory_space<hbm>>) target(%dma_start3A_229 : memref<128x16xf32, #tpu.memory_space<vmem>>) offsets(%dma_start3A_231 : memref<128xi32, #tpu.memory_space<vmem>>) semaphore(%arg11 : memref<!tpu.dma_semaphore, #tpu.memory_space<semaphore_mem>>)
    %div3A_235 = arith.constant 7 : i32
    %div3A_236 = arith.constant 10 : i32
    %div3A_237 = arith.divsi %div3A_235, %div3A_236 : i32
    %rem3A_238 = arith.constant 3 : i32
    %rem3A_239 = arith.remsi %div3A_237, %rem3A_238 : i32
    %rem3A_240 = arith.constant 7 : i32
    %rem3A_241 = arith.constant 10 : i32
    %rem3A_242 = arith.remsi %rem3A_240, %rem3A_241 : i32
    %rem3A_243 = arith.constant 7 : i32
    %rem3A_244 = arith.constant 12 : i32
    %rem3A_245 = arith.remsi %rem3A_243, %rem3A_244 : i32
    %mul3A_246 = arith.constant 128 : i32
    %mul3A_247 = arith.muli %rem3A_242, %mul3A_246 : i32
    %dma_start3A_248 = arith.constant 0 : i32
    %dma_start3A_249 = arith.constant 0 : i32
    %dma_start3A_250 = tpu.memref_slice %arg8[%rem3A_245, %dma_start3A_248, %dma_start3A_249] : memref<12x128x16xf32, #tpu.memory_space<vmem>> -> memref<1x128x16xf32, #tpu.memory_space<vmem>>
    %dma_start3A_251 = tpu.memref_squeeze %dma_start3A_250 : memref<1x128x16xf32, #tpu.memory_space<vmem>> -> memref<128x16xf32, #tpu.memory_space<vmem>>
    %dma_start3A_252 = tpu.memref_slice %arg6[%rem3A_239, %mul3A_247] : memref<3x1280xi32, #tpu.memory_space<vmem>> -> memref<1x128xi32, #tpu.memory_space<vmem>>
    %dma_start3A_253 = tpu.memref_squeeze %dma_start3A_252 : memref<1x128xi32, #tpu.memory_space<vmem>> -> memref<128xi32, #tpu.memory_space<vmem>>
    %dma_start3A_254 = arith.constant 0 : i32
    %dma_start3A_255 = arith.constant 0 : i32
    %dma_start3A_256 = tpu.memref_slice %arg2[%dma_start3A_254, %dma_start3A_255] : memref<160000x16xf32, #tpu.memory_space<hbm>> -> memref<160000x16xf32, #tpu.memory_space<hbm>>
    tpu.enqueue_indirect_dma source(%dma_start3A_256 : memref<160000x16xf32, #tpu.memory_space<hbm>>) target(%dma_start3A_251 : memref<128x16xf32, #tpu.memory_space<vmem>>) offsets(%dma_start3A_253 : memref<128xi32, #tpu.memory_space<vmem>>) semaphore(%arg11 : memref<!tpu.dma_semaphore, #tpu.memory_space<semaphore_mem>>)
    %div3A_257 = arith.constant 8 : i32
    %div3A_258 = arith.constant 10 : i32
    %div3A_259 = arith.divsi %div3A_257, %div3A_258 : i32
    %rem3A_260 = arith.constant 3 : i32
    %rem3A_261 = arith.remsi %div3A_259, %rem3A_260 : i32
    %rem3A_262 = arith.constant 8 : i32
    %rem3A_263 = arith.constant 10 : i32
    %rem3A_264 = arith.remsi %rem3A_262, %rem3A_263 : i32
    %rem3A_265 = arith.constant 8 : i32
    %rem3A_266 = arith.constant 12 : i32
    %rem3A_267 = arith.remsi %rem3A_265, %rem3A_266 : i32
    %mul3A_268 = arith.constant 128 : i32
    %mul3A_269 = arith.muli %rem3A_264, %mul3A_268 : i32
    %dma_start3A_270 = arith.constant 0 : i32
    %dma_start3A_271 = arith.constant 0 : i32
    %dma_start3A_272 = tpu.memref_slice %arg8[%rem3A_267, %dma_start3A_270, %dma_start3A_271] : memref<12x128x16xf32, #tpu.memory_space<vmem>> -> memref<1x128x16xf32, #tpu.memory_space<vmem>>
    %dma_start3A_273 = tpu.memref_squeeze %dma_start3A_272 : memref<1x128x16xf32, #tpu.memory_space<vmem>> -> memref<128x16xf32, #tpu.memory_space<vmem>>
    %dma_start3A_274 = tpu.memref_slice %arg6[%rem3A_261, %mul3A_269] : memref<3x1280xi32, #tpu.memory_space<vmem>> -> memref<1x128xi32, #tpu.memory_space<vmem>>
    %dma_start3A_275 = tpu.memref_squeeze %dma_start3A_274 : memref<1x128xi32, #tpu.memory_space<vmem>> -> memref<128xi32, #tpu.memory_space<vmem>>
    %dma_start3A_276 = arith.constant 0 : i32
    %dma_start3A_277 = arith.constant 0 : i32
    %dma_start3A_278 = tpu.memref_slice %arg2[%dma_start3A_276, %dma_start3A_277] : memref<160000x16xf32, #tpu.memory_space<hbm>> -> memref<160000x16xf32, #tpu.memory_space<hbm>>
    tpu.enqueue_indirect_dma source(%dma_start3A_278 : memref<160000x16xf32, #tpu.memory_space<hbm>>) target(%dma_start3A_273 : memref<128x16xf32, #tpu.memory_space<vmem>>) offsets(%dma_start3A_275 : memref<128xi32, #tpu.memory_space<vmem>>) semaphore(%arg11 : memref<!tpu.dma_semaphore, #tpu.memory_space<semaphore_mem>>)
    %div3A_279 = arith.constant 9 : i32
    %div3A_280 = arith.constant 10 : i32
    %div3A_281 = arith.divsi %div3A_279, %div3A_280 : i32
    %rem3A_282 = arith.constant 3 : i32
    %rem3A_283 = arith.remsi %div3A_281, %rem3A_282 : i32
    %rem3A_284 = arith.constant 9 : i32
    %rem3A_285 = arith.constant 10 : i32
    %rem3A_286 = arith.remsi %rem3A_284, %rem3A_285 : i32
    %rem3A_287 = arith.constant 9 : i32
    %rem3A_288 = arith.constant 12 : i32
    %rem3A_289 = arith.remsi %rem3A_287, %rem3A_288 : i32
    %mul3A_290 = arith.constant 128 : i32
    %mul3A_291 = arith.muli %rem3A_286, %mul3A_290 : i32
    %dma_start3A_292 = arith.constant 0 : i32
    %dma_start3A_293 = arith.constant 0 : i32
    %dma_start3A_294 = tpu.memref_slice %arg8[%rem3A_289, %dma_start3A_292, %dma_start3A_293] : memref<12x128x16xf32, #tpu.memory_space<vmem>> -> memref<1x128x16xf32, #tpu.memory_space<vmem>>
    %dma_start3A_295 = tpu.memref_squeeze %dma_start3A_294 : memref<1x128x16xf32, #tpu.memory_space<vmem>> -> memref<128x16xf32, #tpu.memory_space<vmem>>
    %dma_start3A_296 = tpu.memref_slice %arg6[%rem3A_283, %mul3A_291] : memref<3x1280xi32, #tpu.memory_space<vmem>> -> memref<1x128xi32, #tpu.memory_space<vmem>>
    %dma_start3A_297 = tpu.memref_squeeze %dma_start3A_296 : memref<1x128xi32, #tpu.memory_space<vmem>> -> memref<128xi32, #tpu.memory_space<vmem>>
    %dma_start3A_298 = arith.constant 0 : i32
    %dma_start3A_299 = arith.constant 0 : i32
    %dma_start3A_300 = tpu.memref_slice %arg2[%dma_start3A_298, %dma_start3A_299] : memref<160000x16xf32, #tpu.memory_space<hbm>> -> memref<160000x16xf32, #tpu.memory_space<hbm>>
    tpu.enqueue_indirect_dma source(%dma_start3A_300 : memref<160000x16xf32, #tpu.memory_space<hbm>>) target(%dma_start3A_295 : memref<128x16xf32, #tpu.memory_space<vmem>>) offsets(%dma_start3A_297 : memref<128xi32, #tpu.memory_space<vmem>>) semaphore(%arg11 : memref<!tpu.dma_semaphore, #tpu.memory_space<semaphore_mem>>)
    %scan3A_301 = arith.constant 0 : i32
    %scan3A_302 = arith.constant 0 : i32
    %scan3A_303 = arith.constant 1250 : i32
    %scan3A_304 = arith.addi %scan3A_302, %scan3A_303 : i32
    %scan3A_305 = arith.constant 1 : i32
    scf.for %scan3A_309 = %scan3A_302 to %scan3A_304 step %scan3A_305  : i32 {
      %div3A_310 = arith.constant 10 : i32
      %div3A_311 = arith.divsi %scan3A_309, %div3A_310 : i32
      %rem3A_312 = arith.constant 10 : i32
      %rem3A_313 = arith.remsi %scan3A_309, %rem3A_312 : i32
      %eq3A = arith.constant 0 : i32
      %eq3A_314 = arith.cmpi eq, %rem3A_313, %eq3A : i32
      %lt3A = arith.constant 124 : i32
      %lt3A_315 = arith.cmpi slt, %div3A_311, %lt3A : i32
      %and3A = arith.andi %eq3A_314, %lt3A_315 : i1
      %convert_element_type3A = arith.extui %and3A : i1 to i32
      %cond3A = arith.constant 0 : i32
      %cond3A_316 = arith.cmpi ne, %convert_element_type3A, %cond3A : i32
      scf.if %cond3A_316 {
        %add3A_2055 = arith.constant 1 : i32
        %add3A_2056 = arith.addi %div3A_311, %add3A_2055 : i32
        %add3A_2057 = arith.constant 1 : i32
        %add3A_2058 = arith.addi %div3A_311, %add3A_2057 : i32
        %rem3A_2059 = arith.constant 3 : i32
        %rem3A_2060 = arith.remsi %add3A_2058, %rem3A_2059 : i32
        %mul3A_2061 = arith.constant 1280 : i32
        %mul3A_2062 = arith.muli %add3A_2056, %mul3A_2061 : i32
        %mul3A_2063 = arith.constant 160000 : i32
        %mul3A_2064 = arith.muli %arg0, %mul3A_2063 : i32
        %add3A_2065 = arith.addi %mul3A_2064, %mul3A_2062 : i32
        %dma_wait3A_2066 = arith.constant 0 : i32
        %dma_wait3A_2067 = tpu.memref_slice %arg6[%rem3A_2060, %dma_wait3A_2066] : memref<3x1280xi32, #tpu.memory_space<vmem>> -> memref<1x1280xi32, #tpu.memory_space<vmem>>
        %dma_wait3A_2068 = tpu.memref_squeeze %dma_wait3A_2067 : memref<1x1280xi32, #tpu.memory_space<vmem>> -> memref<1280xi32, #tpu.memory_space<vmem>>
        %dma_wait3A_2069 = tpu.memref_slice %arg3[%mul3A_2062] : memref<160000xi32, #tpu.memory_space<hbm>> -> memref<1280xi32, #tpu.memory_space<hbm>>
        %dma_wait3A_2070 = arith.constant 0 : i32
        %dma_wait3A_2071 = tpu.memref_slice %arg6[%rem3A_2060, %dma_wait3A_2070] : memref<3x1280xi32, #tpu.memory_space<vmem>> -> memref<1x1280xi32, #tpu.memory_space<vmem>>
        %dma_wait3A_2072 = tpu.memref_squeeze %dma_wait3A_2071 : memref<1x1280xi32, #tpu.memory_space<vmem>> -> memref<1280xi32, #tpu.memory_space<vmem>>
        %dma_wait3A_2073 = tpu.memref_slice %arg3[%mul3A_2062] : memref<160000xi32, #tpu.memory_space<hbm>> -> memref<1280xi32, #tpu.memory_space<hbm>>
        tpu.wait_dma2 semaphore(%arg10 : memref<!tpu.dma_semaphore, #tpu.memory_space<semaphore_mem>>) src(%dma_wait3A_2073 : memref<1280xi32, #tpu.memory_space<hbm>>) dst(%dma_wait3A_2072 : memref<1280xi32, #tpu.memory_space<vmem>>)
        %dma_wait3A_2074 = arith.constant 0 : i32
        %dma_wait3A_2075 = tpu.memref_slice %arg7[%rem3A_2060, %dma_wait3A_2074] : memref<3x1280xi32, #tpu.memory_space<vmem>> -> memref<1x1280xi32, #tpu.memory_space<vmem>>
        %dma_wait3A_2076 = tpu.memref_squeeze %dma_wait3A_2075 : memref<1x1280xi32, #tpu.memory_space<vmem>> -> memref<1280xi32, #tpu.memory_space<vmem>>
        %dma_wait3A_2077 = tpu.memref_slice %arg4[%add3A_2065] : memref<320000xi32, #tpu.memory_space<hbm>> -> memref<1280xi32, #tpu.memory_space<hbm>>
        %dma_wait3A_2078 = arith.constant 0 : i32
        %dma_wait3A_2079 = tpu.memref_slice %arg7[%rem3A_2060, %dma_wait3A_2078] : memref<3x1280xi32, #tpu.memory_space<vmem>> -> memref<1x1280xi32, #tpu.memory_space<vmem>>
        %dma_wait3A_2080 = tpu.memref_squeeze %dma_wait3A_2079 : memref<1x1280xi32, #tpu.memory_space<vmem>> -> memref<1280xi32, #tpu.memory_space<vmem>>
        %dma_wait3A_2081 = tpu.memref_slice %arg4[%add3A_2065] : memref<320000xi32, #tpu.memory_space<hbm>> -> memref<1280xi32, #tpu.memory_space<hbm>>
        tpu.wait_dma2 semaphore(%arg10 : memref<!tpu.dma_semaphore, #tpu.memory_space<semaphore_mem>>) src(%dma_wait3A_2081 : memref<1280xi32, #tpu.memory_space<hbm>>) dst(%dma_wait3A_2080 : memref<1280xi32, #tpu.memory_space<vmem>>)
        %add3A_2082 = arith.constant 1 : i32
        %add3A_2083 = arith.addi %div3A_311, %add3A_2082 : i32
        %rem3A_2084 = arith.constant 3 : i32
        %rem3A_2085 = arith.remsi %add3A_2083, %rem3A_2084 : i32
        %scan3A_2086 = arith.constant 0 : i32
        %scan3A_2087 = arith.constant 0 : i32
        %scan3A_2088 = arith.constant 80 : i32
        %scan3A_2089 = arith.addi %scan3A_2087, %scan3A_2088 : i32
        %scan3A_2090 = arith.constant 1 : i32
        scf.for %scan3A_2097 = %scan3A_2087 to %scan3A_2089 step %scan3A_2090  : i32 {
          %mul3A_2098 = arith.constant 16 : i32
          %mul3A_2099 = arith.muli %scan3A_2097, %mul3A_2098 : i32
          %get3A_2100 = arith.index_cast %rem3A_2085 : i32 to index
          %get3A_2101 = arith.index_cast %mul3A_2099 : i32 to index
          %get3A_2102 = tpu.vector_load %arg6[%get3A_2100, %get3A_2101] {strides = array<i32>} : memref<3x1280xi32, #tpu.memory_space<vmem>>, vector<1x16xi32>,
          %get3A_2103 = vector.shape_cast %get3A_2102 : vector<1x16xi32> to vector<16xi32>
          %add3A_2104 = arith.addi %get3A_2103, %broadcast_in_dim3A : vector<16xi32>
          %mul3A_2105 = arith.constant 16 : i32
          %mul3A_2106 = arith.muli %scan3A_2097, %mul3A_2105 : i32
          %swap3A_2107 = arith.index_cast %rem3A_2085 : i32 to index
          %swap3A_2108 = arith.index_cast %mul3A_2106 : i32 to index
          %swap3A_2109 = tpu.vector_load %arg6[%swap3A_2107, %swap3A_2108] {strides = array<i32>} : memref<3x1280xi32, #tpu.memory_space<vmem>>, vector<1x16xi32>,
          %swap3A_2110 = vector.shape_cast %swap3A_2109 : vector<1x16xi32> to vector<16xi32>
          %swap3A_2111 = vector.shape_cast %add3A_2104 : vector<16xi32> to vector<1x16xi32>
          tpu.vector_store %arg6[%swap3A_2107, %swap3A_2108], %swap3A_2111 {strides = array<i32>} : memref<3x1280xi32, #tpu.memory_space<vmem>>, vector<1x16xi32>,
        }
        %scan3A_2091 = arith.constant 80 : i32
        %lt3A_2092 = arith.constant 123 : i32
        %lt3A_2093 = arith.cmpi slt, %div3A_311, %lt3A_2092 : i32
        %convert_element_type3A_2094 = arith.extui %lt3A_2093 : i1 to i32
        %cond3A_2095 = arith.constant 0 : i32
        %cond3A_2096 = arith.cmpi ne, %convert_element_type3A_2094, %cond3A_2095 : i32
        scf.if %cond3A_2096 {
          %add3A_2097 = arith.constant 2 : i32
          %add3A_2098 = arith.addi %div3A_311, %add3A_2097 : i32
          %add3A_2099 = arith.constant 2 : i32
          %add3A_2100 = arith.addi %div3A_311, %add3A_2099 : i32
          %rem3A_2101 = arith.constant 3 : i32
          %rem3A_2102 = arith.remsi %add3A_2100, %rem3A_2101 : i32
          %mul3A_2103 = arith.constant 1280 : i32
          %mul3A_2104 = arith.muli %add3A_2098, %mul3A_2103 : i32
          %mul3A_2105 = arith.constant 160000 : i32
          %mul3A_2106 = arith.muli %arg0, %mul3A_2105 : i32
          %add3A_2107 = arith.addi %mul3A_2106, %mul3A_2104 : i32
          %dma_start3A_2108 = arith.constant 0 : i32
          %dma_start3A_2109 = tpu.memref_slice %arg6[%rem3A_2102, %dma_start3A_2108] : memref<3x1280xi32, #tpu.memory_space<vmem>> -> memref<1x1280xi32, #tpu.memory_space<vmem>>
          %dma_start3A_2110 = tpu.memref_squeeze %dma_start3A_2109 : memref<1x1280xi32, #tpu.memory_space<vmem>> -> memref<1280xi32, #tpu.memory_space<vmem>>
          %dma_start3A_2111 = tpu.memref_slice %arg3[%mul3A_2104] : memref<160000xi32, #tpu.memory_space<hbm>> -> memref<1280xi32, #tpu.memory_space<hbm>>
          %dma_start3A_2112 = arith.constant 0 : i32
          %dma_start3A_2113 = tpu.memref_slice %arg6[%rem3A_2102, %dma_start3A_2112] : memref<3x1280xi32, #tpu.memory_space<vmem>> -> memref<1x1280xi32, #tpu.memory_space<vmem>>
          %dma_start3A_2114 = tpu.memref_squeeze %dma_start3A_2113 : memref<1x1280xi32, #tpu.memory_space<vmem>> -> memref<1280xi32, #tpu.memory_space<vmem>>
          %dma_start3A_2115 = tpu.memref_slice %arg3[%mul3A_2104] : memref<160000xi32, #tpu.memory_space<hbm>> -> memref<1280xi32, #tpu.memory_space<hbm>>
          tpu.enqueue_dma source(%dma_start3A_2115 : memref<1280xi32, #tpu.memory_space<hbm>>) target(%dma_start3A_2114 : memref<1280xi32, #tpu.memory_space<vmem>>) target_semaphore(%arg10 : memref<!tpu.dma_semaphore, #tpu.memory_space<semaphore_mem>>)
          %dma_start3A_2116 = arith.constant 0 : i32
          %dma_start3A_2117 = tpu.memref_slice %arg7[%rem3A_2102, %dma_start3A_2116] : memref<3x1280xi32, #tpu.memory_space<vmem>> -> memref<1x1280xi32, #tpu.memory_space<vmem>>
          %dma_start3A_2118 = tpu.memref_squeeze %dma_start3A_2117 : memref<1x1280xi32, #tpu.memory_space<vmem>> -> memref<1280xi32, #tpu.memory_space<vmem>>
          %dma_start3A_2119 = tpu.memref_slice %arg4[%add3A_2107] : memref<320000xi32, #tpu.memory_space<hbm>> -> memref<1280xi32, #tpu.memory_space<hbm>>
          %dma_start3A_2120 = arith.constant 0 : i32
          %dma_start3A_2121 = tpu.memref_slice %arg7[%rem3A_2102, %dma_start3A_2120] : memref<3x1280xi32, #tpu.memory_space<vmem>> -> memref<1x1280xi32, #tpu.memory_space<vmem>>
          %dma_start3A_2122 = tpu.memref_squeeze %dma_start3A_2121 : memref<1x1280xi32, #tpu.memory_space<vmem>> -> memref<1280xi32, #tpu.memory_space<vmem>>
          %dma_start3A_2123 = tpu.memref_slice %arg4[%add3A_2107] : memref<320000xi32, #tpu.memory_space<hbm>> -> memref<1280xi32, #tpu.memory_space<hbm>>
          tpu.enqueue_dma source(%dma_start3A_2123 : memref<1280xi32, #tpu.memory_space<hbm>>) target(%dma_start3A_2122 : memref<1280xi32, #tpu.memory_space<vmem>>) target_semaphore(%arg10 : memref<!tpu.dma_semaphore, #tpu.memory_space<semaphore_mem>>)
        } else {
        }
      } else {
      }
      %rem3A_317 = arith.constant 12 : i32
      %rem3A_318 = arith.remsi %scan3A_309, %rem3A_317 : i32
      %div3A_319 = arith.constant 10 : i32
      %div3A_320 = arith.divsi %scan3A_309, %div3A_319 : i32
      %rem3A_321 = arith.constant 3 : i32
      %rem3A_322 = arith.remsi %div3A_320, %rem3A_321 : i32
      %rem3A_323 = arith.constant 10 : i32
      %rem3A_324 = arith.remsi %scan3A_309, %rem3A_323 : i32
      %rem3A_325 = arith.constant 12 : i32
      %rem3A_326 = arith.remsi %scan3A_309, %rem3A_325 : i32
      %mul3A_327 = arith.constant 128 : i32
      %mul3A_328 = arith.muli %rem3A_324, %mul3A_327 : i32
      %dma_wait3A_329 = arith.constant 0 : i32
      %dma_wait3A_330 = arith.constant 0 : i32
      %dma_wait3A_331 = tpu.memref_slice %arg8[%rem3A_326, %dma_wait3A_329, %dma_wait3A_330] : memref<12x128x16xf32, #tpu.memory_space<vmem>> -> memref<1x128x16xf32, #tpu.memory_space<vmem>>
      %dma_wait3A_332 = tpu.memref_squeeze %dma_wait3A_331 : memref<1x128x16xf32, #tpu.memory_space<vmem>> -> memref<128x16xf32, #tpu.memory_space<vmem>>
      %dma_wait3A_333 = tpu.memref_slice %arg6[%rem3A_322, %mul3A_328] : memref<3x1280xi32, #tpu.memory_space<vmem>> -> memref<1x128xi32, #tpu.memory_space<vmem>>
      %dma_wait3A_334 = tpu.memref_squeeze %dma_wait3A_333 : memref<1x128xi32, #tpu.memory_space<vmem>> -> memref<128xi32, #tpu.memory_space<vmem>>
      %dma_wait3A_335 = arith.constant 0 : i32
      %dma_wait3A_336 = arith.constant 0 : i32
      %dma_wait3A_337 = tpu.memref_slice %arg2[%dma_wait3A_335, %dma_wait3A_336] : memref<160000x16xf32, #tpu.memory_space<hbm>> -> memref<160000x16xf32, #tpu.memory_space<hbm>>
      tpu.wait_indirect_dma semaphore(%arg11 : memref<!tpu.dma_semaphore, #tpu.memory_space<semaphore_mem>>) src(%dma_wait3A_337 : memref<160000x16xf32, #tpu.memory_space<hbm>>) dst(%dma_wait3A_332 : memref<128x16xf32, #tpu.memory_space<vmem>>)
      %lt3A_338 = arith.constant 1240 : i32
      %lt3A_339 = arith.cmpi slt, %scan3A_309, %lt3A_338 : i32
      %convert_element_type3A_340 = arith.extui %lt3A_339 : i1 to i32
      %cond3A_341 = arith.constant 0 : i32
      %cond3A_342 = arith.cmpi ne, %convert_element_type3A_340, %cond3A_341 : i32
      scf.if %cond3A_342 {
        %add3A_2055 = arith.constant 10 : i32
        %add3A_2056 = arith.addi %scan3A_309, %add3A_2055 : i32
        %div3A_2057 = arith.constant 10 : i32
        %div3A_2058 = arith.divsi %add3A_2056, %div3A_2057 : i32
        %rem3A_2059 = arith.constant 3 : i32
        %rem3A_2060 = arith.remsi %div3A_2058, %rem3A_2059 : i32
        %rem3A_2061 = arith.constant 10 : i32
        %rem3A_2062 = arith.remsi %add3A_2056, %rem3A_2061 : i32
        %rem3A_2063 = arith.constant 12 : i32
        %rem3A_2064 = arith.remsi %add3A_2056, %rem3A_2063 : i32
        %mul3A_2065 = arith.constant 128 : i32
        %mul3A_2066 = arith.muli %rem3A_2062, %mul3A_2065 : i32
        %dma_start3A_2067 = arith.constant 0 : i32
        %dma_start3A_2068 = arith.constant 0 : i32
        %dma_start3A_2069 = tpu.memref_slice %arg8[%rem3A_2064, %dma_start3A_2067, %dma_start3A_2068] : memref<12x128x16xf32, #tpu.memory_space<vmem>> -> memref<1x128x16xf32, #tpu.memory_space<vmem>>
        %dma_start3A_2070 = tpu.memref_squeeze %dma_start3A_2069 : memref<1x128x16xf32, #tpu.memory_space<vmem>> -> memref<128x16xf32, #tpu.memory_space<vmem>>
        %dma_start3A_2071 = tpu.memref_slice %arg6[%rem3A_2060, %mul3A_2066] : memref<3x1280xi32, #tpu.memory_space<vmem>> -> memref<1x128xi32, #tpu.memory_space<vmem>>
        %dma_start3A_2072 = tpu.memref_squeeze %dma_start3A_2071 : memref<1x128xi32, #tpu.memory_space<vmem>> -> memref<128xi32, #tpu.memory_space<vmem>>
        %dma_start3A_2073 = arith.constant 0 : i32
        %dma_start3A_2074 = arith.constant 0 : i32
        %dma_start3A_2075 = tpu.memref_slice %arg2[%dma_start3A_2073, %dma_start3A_2074] : memref<160000x16xf32, #tpu.memory_space<hbm>> -> memref<160000x16xf32, #tpu.memory_space<hbm>>
        tpu.enqueue_indirect_dma source(%dma_start3A_2075 : memref<160000x16xf32, #tpu.memory_space<hbm>>) target(%dma_start3A_2070 : memref<128x16xf32, #tpu.memory_space<vmem>>) offsets(%dma_start3A_2072 : memref<128xi32, #tpu.memory_space<vmem>>) semaphore(%arg11 : memref<!tpu.dma_semaphore, #tpu.memory_space<semaphore_mem>>)
      } else {
      }
      %rem3A_343 = arith.constant 3 : i32
      %rem3A_344 = arith.remsi %div3A_311, %rem3A_343 : i32
      %mul3A_345 = arith.constant 128 : i32
      %mul3A_346 = arith.muli %rem3A_313, %mul3A_345 : i32
      %add3A_347 = arith.constant 0 : i32
      %add3A_348 = arith.addi %mul3A_346, %add3A_347 : i32
      %get3A = arith.index_cast %rem3A_344 : i32 to index
      %get3A_349 = arith.index_cast %add3A_348 : i32 to index
      %get3A_350 = tpu.vector_load %arg7[%get3A, %get3A_349] {strides = array<i32>} : memref<3x1280xi32, #tpu.memory_space<vmem>>, vector<1x16xi32>,
      %get3A_351 = vector.shape_cast %get3A_350 : vector<1x16xi32> to vector<16xi32>
      %get3A_352 = arith.constant 0 : i32
      %get3A_353 = arith.index_cast %rem3A_318 : i32 to index
      %get3A_354 = arith.index_cast %get3A_352 : i32 to index
      %get3A_355 = arith.constant 0 : index
      %get3A_356 = tpu.vector_load %arg8[%get3A_353, %get3A_354, %get3A_355] {strides = array<i32>} : memref<12x128x16xf32, #tpu.memory_space<vmem>>, vector<1x1x16xf32>,
      %get3A_357 = vector.shape_cast %get3A_356 : vector<1x1x16xf32> to vector<16xf32>
      %get3A_358 = arith.constant 1 : i32
      %get3A_359 = arith.index_cast %rem3A_318 : i32 to index
      %get3A_360 = arith.index_cast %get3A_358 : i32 to index
      %get3A_361 = arith.constant 0 : index
      %get3A_362 = tpu.vector_load %arg8[%get3A_359, %get3A_360, %get3A_361] {strides = array<i32>} : memref<12x128x16xf32, #tpu.memory_space<vmem>>, vector<1x1x16xf32>,
      %get3A_363 = vector.shape_cast %get3A_362 : vector<1x1x16xf32> to vector<16xf32>
      %get3A_364 = arith.constant 2 : i32
      %get3A_365 = arith.index_cast %rem3A_318 : i32 to index
      %get3A_366 = arith.index_cast %get3A_364 : i32 to index
      %get3A_367 = arith.constant 0 : index
      %get3A_368 = tpu.vector_load %arg8[%get3A_365, %get3A_366, %get3A_367] {strides = array<i32>} : memref<12x128x16xf32, #tpu.memory_space<vmem>>, vector<1x1x16xf32>,
      %get3A_369 = vector.shape_cast %get3A_368 : vector<1x1x16xf32> to vector<16xf32>
      %get3A_370 = arith.constant 3 : i32
      %get3A_371 = arith.index_cast %rem3A_318 : i32 to index
      %get3A_372 = arith.index_cast %get3A_370 : i32 to index
      %get3A_373 = arith.constant 0 : index
      %get3A_374 = tpu.vector_load %arg8[%get3A_371, %get3A_372, %get3A_373] {strides = array<i32>} : memref<12x128x16xf32, #tpu.memory_space<vmem>>, vector<1x1x16xf32>,
      %get3A_375 = vector.shape_cast %get3A_374 : vector<1x1x16xf32> to vector<16xf32>
      %get3A_376 = arith.constant 4 : i32
      %get3A_377 = arith.index_cast %rem3A_318 : i32 to index
      %get3A_378 = arith.index_cast %get3A_376 : i32 to index
      %get3A_379 = arith.constant 0 : index
      %get3A_380 = tpu.vector_load %arg8[%get3A_377, %get3A_378, %get3A_379] {strides = array<i32>} : memref<12x128x16xf32, #tpu.memory_space<vmem>>, vector<1x1x16xf32>,
      %get3A_381 = vector.shape_cast %get3A_380 : vector<1x1x16xf32> to vector<16xf32>
      %get3A_382 = arith.constant 5 : i32
      %get3A_383 = arith.index_cast %rem3A_318 : i32 to index
      %get3A_384 = arith.index_cast %get3A_382 : i32 to index
      %get3A_385 = arith.constant 0 : index
      %get3A_386 = tpu.vector_load %arg8[%get3A_383, %get3A_384, %get3A_385] {strides = array<i32>} : memref<12x128x16xf32, #tpu.memory_space<vmem>>, vector<1x1x16xf32>,
      %get3A_387 = vector.shape_cast %get3A_386 : vector<1x1x16xf32> to vector<16xf32>
      %get3A_388 = arith.constant 6 : i32
      %get3A_389 = arith.index_cast %rem3A_318 : i32 to index
      %get3A_390 = arith.index_cast %get3A_388 : i32 to index
      %get3A_391 = arith.constant 0 : index
      %get3A_392 = tpu.vector_load %arg8[%get3A_389, %get3A_390, %get3A_391] {strides = array<i32>} : memref<12x128x16xf32, #tpu.memory_space<vmem>>, vector<1x1x16xf32>,
      %get3A_393 = vector.shape_cast %get3A_392 : vector<1x1x16xf32> to vector<16xf32>
      %get3A_394 = arith.constant 7 : i32
      %get3A_395 = arith.index_cast %rem3A_318 : i32 to index
      %get3A_396 = arith.index_cast %get3A_394 : i32 to index
      %get3A_397 = arith.constant 0 : index
      %get3A_398 = tpu.vector_load %arg8[%get3A_395, %get3A_396, %get3A_397] {strides = array<i32>} : memref<12x128x16xf32, #tpu.memory_space<vmem>>, vector<1x1x16xf32>,
      %get3A_399 = vector.shape_cast %get3A_398 : vector<1x1x16xf32> to vector<16xf32>
      %get3A_400 = arith.constant 8 : i32
      %get3A_401 = arith.index_cast %rem3A_318 : i32 to index
      %get3A_402 = arith.index_cast %get3A_400 : i32 to index
      %get3A_403 = arith.constant 0 : index
      %get3A_404 = tpu.vector_load %arg8[%get3A_401, %get3A_402, %get3A_403] {strides = array<i32>} : memref<12x128x16xf32, #tpu.memory_space<vmem>>, vector<1x1x16xf32>,
      %get3A_405 = vector.shape_cast %get3A_404 : vector<1x1x16xf32> to vector<16xf32>
      %get3A_406 = arith.constant 9 : i32
      %get3A_407 = arith.index_cast %rem3A_318 : i32 to index
      %get3A_408 = arith.index_cast %get3A_406 : i32 to index
      %get3A_409 = arith.constant 0 : index
      %get3A_410 = tpu.vector_load %arg8[%get3A_407, %get3A_408, %get3A_409] {strides = array<i32>} : memref<12x128x16xf32, #tpu.memory_space<vmem>>, vector<1x1x16xf32>,
      %get3A_411 = vector.shape_cast %get3A_410 : vector<1x1x16xf32> to vector<16xf32>
      %get3A_412 = arith.constant 10 : i32
      %get3A_413 = arith.index_cast %rem3A_318 : i32 to index
      %get3A_414 = arith.index_cast %get3A_412 : i32 to index
      %get3A_415 = arith.constant 0 : index
      %get3A_416 = tpu.vector_load %arg8[%get3A_413, %get3A_414, %get3A_415] {strides = array<i32>} : memref<12x128x16xf32, #tpu.memory_space<vmem>>, vector<1x1x16xf32>,
      %get3A_417 = vector.shape_cast %get3A_416 : vector<1x1x16xf32> to vector<16xf32>
      %get3A_418 = arith.constant 11 : i32
      %get3A_419 = arith.index_cast %rem3A_318 : i32 to index
      %get3A_420 = arith.index_cast %get3A_418 : i32 to index
      %get3A_421 = arith.constant 0 : index
      %get3A_422 = tpu.vector_load %arg8[%get3A_419, %get3A_420, %get3A_421] {strides = array<i32>} : memref<12x128x16xf32, #tpu.memory_space<vmem>>, vector<1x1x16xf32>,
      %get3A_423 = vector.shape_cast %get3A_422 : vector<1x1x16xf32> to vector<16xf32>
      %get3A_424 = arith.constant 12 : i32
      %get3A_425 = arith.index_cast %rem3A_318 : i32 to index
      %get3A_426 = arith.index_cast %get3A_424 : i32 to index
      %get3A_427 = arith.constant 0 : index
      %get3A_428 = tpu.vector_load %arg8[%get3A_425, %get3A_426, %get3A_427] {strides = array<i32>} : memref<12x128x16xf32, #tpu.memory_space<vmem>>, vector<1x1x16xf32>,
      %get3A_429 = vector.shape_cast %get3A_428 : vector<1x1x16xf32> to vector<16xf32>
      %get3A_430 = arith.constant 13 : i32
      %get3A_431 = arith.index_cast %rem3A_318 : i32 to index
      %get3A_432 = arith.index_cast %get3A_430 : i32 to index
      %get3A_433 = arith.constant 0 : index
      %get3A_434 = tpu.vector_load %arg8[%get3A_431, %get3A_432, %get3A_433] {strides = array<i32>} : memref<12x128x16xf32, #tpu.memory_space<vmem>>, vector<1x1x16xf32>,
      %get3A_435 = vector.shape_cast %get3A_434 : vector<1x1x16xf32> to vector<16xf32>
      %get3A_436 = arith.constant 14 : i32
      %get3A_437 = arith.index_cast %rem3A_318 : i32 to index
      %get3A_438 = arith.index_cast %get3A_436 : i32 to index
      %get3A_439 = arith.constant 0 : index
      %get3A_440 = tpu.vector_load %arg8[%get3A_437, %get3A_438, %get3A_439] {strides = array<i32>} : memref<12x128x16xf32, #tpu.memory_space<vmem>>, vector<1x1x16xf32>,
      %get3A_441 = vector.shape_cast %get3A_440 : vector<1x1x16xf32> to vector<16xf32>
      %get3A_442 = arith.constant 15 : i32
      %get3A_443 = arith.index_cast %rem3A_318 : i32 to index
      %get3A_444 = arith.index_cast %get3A_442 : i32 to index
      %get3A_445 = arith.constant 0 : index
      %get3A_446 = tpu.vector_load %arg8[%get3A_443, %get3A_444, %get3A_445] {strides = array<i32>} : memref<12x128x16xf32, #tpu.memory_space<vmem>>, vector<1x1x16xf32>,
      %get3A_447 = vector.shape_cast %get3A_446 : vector<1x1x16xf32> to vector<16xf32>
      %slice3A = vector.extract_strided_slice %get3A_351 {offsets = [0], sizes = [1], strides = [1]} : vector<16xi32> to vector<1xi32>
      %squeeze3A = vector.extract %slice3A[0] : i32 from vector<1xi32>
      %swap3A = arith.index_cast %squeeze3A : i32 to index
      %swap3A_448 = arith.constant 0 : index
      %swap3A_449 = tpu.vector_load %arg9[%swap3A, %swap3A_448] {strides = array<i32>} : memref<5008x16xf32, #tpu.memory_space<vmem>>, vector<1x16xf32>,
      %swap3A_450 = vector.shape_cast %swap3A_449 : vector<1x16xf32> to vector<16xf32>
      %swap3A_451 = vector.shape_cast %get3A_357 : vector<16xf32> to vector<1x16xf32>
      tpu.vector_store %arg9[%swap3A, %swap3A_448], %swap3A_451 {add = true, strides = array<i32>} : memref<5008x16xf32, #tpu.memory_space<vmem>>, vector<1x16xf32>,
      %slice3A_452 = vector.extract_strided_slice %get3A_351 {offsets = [1], sizes = [1], strides = [1]} : vector<16xi32> to vector<1xi32>
      %squeeze3A_453 = vector.extract %slice3A_452[0] : i32 from vector<1xi32>
      %swap3A_454 = arith.index_cast %squeeze3A_453 : i32 to index
      %swap3A_455 = arith.constant 0 : index
      %swap3A_456 = tpu.vector_load %arg9[%swap3A_454, %swap3A_455] {strides = array<i32>} : memref<5008x16xf32, #tpu.memory_space<vmem>>, vector<1x16xf32>,
      %swap3A_457 = vector.shape_cast %swap3A_456 : vector<1x16xf32> to vector<16xf32>
      %swap3A_458 = vector.shape_cast %get3A_363 : vector<16xf32> to vector<1x16xf32>
      tpu.vector_store %arg9[%swap3A_454, %swap3A_455], %swap3A_458 {add = true, strides = array<i32>} : memref<5008x16xf32, #tpu.memory_space<vmem>>, vector<1x16xf32>,
      %slice3A_459 = vector.extract_strided_slice %get3A_351 {offsets = [2], sizes = [1], strides = [1]} : vector<16xi32> to vector<1xi32>
      %squeeze3A_460 = vector.extract %slice3A_459[0] : i32 from vector<1xi32>
      %swap3A_461 = arith.index_cast %squeeze3A_460 : i32 to index
      %swap3A_462 = arith.constant 0 : index
      %swap3A_463 = tpu.vector_load %arg9[%swap3A_461, %swap3A_462] {strides = array<i32>} : memref<5008x16xf32, #tpu.memory_space<vmem>>, vector<1x16xf32>,
      %swap3A_464 = vector.shape_cast %swap3A_463 : vector<1x16xf32> to vector<16xf32>
      %swap3A_465 = vector.shape_cast %get3A_369 : vector<16xf32> to vector<1x16xf32>
      tpu.vector_store %arg9[%swap3A_461, %swap3A_462], %swap3A_465 {add = true, strides = array<i32>} : memref<5008x16xf32, #tpu.memory_space<vmem>>, vector<1x16xf32>,
      %slice3A_466 = vector.extract_strided_slice %get3A_351 {offsets = [3], sizes = [1], strides = [1]} : vector<16xi32> to vector<1xi32>
      %squeeze3A_467 = vector.extract %slice3A_466[0] : i32 from vector<1xi32>
      %swap3A_468 = arith.index_cast %squeeze3A_467 : i32 to index
      %swap3A_469 = arith.constant 0 : index
      %swap3A_470 = tpu.vector_load %arg9[%swap3A_468, %swap3A_469] {strides = array<i32>} : memref<5008x16xf32, #tpu.memory_space<vmem>>, vector<1x16xf32>,
      %swap3A_471 = vector.shape_cast %swap3A_470 : vector<1x16xf32> to vector<16xf32>
      %swap3A_472 = vector.shape_cast %get3A_375 : vector<16xf32> to vector<1x16xf32>
      tpu.vector_store %arg9[%swap3A_468, %swap3A_469], %swap3A_472 {add = true, strides = array<i32>} : memref<5008x16xf32, #tpu.memory_space<vmem>>, vector<1x16xf32>,
      %slice3A_473 = vector.extract_strided_slice %get3A_351 {offsets = [4], sizes = [1], strides = [1]} : vector<16xi32> to vector<1xi32>
      %squeeze3A_474 = vector.extract %slice3A_473[0] : i32 from vector<1xi32>
      %swap3A_475 = arith.index_cast %squeeze3A_474 : i32 to index
      %swap3A_476 = arith.constant 0 : index
      %swap3A_477 = tpu.vector_load %arg9[%swap3A_475, %swap3A_476] {strides = array<i32>} : memref<5008x16xf32, #tpu.memory_space<vmem>>, vector<1x16xf32>,
      %swap3A_478 = vector.shape_cast %swap3A_477 : vector<1x16xf32> to vector<16xf32>
      %swap3A_479 = vector.shape_cast %get3A_381 : vector<16xf32> to vector<1x16xf32>
      tpu.vector_store %arg9[%swap3A_475, %swap3A_476], %swap3A_479 {add = true, strides = array<i32>} : memref<5008x16xf32, #tpu.memory_space<vmem>>, vector<1x16xf32>,
      %slice3A_480 = vector.extract_strided_slice %get3A_351 {offsets = [5], sizes = [1], strides = [1]} : vector<16xi32> to vector<1xi32>
      %squeeze3A_481 = vector.extract %slice3A_480[0] : i32 from vector<1xi32>
      %swap3A_482 = arith.index_cast %squeeze3A_481 : i32 to index
      %swap3A_483 = arith.constant 0 : index
      %swap3A_484 = tpu.vector_load %arg9[%swap3A_482, %swap3A_483] {strides = array<i32>} : memref<5008x16xf32, #tpu.memory_space<vmem>>, vector<1x16xf32>,
      %swap3A_485 = vector.shape_cast %swap3A_484 : vector<1x16xf32> to vector<16xf32>
      %swap3A_486 = vector.shape_cast %get3A_387 : vector<16xf32> to vector<1x16xf32>
      tpu.vector_store %arg9[%swap3A_482, %swap3A_483], %swap3A_486 {add = true, strides = array<i32>} : memref<5008x16xf32, #tpu.memory_space<vmem>>, vector<1x16xf32>,
      %slice3A_487 = vector.extract_strided_slice %get3A_351 {offsets = [6], sizes = [1], strides = [1]} : vector<16xi32> to vector<1xi32>
      %squeeze3A_488 = vector.extract %slice3A_487[0] : i32 from vector<1xi32>
      %swap3A_489 = arith.index_cast %squeeze3A_488 : i32 to index
      %swap3A_490 = arith.constant 0 : index
      %swap3A_491 = tpu.vector_load %arg9[%swap3A_489, %swap3A_490] {strides = array<i32>} : memref<5008x16xf32, #tpu.memory_space<vmem>>, vector<1x16xf32>,
      %swap3A_492 = vector.shape_cast %swap3A_491 : vector<1x16xf32> to vector<16xf32>
      %swap3A_493 = vector.shape_cast %get3A_393 : vector<16xf32> to vector<1x16xf32>
      tpu.vector_store %arg9[%swap3A_489, %swap3A_490], %swap3A_493 {add = true, strides = array<i32>} : memref<5008x16xf32, #tpu.memory_space<vmem>>, vector<1x16xf32>,
      %slice3A_494 = vector.extract_strided_slice %get3A_351 {offsets = [7], sizes = [1], strides = [1]} : vector<16xi32> to vector<1xi32>
      %squeeze3A_495 = vector.extract %slice3A_494[0] : i32 from vector<1xi32>
      %swap3A_496 = arith.index_cast %squeeze3A_495 : i32 to index
      %swap3A_497 = arith.constant 0 : index
      %swap3A_498 = tpu.vector_load %arg9[%swap3A_496, %swap3A_497] {strides = array<i32>} : memref<5008x16xf32, #tpu.memory_space<vmem>>, vector<1x16xf32>,
      %swap3A_499 = vector.shape_cast %swap3A_498 : vector<1x16xf32> to vector<16xf32>
      %swap3A_500 = vector.shape_cast %get3A_399 : vector<16xf32> to vector<1x16xf32>
      tpu.vector_store %arg9[%swap3A_496, %swap3A_497], %swap3A_500 {add = true, strides = array<i32>} : memref<5008x16xf32, #tpu.memory_space<vmem>>, vector<1x16xf32>,
      %slice3A_501 = vector.extract_strided_slice %get3A_351 {offsets = [8], sizes = [1], strides = [1]} : vector<16xi32> to vector<1xi32>
      %squeeze3A_502 = vector.extract %slice3A_501[0] : i32 from vector<1xi32>
      %swap3A_503 = arith.index_cast %squeeze3A_502 : i32 to index
      %swap3A_504 = arith.constant 0 : index
      %swap3A_505 = tpu.vector_load %arg9[%swap3A_503, %swap3A_504] {strides = array<i32>} : memref<5008x16xf32, #tpu.memory_space<vmem>>, vector<1x16xf32>,
      %swap3A_506 = vector.shape_cast %swap3A_505 : vector<1x16xf32> to vector<16xf32>
      %swap3A_507 = vector.shape_cast %get3A_405 : vector<16xf32> to vector<1x16xf32>
      tpu.vector_store %arg9[%swap3A_503, %swap3A_504], %swap3A_507 {add = true, strides = array<i32>} : memref<5008x16xf32, #tpu.memory_space<vmem>>, vector<1x16xf32>,
      %slice3A_508 = vector.extract_strided_slice %get3A_351 {offsets = [9], sizes = [1], strides = [1]} : vector<16xi32> to vector<1xi32>
      %squeeze3A_509 = vector.extract %slice3A_508[0] : i32 from vector<1xi32>
      %swap3A_510 = arith.index_cast %squeeze3A_509 : i32 to index
      %swap3A_511 = arith.constant 0 : index
      %swap3A_512 = tpu.vector_load %arg9[%swap3A_510, %swap3A_511] {strides = array<i32>} : memref<5008x16xf32, #tpu.memory_space<vmem>>, vector<1x16xf32>,
      %swap3A_513 = vector.shape_cast %swap3A_512 : vector<1x16xf32> to vector<16xf32>
      %swap3A_514 = vector.shape_cast %get3A_411 : vector<16xf32> to vector<1x16xf32>
      tpu.vector_store %arg9[%swap3A_510, %swap3A_511], %swap3A_514 {add = true, strides = array<i32>} : memref<5008x16xf32, #tpu.memory_space<vmem>>, vector<1x16xf32>,
      %slice3A_515 = vector.extract_strided_slice %get3A_351 {offsets = [10], sizes = [1], strides = [1]} : vector<16xi32> to vector<1xi32>
      %squeeze3A_516 = vector.extract %slice3A_515[0] : i32 from vector<1xi32>
      %swap3A_517 = arith.index_cast %squeeze3A_516 : i32 to index
      %swap3A_518 = arith.constant 0 : index
      %swap3A_519 = tpu.vector_load %arg9[%swap3A_517, %swap3A_518] {strides = array<i32>} : memref<5008x16xf32, #tpu.memory_space<vmem>>, vector<1x16xf32>,
      %swap3A_520 = vector.shape_cast %swap3A_519 : vector<1x16xf32> to vector<16xf32>
      %swap3A_521 = vector.shape_cast %get3A_417 : vector<16xf32> to vector<1x16xf32>
      tpu.vector_store %arg9[%swap3A_517, %swap3A_518], %swap3A_521 {add = true, strides = array<i32>} : memref<5008x16xf32, #tpu.memory_space<vmem>>, vector<1x16xf32>,
      %slice3A_522 = vector.extract_strided_slice %get3A_351 {offsets = [11], sizes = [1], strides = [1]} : vector<16xi32> to vector<1xi32>
      %squeeze3A_523 = vector.extract %slice3A_522[0] : i32 from vector<1xi32>
      %swap3A_524 = arith.index_cast %squeeze3A_523 : i32 to index
      %swap3A_525 = arith.constant 0 : index
      %swap3A_526 = tpu.vector_load %arg9[%swap3A_524, %swap3A_525] {strides = array<i32>} : memref<5008x16xf32, #tpu.memory_space<vmem>>, vector<1x16xf32>,
      %swap3A_527 = vector.shape_cast %swap3A_526 : vector<1x16xf32> to vector<16xf32>
      %swap3A_528 = vector.shape_cast %get3A_423 : vector<16xf32> to vector<1x16xf32>
      tpu.vector_store %arg9[%swap3A_524, %swap3A_525], %swap3A_528 {add = true, strides = array<i32>} : memref<5008x16xf32, #tpu.memory_space<vmem>>, vector<1x16xf32>,
      %slice3A_529 = vector.extract_strided_slice %get3A_351 {offsets = [12], sizes = [1], strides = [1]} : vector<16xi32> to vector<1xi32>
      %squeeze3A_530 = vector.extract %slice3A_529[0] : i32 from vector<1xi32>
      %swap3A_531 = arith.index_cast %squeeze3A_530 : i32 to index
      %swap3A_532 = arith.constant 0 : index
      %swap3A_533 = tpu.vector_load %arg9[%swap3A_531, %swap3A_532] {strides = array<i32>} : memref<5008x16xf32, #tpu.memory_space<vmem>>, vector<1x16xf32>,
      %swap3A_534 = vector.shape_cast %swap3A_533 : vector<1x16xf32> to vector<16xf32>
      %swap3A_535 = vector.shape_cast %get3A_429 : vector<16xf32> to vector<1x16xf32>
      tpu.vector_store %arg9[%swap3A_531, %swap3A_532], %swap3A_535 {add = true, strides = array<i32>} : memref<5008x16xf32, #tpu.memory_space<vmem>>, vector<1x16xf32>,
      %slice3A_536 = vector.extract_strided_slice %get3A_351 {offsets = [13], sizes = [1], strides = [1]} : vector<16xi32> to vector<1xi32>
      %squeeze3A_537 = vector.extract %slice3A_536[0] : i32 from vector<1xi32>
      %swap3A_538 = arith.index_cast %squeeze3A_537 : i32 to index
      %swap3A_539 = arith.constant 0 : index
      %swap3A_540 = tpu.vector_load %arg9[%swap3A_538, %swap3A_539] {strides = array<i32>} : memref<5008x16xf32, #tpu.memory_space<vmem>>, vector<1x16xf32>,
      %swap3A_541 = vector.shape_cast %swap3A_540 : vector<1x16xf32> to vector<16xf32>
      %swap3A_542 = vector.shape_cast %get3A_435 : vector<16xf32> to vector<1x16xf32>
      tpu.vector_store %arg9[%swap3A_538, %swap3A_539], %swap3A_542 {add = true, strides = array<i32>} : memref<5008x16xf32, #tpu.memory_space<vmem>>, vector<1x16xf32>,
      %slice3A_543 = vector.extract_strided_slice %get3A_351 {offsets = [14], sizes = [1], strides = [1]} : vector<16xi32> to vector<1xi32>
      %squeeze3A_544 = vector.extract %slice3A_543[0] : i32 from vector<1xi32>
      %swap3A_545 = arith.index_cast %squeeze3A_544 : i32 to index
      %swap3A_546 = arith.constant 0 : index
      %swap3A_547 = tpu.vector_load %arg9[%swap3A_545, %swap3A_546] {strides = array<i32>} : memref<5008x16xf32, #tpu.memory_space<vmem>>, vector<1x16xf32>,
      %swap3A_548 = vector.shape_cast %swap3A_547 : vector<1x16xf32> to vector<16xf32>
      %swap3A_549 = vector.shape_cast %get3A_441 : vector<16xf32> to vector<1x16xf32>
      tpu.vector_store %arg9[%swap3A_545, %swap3A_546], %swap3A_549 {add = true, strides = array<i32>} : memref<5008x16xf32, #tpu.memory_space<vmem>>, vector<1x16xf32>,
      %slice3A_550 = vector.extract_strided_slice %get3A_351 {offsets = [15], sizes = [1], strides = [1]} : vector<16xi32> to vector<1xi32>
      %squeeze3A_551 = vector.extract %slice3A_550[0] : i32 from vector<1xi32>
      %swap3A_552 = arith.index_cast %squeeze3A_551 : i32 to index
      %swap3A_553 = arith.constant 0 : index
      %swap3A_554 = tpu.vector_load %arg9[%swap3A_552, %swap3A_553] {strides = array<i32>} : memref<5008x16xf32, #tpu.memory_space<vmem>>, vector<1x16xf32>,
      %swap3A_555 = vector.shape_cast %swap3A_554 : vector<1x16xf32> to vector<16xf32>
      %swap3A_556 = vector.shape_cast %get3A_447 : vector<16xf32> to vector<1x16xf32>
      tpu.vector_store %arg9[%swap3A_552, %swap3A_553], %swap3A_556 {add = true, strides = array<i32>} : memref<5008x16xf32, #tpu.memory_space<vmem>>, vector<1x16xf32>,
      %add3A_557 = arith.constant 16 : i32
      %add3A_558 = arith.addi %mul3A_346, %add3A_557 : i32
      %get3A_559 = arith.index_cast %rem3A_344 : i32 to index
      %get3A_560 = arith.index_cast %add3A_558 : i32 to index
      %get3A_561 = tpu.vector_load %arg7[%get3A_559, %get3A_560] {strides = array<i32>} : memref<3x1280xi32, #tpu.memory_space<vmem>>, vector<1x16xi32>,
      %get3A_562 = vector.shape_cast %get3A_561 : vector<1x16xi32> to vector<16xi32>
      %get3A_563 = arith.constant 16 : i32
      %get3A_564 = arith.index_cast %rem3A_318 : i32 to index
      %get3A_565 = arith.index_cast %get3A_563 : i32 to index
      %get3A_566 = arith.constant 0 : index
      %get3A_567 = tpu.vector_load %arg8[%get3A_564, %get3A_565, %get3A_566] {strides = array<i32>} : memref<12x128x16xf32, #tpu.memory_space<vmem>>, vector<1x1x16xf32>,
      %get3A_568 = vector.shape_cast %get3A_567 : vector<1x1x16xf32> to vector<16xf32>
      %get3A_569 = arith.constant 17 : i32
      %get3A_570 = arith.index_cast %rem3A_318 : i32 to index
      %get3A_571 = arith.index_cast %get3A_569 : i32 to index
      %get3A_572 = arith.constant 0 : index
      %get3A_573 = tpu.vector_load %arg8[%get3A_570, %get3A_571, %get3A_572] {strides = array<i32>} : memref<12x128x16xf32, #tpu.memory_space<vmem>>, vector<1x1x16xf32>,
      %get3A_574 = vector.shape_cast %get3A_573 : vector<1x1x16xf32> to vector<16xf32>
      %get3A_575 = arith.constant 18 : i32
      %get3A_576 = arith.index_cast %rem3A_318 : i32 to index
      %get3A_577 = arith.index_cast %get3A_575 : i32 to index
      %get3A_578 = arith.constant 0 : index
      %get3A_579 = tpu.vector_load %arg8[%get3A_576, %get3A_577, %get3A_578] {strides = array<i32>} : memref<12x128x16xf32, #tpu.memory_space<vmem>>, vector<1x1x16xf32>,
      %get3A_580 = vector.shape_cast %get3A_579 : vector<1x1x16xf32> to vector<16xf32>
      %get3A_581 = arith.constant 19 : i32
      %get3A_582 = arith.index_cast %rem3A_318 : i32 to index
      %get3A_583 = arith.index_cast %get3A_581 : i32 to index
      %get3A_584 = arith.constant 0 : index
      %get3A_585 = tpu.vector_load %arg8[%get3A_582, %get3A_583, %get3A_584] {strides = array<i32>} : memref<12x128x16xf32, #tpu.memory_space<vmem>>, vector<1x1x16xf32>,
      %get3A_586 = vector.shape_cast %get3A_585 : vector<1x1x16xf32> to vector<16xf32>
      %get3A_587 = arith.constant 20 : i32
      %get3A_588 = arith.index_cast %rem3A_318 : i32 to index
      %get3A_589 = arith.index_cast %get3A_587 : i32 to index
      %get3A_590 = arith.constant 0 : index
      %get3A_591 = tpu.vector_load %arg8[%get3A_588, %get3A_589, %get3A_590] {strides = array<i32>} : memref<12x128x16xf32, #tpu.memory_space<vmem>>, vector<1x1x16xf32>,
      %get3A_592 = vector.shape_cast %get3A_591 : vector<1x1x16xf32> to vector<16xf32>
      %get3A_593 = arith.constant 21 : i32
      %get3A_594 = arith.index_cast %rem3A_318 : i32 to index
      %get3A_595 = arith.index_cast %get3A_593 : i32 to index
      %get3A_596 = arith.constant 0 : index
      %get3A_597 = tpu.vector_load %arg8[%get3A_594, %get3A_595, %get3A_596] {strides = array<i32>} : memref<12x128x16xf32, #tpu.memory_space<vmem>>, vector<1x1x16xf32>,
      %get3A_598 = vector.shape_cast %get3A_597 : vector<1x1x16xf32> to vector<16xf32>
      %get3A_599 = arith.constant 22 : i32
      %get3A_600 = arith.index_cast %rem3A_318 : i32 to index
      %get3A_601 = arith.index_cast %get3A_599 : i32 to index
      %get3A_602 = arith.constant 0 : index
      %get3A_603 = tpu.vector_load %arg8[%get3A_600, %get3A_601, %get3A_602] {strides = array<i32>} : memref<12x128x16xf32, #tpu.memory_space<vmem>>, vector<1x1x16xf32>,
      %get3A_604 = vector.shape_cast %get3A_603 : vector<1x1x16xf32> to vector<16xf32>
      %get3A_605 = arith.constant 23 : i32
      %get3A_606 = arith.index_cast %rem3A_318 : i32 to index
      %get3A_607 = arith.index_cast %get3A_605 : i32 to index
      %get3A_608 = arith.constant 0 : index
      %get3A_609 = tpu.vector_load %arg8[%get3A_606, %get3A_607, %get3A_608] {strides = array<i32>} : memref<12x128x16xf32, #tpu.memory_space<vmem>>, vector<1x1x16xf32>,
      %get3A_610 = vector.shape_cast %get3A_609 : vector<1x1x16xf32> to vector<16xf32>
      %get3A_611 = arith.constant 24 : i32
      %get3A_612 = arith.index_cast %rem3A_318 : i32 to index
      %get3A_613 = arith.index_cast %get3A_611 : i32 to index
      %get3A_614 = arith.constant 0 : index
      %get3A_615 = tpu.vector_load %arg8[%get3A_612, %get3A_613, %get3A_614] {strides = array<i32>} : memref<12x128x16xf32, #tpu.memory_space<vmem>>, vector<1x1x16xf32>,
      %get3A_616 = vector.shape_cast %get3A_615 : vector<1x1x16xf32> to vector<16xf32>
      %get3A_617 = arith.constant 25 : i32
      %get3A_618 = arith.index_cast %rem3A_318 : i32 to index
      %get3A_619 = arith.index_cast %get3A_617 : i32 to index
      %get3A_620 = arith.constant 0 : index
      %get3A_621 = tpu.vector_load %arg8[%get3A_618, %get3A_619, %get3A_620] {strides = array<i32>} : memref<12x128x16xf32, #tpu.memory_space<vmem>>, vector<1x1x16xf32>,
      %get3A_622 = vector.shape_cast %get3A_621 : vector<1x1x16xf32> to vector<16xf32>
      %get3A_623 = arith.constant 26 : i32
      %get3A_624 = arith.index_cast %rem3A_318 : i32 to index
      %get3A_625 = arith.index_cast %get3A_623 : i32 to index
      %get3A_626 = arith.constant 0 : index
      %get3A_627 = tpu.vector_load %arg8[%get3A_624, %get3A_625, %get3A_626] {strides = array<i32>} : memref<12x128x16xf32, #tpu.memory_space<vmem>>, vector<1x1x16xf32>,
      %get3A_628 = vector.shape_cast %get3A_627 : vector<1x1x16xf32> to vector<16xf32>
      %get3A_629 = arith.constant 27 : i32
      %get3A_630 = arith.index_cast %rem3A_318 : i32 to index
      %get3A_631 = arith.index_cast %get3A_629 : i32 to index
      %get3A_632 = arith.constant 0 : index
      %get3A_633 = tpu.vector_load %arg8[%get3A_630, %get3A_631, %get3A_632] {strides = array<i32>} : memref<12x128x16xf32, #tpu.memory_space<vmem>>, vector<1x1x16xf32>,
      %get3A_634 = vector.shape_cast %get3A_633 : vector<1x1x16xf32> to vector<16xf32>
      %get3A_635 = arith.constant 28 : i32
      %get3A_636 = arith.index_cast %rem3A_318 : i32 to index
      %get3A_637 = arith.index_cast %get3A_635 : i32 to index
      %get3A_638 = arith.constant 0 : index
      %get3A_639 = tpu.vector_load %arg8[%get3A_636, %get3A_637, %get3A_638] {strides = array<i32>} : memref<12x128x16xf32, #tpu.memory_space<vmem>>, vector<1x1x16xf32>,
      %get3A_640 = vector.shape_cast %get3A_639 : vector<1x1x16xf32> to vector<16xf32>
      %get3A_641 = arith.constant 29 : i32
      %get3A_642 = arith.index_cast %rem3A_318 : i32 to index
      %get3A_643 = arith.index_cast %get3A_641 : i32 to index
      %get3A_644 = arith.constant 0 : index
      %get3A_645 = tpu.vector_load %arg8[%get3A_642, %get3A_643, %get3A_644] {strides = array<i32>} : memref<12x128x16xf32, #tpu.memory_space<vmem>>, vector<1x1x16xf32>,
      %get3A_646 = vector.shape_cast %get3A_645 : vector<1x1x16xf32> to vector<16xf32>
      %get3A_647 = arith.constant 30 : i32
      %get3A_648 = arith.index_cast %rem3A_318 : i32 to index
      %get3A_649 = arith.index_cast %get3A_647 : i32 to index
      %get3A_650 = arith.constant 0 : index
      %get3A_651 = tpu.vector_load %arg8[%get3A_648, %get3A_649, %get3A_650] {strides = array<i32>} : memref<12x128x16xf32, #tpu.memory_space<vmem>>, vector<1x1x16xf32>,
      %get3A_652 = vector.shape_cast %get3A_651 : vector<1x1x16xf32> to vector<16xf32>
      %get3A_653 = arith.constant 31 : i32
      %get3A_654 = arith.index_cast %rem3A_318 : i32 to index
      %get3A_655 = arith.index_cast %get3A_653 : i32 to index
      %get3A_656 = arith.constant 0 : index
      %get3A_657 = tpu.vector_load %arg8[%get3A_654, %get3A_655, %get3A_656] {strides = array<i32>} : memref<12x128x16xf32, #tpu.memory_space<vmem>>, vector<1x1x16xf32>,
      %get3A_658 = vector.shape_cast %get3A_657 : vector<1x1x16xf32> to vector<16xf32>
      %slice3A_659 = vector.extract_strided_slice %get3A_562 {offsets = [0], sizes = [1], strides = [1]} : vector<16xi32> to vector<1xi32>
      %squeeze3A_660 = vector.extract %slice3A_659[0] : i32 from vector<1xi32>
      %swap3A_661 = arith.index_cast %squeeze3A_660 : i32 to index
      %swap3A_662 = arith.constant 0 : index
      %swap3A_663 = tpu.vector_load %arg9[%swap3A_661, %swap3A_662] {strides = array<i32>} : memref<5008x16xf32, #tpu.memory_space<vmem>>, vector<1x16xf32>,
      %swap3A_664 = vector.shape_cast %swap3A_663 : vector<1x16xf32> to vector<16xf32>
      %swap3A_665 = vector.shape_cast %get3A_568 : vector<16xf32> to vector<1x16xf32>
      tpu.vector_store %arg9[%swap3A_661, %swap3A_662], %swap3A_665 {add = true, strides = array<i32>} : memref<5008x16xf32, #tpu.memory_space<vmem>>, vector<1x16xf32>,
      %slice3A_666 = vector.extract_strided_slice %get3A_562 {offsets = [1], sizes = [1], strides = [1]} : vector<16xi32> to vector<1xi32>
      %squeeze3A_667 = vector.extract %slice3A_666[0] : i32 from vector<1xi32>
      %swap3A_668 = arith.index_cast %squeeze3A_667 : i32 to index
      %swap3A_669 = arith.constant 0 : index
      %swap3A_670 = tpu.vector_load %arg9[%swap3A_668, %swap3A_669] {strides = array<i32>} : memref<5008x16xf32, #tpu.memory_space<vmem>>, vector<1x16xf32>,
      %swap3A_671 = vector.shape_cast %swap3A_670 : vector<1x16xf32> to vector<16xf32>
      %swap3A_672 = vector.shape_cast %get3A_574 : vector<16xf32> to vector<1x16xf32>
      tpu.vector_store %arg9[%swap3A_668, %swap3A_669], %swap3A_672 {add = true, strides = array<i32>} : memref<5008x16xf32, #tpu.memory_space<vmem>>, vector<1x16xf32>,
      %slice3A_673 = vector.extract_strided_slice %get3A_562 {offsets = [2], sizes = [1], strides = [1]} : vector<16xi32> to vector<1xi32>
      %squeeze3A_674 = vector.extract %slice3A_673[0] : i32 from vector<1xi32>
      %swap3A_675 = arith.index_cast %squeeze3A_674 : i32 to index
      %swap3A_676 = arith.constant 0 : index
      %swap3A_677 = tpu.vector_load %arg9[%swap3A_675, %swap3A_676] {strides = array<i32>} : memref<5008x16xf32, #tpu.memory_space<vmem>>, vector<1x16xf32>,
      %swap3A_678 = vector.shape_cast %swap3A_677 : vector<1x16xf32> to vector<16xf32>
      %swap3A_679 = vector.shape_cast %get3A_580 : vector<16xf32> to vector<1x16xf32>
      tpu.vector_store %arg9[%swap3A_675, %swap3A_676], %swap3A_679 {add = true, strides = array<i32>} : memref<5008x16xf32, #tpu.memory_space<vmem>>, vector<1x16xf32>,
      %slice3A_680 = vector.extract_strided_slice %get3A_562 {offsets = [3], sizes = [1], strides = [1]} : vector<16xi32> to vector<1xi32>
      %squeeze3A_681 = vector.extract %slice3A_680[0] : i32 from vector<1xi32>
      %swap3A_682 = arith.index_cast %squeeze3A_681 : i32 to index
      %swap3A_683 = arith.constant 0 : index
      %swap3A_684 = tpu.vector_load %arg9[%swap3A_682, %swap3A_683] {strides = array<i32>} : memref<5008x16xf32, #tpu.memory_space<vmem>>, vector<1x16xf32>,
      %swap3A_685 = vector.shape_cast %swap3A_684 : vector<1x16xf32> to vector<16xf32>
      %swap3A_686 = vector.shape_cast %get3A_586 : vector<16xf32> to vector<1x16xf32>
      tpu.vector_store %arg9[%swap3A_682, %swap3A_683], %swap3A_686 {add = true, strides = array<i32>} : memref<5008x16xf32, #tpu.memory_space<vmem>>, vector<1x16xf32>,
      %slice3A_687 = vector.extract_strided_slice %get3A_562 {offsets = [4], sizes = [1], strides = [1]} : vector<16xi32> to vector<1xi32>
      %squeeze3A_688 = vector.extract %slice3A_687[0] : i32 from vector<1xi32>
      %swap3A_689 = arith.index_cast %squeeze3A_688 : i32 to index
      %swap3A_690 = arith.constant 0 : index
      %swap3A_691 = tpu.vector_load %arg9[%swap3A_689, %swap3A_690] {strides = array<i32>} : memref<5008x16xf32, #tpu.memory_space<vmem>>, vector<1x16xf32>,
      %swap3A_692 = vector.shape_cast %swap3A_691 : vector<1x16xf32> to vector<16xf32>
      %swap3A_693 = vector.shape_cast %get3A_592 : vector<16xf32> to vector<1x16xf32>
      tpu.vector_store %arg9[%swap3A_689, %swap3A_690], %swap3A_693 {add = true, strides = array<i32>} : memref<5008x16xf32, #tpu.memory_space<vmem>>, vector<1x16xf32>,
      %slice3A_694 = vector.extract_strided_slice %get3A_562 {offsets = [5], sizes = [1], strides = [1]} : vector<16xi32> to vector<1xi32>
      %squeeze3A_695 = vector.extract %slice3A_694[0] : i32 from vector<1xi32>
      %swap3A_696 = arith.index_cast %squeeze3A_695 : i32 to index
      %swap3A_697 = arith.constant 0 : index
      %swap3A_698 = tpu.vector_load %arg9[%swap3A_696, %swap3A_697] {strides = array<i32>} : memref<5008x16xf32, #tpu.memory_space<vmem>>, vector<1x16xf32>,
      %swap3A_699 = vector.shape_cast %swap3A_698 : vector<1x16xf32> to vector<16xf32>
      %swap3A_700 = vector.shape_cast %get3A_598 : vector<16xf32> to vector<1x16xf32>
      tpu.vector_store %arg9[%swap3A_696, %swap3A_697], %swap3A_700 {add = true, strides = array<i32>} : memref<5008x16xf32, #tpu.memory_space<vmem>>, vector<1x16xf32>,
      %slice3A_701 = vector.extract_strided_slice %get3A_562 {offsets = [6], sizes = [1], strides = [1]} : vector<16xi32> to vector<1xi32>
      %squeeze3A_702 = vector.extract %slice3A_701[0] : i32 from vector<1xi32>
      %swap3A_703 = arith.index_cast %squeeze3A_702 : i32 to index
      %swap3A_704 = arith.constant 0 : index
      %swap3A_705 = tpu.vector_load %arg9[%swap3A_703, %swap3A_704] {strides = array<i32>} : memref<5008x16xf32, #tpu.memory_space<vmem>>, vector<1x16xf32>,
      %swap3A_706 = vector.shape_cast %swap3A_705 : vector<1x16xf32> to vector<16xf32>
      %swap3A_707 = vector.shape_cast %get3A_604 : vector<16xf32> to vector<1x16xf32>
      tpu.vector_store %arg9[%swap3A_703, %swap3A_704], %swap3A_707 {add = true, strides = array<i32>} : memref<5008x16xf32, #tpu.memory_space<vmem>>, vector<1x16xf32>,
      %slice3A_708 = vector.extract_strided_slice %get3A_562 {offsets = [7], sizes = [1], strides = [1]} : vector<16xi32> to vector<1xi32>
      %squeeze3A_709 = vector.extract %slice3A_708[0] : i32 from vector<1xi32>
      %swap3A_710 = arith.index_cast %squeeze3A_709 : i32 to index
      %swap3A_711 = arith.constant 0 : index
      %swap3A_712 = tpu.vector_load %arg9[%swap3A_710, %swap3A_711] {strides = array<i32>} : memref<5008x16xf32, #tpu.memory_space<vmem>>, vector<1x16xf32>,
      %swap3A_713 = vector.shape_cast %swap3A_712 : vector<1x16xf32> to vector<16xf32>
      %swap3A_714 = vector.shape_cast %get3A_610 : vector<16xf32> to vector<1x16xf32>
      tpu.vector_store %arg9[%swap3A_710, %swap3A_711], %swap3A_714 {add = true, strides = array<i32>} : memref<5008x16xf32, #tpu.memory_space<vmem>>, vector<1x16xf32>,
      %slice3A_715 = vector.extract_strided_slice %get3A_562 {offsets = [8], sizes = [1], strides = [1]} : vector<16xi32> to vector<1xi32>
      %squeeze3A_716 = vector.extract %slice3A_715[0] : i32 from vector<1xi32>
      %swap3A_717 = arith.index_cast %squeeze3A_716 : i32 to index
      %swap3A_718 = arith.constant 0 : index
      %swap3A_719 = tpu.vector_load %arg9[%swap3A_717, %swap3A_718] {strides = array<i32>} : memref<5008x16xf32, #tpu.memory_space<vmem>>, vector<1x16xf32>,
      %swap3A_720 = vector.shape_cast %swap3A_719 : vector<1x16xf32> to vector<16xf32>
      %swap3A_721 = vector.shape_cast %get3A_616 : vector<16xf32> to vector<1x16xf32>
      tpu.vector_store %arg9[%swap3A_717, %swap3A_718], %swap3A_721 {add = true, strides = array<i32>} : memref<5008x16xf32, #tpu.memory_space<vmem>>, vector<1x16xf32>,
      %slice3A_722 = vector.extract_strided_slice %get3A_562 {offsets = [9], sizes = [1], strides = [1]} : vector<16xi32> to vector<1xi32>
      %squeeze3A_723 = vector.extract %slice3A_722[0] : i32 from vector<1xi32>
      %swap3A_724 = arith.index_cast %squeeze3A_723 : i32 to index
      %swap3A_725 = arith.constant 0 : index
      %swap3A_726 = tpu.vector_load %arg9[%swap3A_724, %swap3A_725] {strides = array<i32>} : memref<5008x16xf32, #tpu.memory_space<vmem>>, vector<1x16xf32>,
      %swap3A_727 = vector.shape_cast %swap3A_726 : vector<1x16xf32> to vector<16xf32>
      %swap3A_728 = vector.shape_cast %get3A_622 : vector<16xf32> to vector<1x16xf32>
      tpu.vector_store %arg9[%swap3A_724, %swap3A_725], %swap3A_728 {add = true, strides = array<i32>} : memref<5008x16xf32, #tpu.memory_space<vmem>>, vector<1x16xf32>,
      %slice3A_729 = vector.extract_strided_slice %get3A_562 {offsets = [10], sizes = [1], strides = [1]} : vector<16xi32> to vector<1xi32>
      %squeeze3A_730 = vector.extract %slice3A_729[0] : i32 from vector<1xi32>
      %swap3A_731 = arith.index_cast %squeeze3A_730 : i32 to index
      %swap3A_732 = arith.constant 0 : index
      %swap3A_733 = tpu.vector_load %arg9[%swap3A_731, %swap3A_732] {strides = array<i32>} : memref<5008x16xf32, #tpu.memory_space<vmem>>, vector<1x16xf32>,
      %swap3A_734 = vector.shape_cast %swap3A_733 : vector<1x16xf32> to vector<16xf32>
      %swap3A_735 = vector.shape_cast %get3A_628 : vector<16xf32> to vector<1x16xf32>
      tpu.vector_store %arg9[%swap3A_731, %swap3A_732], %swap3A_735 {add = true, strides = array<i32>} : memref<5008x16xf32, #tpu.memory_space<vmem>>, vector<1x16xf32>,
      %slice3A_736 = vector.extract_strided_slice %get3A_562 {offsets = [11], sizes = [1], strides = [1]} : vector<16xi32> to vector<1xi32>
      %squeeze3A_737 = vector.extract %slice3A_736[0] : i32 from vector<1xi32>
      %swap3A_738 = arith.index_cast %squeeze3A_737 : i32 to index
      %swap3A_739 = arith.constant 0 : index
      %swap3A_740 = tpu.vector_load %arg9[%swap3A_738, %swap3A_739] {strides = array<i32>} : memref<5008x16xf32, #tpu.memory_space<vmem>>, vector<1x16xf32>,
      %swap3A_741 = vector.shape_cast %swap3A_740 : vector<1x16xf32> to vector<16xf32>
      %swap3A_742 = vector.shape_cast %get3A_634 : vector<16xf32> to vector<1x16xf32>
      tpu.vector_store %arg9[%swap3A_738, %swap3A_739], %swap3A_742 {add = true, strides = array<i32>} : memref<5008x16xf32, #tpu.memory_space<vmem>>, vector<1x16xf32>,
      %slice3A_743 = vector.extract_strided_slice %get3A_562 {offsets = [12], sizes = [1], strides = [1]} : vector<16xi32> to vector<1xi32>
      %squeeze3A_744 = vector.extract %slice3A_743[0] : i32 from vector<1xi32>
      %swap3A_745 = arith.index_cast %squeeze3A_744 : i32 to index
      %swap3A_746 = arith.constant 0 : index
      %swap3A_747 = tpu.vector_load %arg9[%swap3A_745, %swap3A_746] {strides = array<i32>} : memref<5008x16xf32, #tpu.memory_space<vmem>>, vector<1x16xf32>,
      %swap3A_748 = vector.shape_cast %swap3A_747 : vector<1x16xf32> to vector<16xf32>
      %swap3A_749 = vector.shape_cast %get3A_640 : vector<16xf32> to vector<1x16xf32>
      tpu.vector_store %arg9[%swap3A_745, %swap3A_746], %swap3A_749 {add = true, strides = array<i32>} : memref<5008x16xf32, #tpu.memory_space<vmem>>, vector<1x16xf32>,
      %slice3A_750 = vector.extract_strided_slice %get3A_562 {offsets = [13], sizes = [1], strides = [1]} : vector<16xi32> to vector<1xi32>
      %squeeze3A_751 = vector.extract %slice3A_750[0] : i32 from vector<1xi32>
      %swap3A_752 = arith.index_cast %squeeze3A_751 : i32 to index
      %swap3A_753 = arith.constant 0 : index
      %swap3A_754 = tpu.vector_load %arg9[%swap3A_752, %swap3A_753] {strides = array<i32>} : memref<5008x16xf32, #tpu.memory_space<vmem>>, vector<1x16xf32>,
      %swap3A_755 = vector.shape_cast %swap3A_754 : vector<1x16xf32> to vector<16xf32>
      %swap3A_756 = vector.shape_cast %get3A_646 : vector<16xf32> to vector<1x16xf32>
      tpu.vector_store %arg9[%swap3A_752, %swap3A_753], %swap3A_756 {add = true, strides = array<i32>} : memref<5008x16xf32, #tpu.memory_space<vmem>>, vector<1x16xf32>,
      %slice3A_757 = vector.extract_strided_slice %get3A_562 {offsets = [14], sizes = [1], strides = [1]} : vector<16xi32> to vector<1xi32>
      %squeeze3A_758 = vector.extract %slice3A_757[0] : i32 from vector<1xi32>
      %swap3A_759 = arith.index_cast %squeeze3A_758 : i32 to index
      %swap3A_760 = arith.constant 0 : index
      %swap3A_761 = tpu.vector_load %arg9[%swap3A_759, %swap3A_760] {strides = array<i32>} : memref<5008x16xf32, #tpu.memory_space<vmem>>, vector<1x16xf32>,
      %swap3A_762 = vector.shape_cast %swap3A_761 : vector<1x16xf32> to vector<16xf32>
      %swap3A_763 = vector.shape_cast %get3A_652 : vector<16xf32> to vector<1x16xf32>
      tpu.vector_store %arg9[%swap3A_759, %swap3A_760], %swap3A_763 {add = true, strides = array<i32>} : memref<5008x16xf32, #tpu.memory_space<vmem>>, vector<1x16xf32>,
      %slice3A_764 = vector.extract_strided_slice %get3A_562 {offsets = [15], sizes = [1], strides = [1]} : vector<16xi32> to vector<1xi32>
      %squeeze3A_765 = vector.extract %slice3A_764[0] : i32 from vector<1xi32>
      %swap3A_766 = arith.index_cast %squeeze3A_765 : i32 to index
      %swap3A_767 = arith.constant 0 : index
      %swap3A_768 = tpu.vector_load %arg9[%swap3A_766, %swap3A_767] {strides = array<i32>} : memref<5008x16xf32, #tpu.memory_space<vmem>>, vector<1x16xf32>,
      %swap3A_769 = vector.shape_cast %swap3A_768 : vector<1x16xf32> to vector<16xf32>
      %swap3A_770 = vector.shape_cast %get3A_658 : vector<16xf32> to vector<1x16xf32>
      tpu.vector_store %arg9[%swap3A_766, %swap3A_767], %swap3A_770 {add = true, strides = array<i32>} : memref<5008x16xf32, #tpu.memory_space<vmem>>, vector<1x16xf32>,
      %add3A_771 = arith.constant 32 : i32
      %add3A_772 = arith.addi %mul3A_346, %add3A_771 : i32
      %get3A_773 = arith.index_cast %rem3A_344 : i32 to index
      %get3A_774 = arith.index_cast %add3A_772 : i32 to index
      %get3A_775 = tpu.vector_load %arg7[%get3A_773, %get3A_774] {strides = array<i32>} : memref<3x1280xi32, #tpu.memory_space<vmem>>, vector<1x16xi32>,
      %get3A_776 = vector.shape_cast %get3A_775 : vector<1x16xi32> to vector<16xi32>
      %get3A_777 = arith.constant 32 : i32
      %get3A_778 = arith.index_cast %rem3A_318 : i32 to index
      %get3A_779 = arith.index_cast %get3A_777 : i32 to index
      %get3A_780 = arith.constant 0 : index
      %get3A_781 = tpu.vector_load %arg8[%get3A_778, %get3A_779, %get3A_780] {strides = array<i32>} : memref<12x128x16xf32, #tpu.memory_space<vmem>>, vector<1x1x16xf32>,
      %get3A_782 = vector.shape_cast %get3A_781 : vector<1x1x16xf32> to vector<16xf32>
      %get3A_783 = arith.constant 33 : i32
      %get3A_784 = arith.index_cast %rem3A_318 : i32 to index
      %get3A_785 = arith.index_cast %get3A_783 : i32 to index
      %get3A_786 = arith.constant 0 : index
      %get3A_787 = tpu.vector_load %arg8[%get3A_784, %get3A_785, %get3A_786] {strides = array<i32>} : memref<12x128x16xf32, #tpu.memory_space<vmem>>, vector<1x1x16xf32>,
      %get3A_788 = vector.shape_cast %get3A_787 : vector<1x1x16xf32> to vector<16xf32>
      %get3A_789 = arith.constant 34 : i32
      %get3A_790 = arith.index_cast %rem3A_318 : i32 to index
      %get3A_791 = arith.index_cast %get3A_789 : i32 to index
      %get3A_792 = arith.constant 0 : index
      %get3A_793 = tpu.vector_load %arg8[%get3A_790, %get3A_791, %get3A_792] {strides = array<i32>} : memref<12x128x16xf32, #tpu.memory_space<vmem>>, vector<1x1x16xf32>,
      %get3A_794 = vector.shape_cast %get3A_793 : vector<1x1x16xf32> to vector<16xf32>
      %get3A_795 = arith.constant 35 : i32
      %get3A_796 = arith.index_cast %rem3A_318 : i32 to index
      %get3A_797 = arith.index_cast %get3A_795 : i32 to index
      %get3A_798 = arith.constant 0 : index
      %get3A_799 = tpu.vector_load %arg8[%get3A_796, %get3A_797, %get3A_798] {strides = array<i32>} : memref<12x128x16xf32, #tpu.memory_space<vmem>>, vector<1x1x16xf32>,
      %get3A_800 = vector.shape_cast %get3A_799 : vector<1x1x16xf32> to vector<16xf32>
      %get3A_801 = arith.constant 36 : i32
      %get3A_802 = arith.index_cast %rem3A_318 : i32 to index
      %get3A_803 = arith.index_cast %get3A_801 : i32 to index
      %get3A_804 = arith.constant 0 : index
      %get3A_805 = tpu.vector_load %arg8[%get3A_802, %get3A_803, %get3A_804] {strides = array<i32>} : memref<12x128x16xf32, #tpu.memory_space<vmem>>, vector<1x1x16xf32>,
      %get3A_806 = vector.shape_cast %get3A_805 : vector<1x1x16xf32> to vector<16xf32>
      %get3A_807 = arith.constant 37 : i32
      %get3A_808 = arith.index_cast %rem3A_318 : i32 to index
      %get3A_809 = arith.index_cast %get3A_807 : i32 to index
      %get3A_810 = arith.constant 0 : index
      %get3A_811 = tpu.vector_load %arg8[%get3A_808, %get3A_809, %get3A_810] {strides = array<i32>} : memref<12x128x16xf32, #tpu.memory_space<vmem>>, vector<1x1x16xf32>,
      %get3A_812 = vector.shape_cast %get3A_811 : vector<1x1x16xf32> to vector<16xf32>
      %get3A_813 = arith.constant 38 : i32
      %get3A_814 = arith.index_cast %rem3A_318 : i32 to index
      %get3A_815 = arith.index_cast %get3A_813 : i32 to index
      %get3A_816 = arith.constant 0 : index
      %get3A_817 = tpu.vector_load %arg8[%get3A_814, %get3A_815, %get3A_816] {strides = array<i32>} : memref<12x128x16xf32, #tpu.memory_space<vmem>>, vector<1x1x16xf32>,
      %get3A_818 = vector.shape_cast %get3A_817 : vector<1x1x16xf32> to vector<16xf32>
      %get3A_819 = arith.constant 39 : i32
      %get3A_820 = arith.index_cast %rem3A_318 : i32 to index
      %get3A_821 = arith.index_cast %get3A_819 : i32 to index
      %get3A_822 = arith.constant 0 : index
      %get3A_823 = tpu.vector_load %arg8[%get3A_820, %get3A_821, %get3A_822] {strides = array<i32>} : memref<12x128x16xf32, #tpu.memory_space<vmem>>, vector<1x1x16xf32>,
      %get3A_824 = vector.shape_cast %get3A_823 : vector<1x1x16xf32> to vector<16xf32>
      %get3A_825 = arith.constant 40 : i32
      %get3A_826 = arith.index_cast %rem3A_318 : i32 to index
      %get3A_827 = arith.index_cast %get3A_825 : i32 to index
      %get3A_828 = arith.constant 0 : index
      %get3A_829 = tpu.vector_load %arg8[%get3A_826, %get3A_827, %get3A_828] {strides = array<i32>} : memref<12x128x16xf32, #tpu.memory_space<vmem>>, vector<1x1x16xf32>,
      %get3A_830 = vector.shape_cast %get3A_829 : vector<1x1x16xf32> to vector<16xf32>
      %get3A_831 = arith.constant 41 : i32
      %get3A_832 = arith.index_cast %rem3A_318 : i32 to index
      %get3A_833 = arith.index_cast %get3A_831 : i32 to index
      %get3A_834 = arith.constant 0 : index
      %get3A_835 = tpu.vector_load %arg8[%get3A_832, %get3A_833, %get3A_834] {strides = array<i32>} : memref<12x128x16xf32, #tpu.memory_space<vmem>>, vector<1x1x16xf32>,
      %get3A_836 = vector.shape_cast %get3A_835 : vector<1x1x16xf32> to vector<16xf32>
      %get3A_837 = arith.constant 42 : i32
      %get3A_838 = arith.index_cast %rem3A_318 : i32 to index
      %get3A_839 = arith.index_cast %get3A_837 : i32 to index
      %get3A_840 = arith.constant 0 : index
      %get3A_841 = tpu.vector_load %arg8[%get3A_838, %get3A_839, %get3A_840] {strides = array<i32>} : memref<12x128x16xf32, #tpu.memory_space<vmem>>, vector<1x1x16xf32>,
      %get3A_842 = vector.shape_cast %get3A_841 : vector<1x1x16xf32> to vector<16xf32>
      %get3A_843 = arith.constant 43 : i32
      %get3A_844 = arith.index_cast %rem3A_318 : i32 to index
      %get3A_845 = arith.index_cast %get3A_843 : i32 to index
      %get3A_846 = arith.constant 0 : index
      %get3A_847 = tpu.vector_load %arg8[%get3A_844, %get3A_845, %get3A_846] {strides = array<i32>} : memref<12x128x16xf32, #tpu.memory_space<vmem>>, vector<1x1x16xf32>,
      %get3A_848 = vector.shape_cast %get3A_847 : vector<1x1x16xf32> to vector<16xf32>
      %get3A_849 = arith.constant 44 : i32
      %get3A_850 = arith.index_cast %rem3A_318 : i32 to index
      %get3A_851 = arith.index_cast %get3A_849 : i32 to index
      %get3A_852 = arith.constant 0 : index
      %get3A_853 = tpu.vector_load %arg8[%get3A_850, %get3A_851, %get3A_852] {strides = array<i32>} : memref<12x128x16xf32, #tpu.memory_space<vmem>>, vector<1x1x16xf32>,
      %get3A_854 = vector.shape_cast %get3A_853 : vector<1x1x16xf32> to vector<16xf32>
      %get3A_855 = arith.constant 45 : i32
      %get3A_856 = arith.index_cast %rem3A_318 : i32 to index
      %get3A_857 = arith.index_cast %get3A_855 : i32 to index
      %get3A_858 = arith.constant 0 : index
      %get3A_859 = tpu.vector_load %arg8[%get3A_856, %get3A_857, %get3A_858] {strides = array<i32>} : memref<12x128x16xf32, #tpu.memory_space<vmem>>, vector<1x1x16xf32>,
      %get3A_860 = vector.shape_cast %get3A_859 : vector<1x1x16xf32> to vector<16xf32>
      %get3A_861 = arith.constant 46 : i32
      %get3A_862 = arith.index_cast %rem3A_318 : i32 to index
      %get3A_863 = arith.index_cast %get3A_861 : i32 to index
      %get3A_864 = arith.constant 0 : index
      %get3A_865 = tpu.vector_load %arg8[%get3A_862, %get3A_863, %get3A_864] {strides = array<i32>} : memref<12x128x16xf32, #tpu.memory_space<vmem>>, vector<1x1x16xf32>,
      %get3A_866 = vector.shape_cast %get3A_865 : vector<1x1x16xf32> to vector<16xf32>
      %get3A_867 = arith.constant 47 : i32
      %get3A_868 = arith.index_cast %rem3A_318 : i32 to index
      %get3A_869 = arith.index_cast %get3A_867 : i32 to index
      %get3A_870 = arith.constant 0 : index
      %get3A_871 = tpu.vector_load %arg8[%get3A_868, %get3A_869, %get3A_870] {strides = array<i32>} : memref<12x128x16xf32, #tpu.memory_space<vmem>>, vector<1x1x16xf32>,
      %get3A_872 = vector.shape_cast %get3A_871 : vector<1x1x16xf32> to vector<16xf32>
      %slice3A_873 = vector.extract_strided_slice %get3A_776 {offsets = [0], sizes = [1], strides = [1]} : vector<16xi32> to vector<1xi32>
      %squeeze3A_874 = vector.extract %slice3A_873[0] : i32 from vector<1xi32>
      %swap3A_875 = arith.index_cast %squeeze3A_874 : i32 to index
      %swap3A_876 = arith.constant 0 : index
      %swap3A_877 = tpu.vector_load %arg9[%swap3A_875, %swap3A_876] {strides = array<i32>} : memref<5008x16xf32, #tpu.memory_space<vmem>>, vector<1x16xf32>,
      %swap3A_878 = vector.shape_cast %swap3A_877 : vector<1x16xf32> to vector<16xf32>
      %swap3A_879 = vector.shape_cast %get3A_782 : vector<16xf32> to vector<1x16xf32>
      tpu.vector_store %arg9[%swap3A_875, %swap3A_876], %swap3A_879 {add = true, strides = array<i32>} : memref<5008x16xf32, #tpu.memory_space<vmem>>, vector<1x16xf32>,
      %slice3A_880 = vector.extract_strided_slice %get3A_776 {offsets = [1], sizes = [1], strides = [1]} : vector<16xi32> to vector<1xi32>
      %squeeze3A_881 = vector.extract %slice3A_880[0] : i32 from vector<1xi32>
      %swap3A_882 = arith.index_cast %squeeze3A_881 : i32 to index
      %swap3A_883 = arith.constant 0 : index
      %swap3A_884 = tpu.vector_load %arg9[%swap3A_882, %swap3A_883] {strides = array<i32>} : memref<5008x16xf32, #tpu.memory_space<vmem>>, vector<1x16xf32>,
      %swap3A_885 = vector.shape_cast %swap3A_884 : vector<1x16xf32> to vector<16xf32>
      %swap3A_886 = vector.shape_cast %get3A_788 : vector<16xf32> to vector<1x16xf32>
      tpu.vector_store %arg9[%swap3A_882, %swap3A_883], %swap3A_886 {add = true, strides = array<i32>} : memref<5008x16xf32, #tpu.memory_space<vmem>>, vector<1x16xf32>,
      %slice3A_887 = vector.extract_strided_slice %get3A_776 {offsets = [2], sizes = [1], strides = [1]} : vector<16xi32> to vector<1xi32>
      %squeeze3A_888 = vector.extract %slice3A_887[0] : i32 from vector<1xi32>
      %swap3A_889 = arith.index_cast %squeeze3A_888 : i32 to index
      %swap3A_890 = arith.constant 0 : index
      %swap3A_891 = tpu.vector_load %arg9[%swap3A_889, %swap3A_890] {strides = array<i32>} : memref<5008x16xf32, #tpu.memory_space<vmem>>, vector<1x16xf32>,
      %swap3A_892 = vector.shape_cast %swap3A_891 : vector<1x16xf32> to vector<16xf32>
      %swap3A_893 = vector.shape_cast %get3A_794 : vector<16xf32> to vector<1x16xf32>
      tpu.vector_store %arg9[%swap3A_889, %swap3A_890], %swap3A_893 {add = true, strides = array<i32>} : memref<5008x16xf32, #tpu.memory_space<vmem>>, vector<1x16xf32>,
      %slice3A_894 = vector.extract_strided_slice %get3A_776 {offsets = [3], sizes = [1], strides = [1]} : vector<16xi32> to vector<1xi32>
      %squeeze3A_895 = vector.extract %slice3A_894[0] : i32 from vector<1xi32>
      %swap3A_896 = arith.index_cast %squeeze3A_895 : i32 to index
      %swap3A_897 = arith.constant 0 : index
      %swap3A_898 = tpu.vector_load %arg9[%swap3A_896, %swap3A_897] {strides = array<i32>} : memref<5008x16xf32, #tpu.memory_space<vmem>>, vector<1x16xf32>,
      %swap3A_899 = vector.shape_cast %swap3A_898 : vector<1x16xf32> to vector<16xf32>
      %swap3A_900 = vector.shape_cast %get3A_800 : vector<16xf32> to vector<1x16xf32>
      tpu.vector_store %arg9[%swap3A_896, %swap3A_897], %swap3A_900 {add = true, strides = array<i32>} : memref<5008x16xf32, #tpu.memory_space<vmem>>, vector<1x16xf32>,
      %slice3A_901 = vector.extract_strided_slice %get3A_776 {offsets = [4], sizes = [1], strides = [1]} : vector<16xi32> to vector<1xi32>
      %squeeze3A_902 = vector.extract %slice3A_901[0] : i32 from vector<1xi32>
      %swap3A_903 = arith.index_cast %squeeze3A_902 : i32 to index
      %swap3A_904 = arith.constant 0 : index
      %swap3A_905 = tpu.vector_load %arg9[%swap3A_903, %swap3A_904] {strides = array<i32>} : memref<5008x16xf32, #tpu.memory_space<vmem>>, vector<1x16xf32>,
      %swap3A_906 = vector.shape_cast %swap3A_905 : vector<1x16xf32> to vector<16xf32>
      %swap3A_907 = vector.shape_cast %get3A_806 : vector<16xf32> to vector<1x16xf32>
      tpu.vector_store %arg9[%swap3A_903, %swap3A_904], %swap3A_907 {add = true, strides = array<i32>} : memref<5008x16xf32, #tpu.memory_space<vmem>>, vector<1x16xf32>,
      %slice3A_908 = vector.extract_strided_slice %get3A_776 {offsets = [5], sizes = [1], strides = [1]} : vector<16xi32> to vector<1xi32>
      %squeeze3A_909 = vector.extract %slice3A_908[0] : i32 from vector<1xi32>
      %swap3A_910 = arith.index_cast %squeeze3A_909 : i32 to index
      %swap3A_911 = arith.constant 0 : index
      %swap3A_912 = tpu.vector_load %arg9[%swap3A_910, %swap3A_911] {strides = array<i32>} : memref<5008x16xf32, #tpu.memory_space<vmem>>, vector<1x16xf32>,
      %swap3A_913 = vector.shape_cast %swap3A_912 : vector<1x16xf32> to vector<16xf32>
      %swap3A_914 = vector.shape_cast %get3A_812 : vector<16xf32> to vector<1x16xf32>
      tpu.vector_store %arg9[%swap3A_910, %swap3A_911], %swap3A_914 {add = true, strides = array<i32>} : memref<5008x16xf32, #tpu.memory_space<vmem>>, vector<1x16xf32>,
      %slice3A_915 = vector.extract_strided_slice %get3A_776 {offsets = [6], sizes = [1], strides = [1]} : vector<16xi32> to vector<1xi32>
      %squeeze3A_916 = vector.extract %slice3A_915[0] : i32 from vector<1xi32>
      %swap3A_917 = arith.index_cast %squeeze3A_916 : i32 to index
      %swap3A_918 = arith.constant 0 : index
      %swap3A_919 = tpu.vector_load %arg9[%swap3A_917, %swap3A_918] {strides = array<i32>} : memref<5008x16xf32, #tpu.memory_space<vmem>>, vector<1x16xf32>,
      %swap3A_920 = vector.shape_cast %swap3A_919 : vector<1x16xf32> to vector<16xf32>
      %swap3A_921 = vector.shape_cast %get3A_818 : vector<16xf32> to vector<1x16xf32>
      tpu.vector_store %arg9[%swap3A_917, %swap3A_918], %swap3A_921 {add = true, strides = array<i32>} : memref<5008x16xf32, #tpu.memory_space<vmem>>, vector<1x16xf32>,
      %slice3A_922 = vector.extract_strided_slice %get3A_776 {offsets = [7], sizes = [1], strides = [1]} : vector<16xi32> to vector<1xi32>
      %squeeze3A_923 = vector.extract %slice3A_922[0] : i32 from vector<1xi32>
      %swap3A_924 = arith.index_cast %squeeze3A_923 : i32 to index
      %swap3A_925 = arith.constant 0 : index
      %swap3A_926 = tpu.vector_load %arg9[%swap3A_924, %swap3A_925] {strides = array<i32>} : memref<5008x16xf32, #tpu.memory_space<vmem>>, vector<1x16xf32>,
      %swap3A_927 = vector.shape_cast %swap3A_926 : vector<1x16xf32> to vector<16xf32>
      %swap3A_928 = vector.shape_cast %get3A_824 : vector<16xf32> to vector<1x16xf32>
      tpu.vector_store %arg9[%swap3A_924, %swap3A_925], %swap3A_928 {add = true, strides = array<i32>} : memref<5008x16xf32, #tpu.memory_space<vmem>>, vector<1x16xf32>,
      %slice3A_929 = vector.extract_strided_slice %get3A_776 {offsets = [8], sizes = [1], strides = [1]} : vector<16xi32> to vector<1xi32>
      %squeeze3A_930 = vector.extract %slice3A_929[0] : i32 from vector<1xi32>
      %swap3A_931 = arith.index_cast %squeeze3A_930 : i32 to index
      %swap3A_932 = arith.constant 0 : index
      %swap3A_933 = tpu.vector_load %arg9[%swap3A_931, %swap3A_932] {strides = array<i32>} : memref<5008x16xf32, #tpu.memory_space<vmem>>, vector<1x16xf32>,
      %swap3A_934 = vector.shape_cast %swap3A_933 : vector<1x16xf32> to vector<16xf32>
      %swap3A_935 = vector.shape_cast %get3A_830 : vector<16xf32> to vector<1x16xf32>
      tpu.vector_store %arg9[%swap3A_931, %swap3A_932], %swap3A_935 {add = true, strides = array<i32>} : memref<5008x16xf32, #tpu.memory_space<vmem>>, vector<1x16xf32>,
      %slice3A_936 = vector.extract_strided_slice %get3A_776 {offsets = [9], sizes = [1], strides = [1]} : vector<16xi32> to vector<1xi32>
      %squeeze3A_937 = vector.extract %slice3A_936[0] : i32 from vector<1xi32>
      %swap3A_938 = arith.index_cast %squeeze3A_937 : i32 to index
      %swap3A_939 = arith.constant 0 : index
      %swap3A_940 = tpu.vector_load %arg9[%swap3A_938, %swap3A_939] {strides = array<i32>} : memref<5008x16xf32, #tpu.memory_space<vmem>>, vector<1x16xf32>,
      %swap3A_941 = vector.shape_cast %swap3A_940 : vector<1x16xf32> to vector<16xf32>
      %swap3A_942 = vector.shape_cast %get3A_836 : vector<16xf32> to vector<1x16xf32>
      tpu.vector_store %arg9[%swap3A_938, %swap3A_939], %swap3A_942 {add = true, strides = array<i32>} : memref<5008x16xf32, #tpu.memory_space<vmem>>, vector<1x16xf32>,
      %slice3A_943 = vector.extract_strided_slice %get3A_776 {offsets = [10], sizes = [1], strides = [1]} : vector<16xi32> to vector<1xi32>
      %squeeze3A_944 = vector.extract %slice3A_943[0] : i32 from vector<1xi32>
      %swap3A_945 = arith.index_cast %squeeze3A_944 : i32 to index
      %swap3A_946 = arith.constant 0 : index
      %swap3A_947 = tpu.vector_load %arg9[%swap3A_945, %swap3A_946] {strides = array<i32>} : memref<5008x16xf32, #tpu.memory_space<vmem>>, vector<1x16xf32>,
      %swap3A_948 = vector.shape_cast %swap3A_947 : vector<1x16xf32> to vector<16xf32>
      %swap3A_949 = vector.shape_cast %get3A_842 : vector<16xf32> to vector<1x16xf32>
      tpu.vector_store %arg9[%swap3A_945, %swap3A_946], %swap3A_949 {add = true, strides = array<i32>} : memref<5008x16xf32, #tpu.memory_space<vmem>>, vector<1x16xf32>,
      %slice3A_950 = vector.extract_strided_slice %get3A_776 {offsets = [11], sizes = [1], strides = [1]} : vector<16xi32> to vector<1xi32>
      %squeeze3A_951 = vector.extract %slice3A_950[0] : i32 from vector<1xi32>
      %swap3A_952 = arith.index_cast %squeeze3A_951 : i32 to index
      %swap3A_953 = arith.constant 0 : index
      %swap3A_954 = tpu.vector_load %arg9[%swap3A_952, %swap3A_953] {strides = array<i32>} : memref<5008x16xf32, #tpu.memory_space<vmem>>, vector<1x16xf32>,
      %swap3A_955 = vector.shape_cast %swap3A_954 : vector<1x16xf32> to vector<16xf32>
      %swap3A_956 = vector.shape_cast %get3A_848 : vector<16xf32> to vector<1x16xf32>
      tpu.vector_store %arg9[%swap3A_952, %swap3A_953], %swap3A_956 {add = true, strides = array<i32>} : memref<5008x16xf32, #tpu.memory_space<vmem>>, vector<1x16xf32>,
      %slice3A_957 = vector.extract_strided_slice %get3A_776 {offsets = [12], sizes = [1], strides = [1]} : vector<16xi32> to vector<1xi32>
      %squeeze3A_958 = vector.extract %slice3A_957[0] : i32 from vector<1xi32>
      %swap3A_959 = arith.index_cast %squeeze3A_958 : i32 to index
      %swap3A_960 = arith.constant 0 : index
      %swap3A_961 = tpu.vector_load %arg9[%swap3A_959, %swap3A_960] {strides = array<i32>} : memref<5008x16xf32, #tpu.memory_space<vmem>>, vector<1x16xf32>,
      %swap3A_962 = vector.shape_cast %swap3A_961 : vector<1x16xf32> to vector<16xf32>
      %swap3A_963 = vector.shape_cast %get3A_854 : vector<16xf32> to vector<1x16xf32>
      tpu.vector_store %arg9[%swap3A_959, %swap3A_960], %swap3A_963 {add = true, strides = array<i32>} : memref<5008x16xf32, #tpu.memory_space<vmem>>, vector<1x16xf32>,
      %slice3A_964 = vector.extract_strided_slice %get3A_776 {offsets = [13], sizes = [1], strides = [1]} : vector<16xi32> to vector<1xi32>
      %squeeze3A_965 = vector.extract %slice3A_964[0] : i32 from vector<1xi32>
      %swap3A_966 = arith.index_cast %squeeze3A_965 : i32 to index
      %swap3A_967 = arith.constant 0 : index
      %swap3A_968 = tpu.vector_load %arg9[%swap3A_966, %swap3A_967] {strides = array<i32>} : memref<5008x16xf32, #tpu.memory_space<vmem>>, vector<1x16xf32>,
      %swap3A_969 = vector.shape_cast %swap3A_968 : vector<1x16xf32> to vector<16xf32>
      %swap3A_970 = vector.shape_cast %get3A_860 : vector<16xf32> to vector<1x16xf32>
      tpu.vector_store %arg9[%swap3A_966, %swap3A_967], %swap3A_970 {add = true, strides = array<i32>} : memref<5008x16xf32, #tpu.memory_space<vmem>>, vector<1x16xf32>,
      %slice3A_971 = vector.extract_strided_slice %get3A_776 {offsets = [14], sizes = [1], strides = [1]} : vector<16xi32> to vector<1xi32>
      %squeeze3A_972 = vector.extract %slice3A_971[0] : i32 from vector<1xi32>
      %swap3A_973 = arith.index_cast %squeeze3A_972 : i32 to index
      %swap3A_974 = arith.constant 0 : index
      %swap3A_975 = tpu.vector_load %arg9[%swap3A_973, %swap3A_974] {strides = array<i32>} : memref<5008x16xf32, #tpu.memory_space<vmem>>, vector<1x16xf32>,
      %swap3A_976 = vector.shape_cast %swap3A_975 : vector<1x16xf32> to vector<16xf32>
      %swap3A_977 = vector.shape_cast %get3A_866 : vector<16xf32> to vector<1x16xf32>
      tpu.vector_store %arg9[%swap3A_973, %swap3A_974], %swap3A_977 {add = true, strides = array<i32>} : memref<5008x16xf32, #tpu.memory_space<vmem>>, vector<1x16xf32>,
      %slice3A_978 = vector.extract_strided_slice %get3A_776 {offsets = [15], sizes = [1], strides = [1]} : vector<16xi32> to vector<1xi32>
      %squeeze3A_979 = vector.extract %slice3A_978[0] : i32 from vector<1xi32>
      %swap3A_980 = arith.index_cast %squeeze3A_979 : i32 to index
      %swap3A_981 = arith.constant 0 : index
      %swap3A_982 = tpu.vector_load %arg9[%swap3A_980, %swap3A_981] {strides = array<i32>} : memref<5008x16xf32, #tpu.memory_space<vmem>>, vector<1x16xf32>,
      %swap3A_983 = vector.shape_cast %swap3A_982 : vector<1x16xf32> to vector<16xf32>
      %swap3A_984 = vector.shape_cast %get3A_872 : vector<16xf32> to vector<1x16xf32>
      tpu.vector_store %arg9[%swap3A_980, %swap3A_981], %swap3A_984 {add = true, strides = array<i32>} : memref<5008x16xf32, #tpu.memory_space<vmem>>, vector<1x16xf32>,
      %add3A_985 = arith.constant 48 : i32
      %add3A_986 = arith.addi %mul3A_346, %add3A_985 : i32
      %get3A_987 = arith.index_cast %rem3A_344 : i32 to index
      %get3A_988 = arith.index_cast %add3A_986 : i32 to index
      %get3A_989 = tpu.vector_load %arg7[%get3A_987, %get3A_988] {strides = array<i32>} : memref<3x1280xi32, #tpu.memory_space<vmem>>, vector<1x16xi32>,
      %get3A_990 = vector.shape_cast %get3A_989 : vector<1x16xi32> to vector<16xi32>
      %get3A_991 = arith.constant 48 : i32
      %get3A_992 = arith.index_cast %rem3A_318 : i32 to index
      %get3A_993 = arith.index_cast %get3A_991 : i32 to index
      %get3A_994 = arith.constant 0 : index
      %get3A_995 = tpu.vector_load %arg8[%get3A_992, %get3A_993, %get3A_994] {strides = array<i32>} : memref<12x128x16xf32, #tpu.memory_space<vmem>>, vector<1x1x16xf32>,
      %get3A_996 = vector.shape_cast %get3A_995 : vector<1x1x16xf32> to vector<16xf32>
      %get3A_997 = arith.constant 49 : i32
      %get3A_998 = arith.index_cast %rem3A_318 : i32 to index
      %get3A_999 = arith.index_cast %get3A_997 : i32 to index
      %get3A_1000 = arith.constant 0 : index
      %get3A_1001 = tpu.vector_load %arg8[%get3A_998, %get3A_999, %get3A_1000] {strides = array<i32>} : memref<12x128x16xf32, #tpu.memory_space<vmem>>, vector<1x1x16xf32>,
      %get3A_1002 = vector.shape_cast %get3A_1001 : vector<1x1x16xf32> to vector<16xf32>
      %get3A_1003 = arith.constant 50 : i32
      %get3A_1004 = arith.index_cast %rem3A_318 : i32 to index
      %get3A_1005 = arith.index_cast %get3A_1003 : i32 to index
      %get3A_1006 = arith.constant 0 : index
      %get3A_1007 = tpu.vector_load %arg8[%get3A_1004, %get3A_1005, %get3A_1006] {strides = array<i32>} : memref<12x128x16xf32, #tpu.memory_space<vmem>>, vector<1x1x16xf32>,
      %get3A_1008 = vector.shape_cast %get3A_1007 : vector<1x1x16xf32> to vector<16xf32>
      %get3A_1009 = arith.constant 51 : i32
      %get3A_1010 = arith.index_cast %rem3A_318 : i32 to index
      %get3A_1011 = arith.index_cast %get3A_1009 : i32 to index
      %get3A_1012 = arith.constant 0 : index
      %get3A_1013 = tpu.vector_load %arg8[%get3A_1010, %get3A_1011, %get3A_1012] {strides = array<i32>} : memref<12x128x16xf32, #tpu.memory_space<vmem>>, vector<1x1x16xf32>,
      %get3A_1014 = vector.shape_cast %get3A_1013 : vector<1x1x16xf32> to vector<16xf32>
      %get3A_1015 = arith.constant 52 : i32
      %get3A_1016 = arith.index_cast %rem3A_318 : i32 to index
      %get3A_1017 = arith.index_cast %get3A_1015 : i32 to index
      %get3A_1018 = arith.constant 0 : index
      %get3A_1019 = tpu.vector_load %arg8[%get3A_1016, %get3A_1017, %get3A_1018] {strides = array<i32>} : memref<12x128x16xf32, #tpu.memory_space<vmem>>, vector<1x1x16xf32>,
      %get3A_1020 = vector.shape_cast %get3A_1019 : vector<1x1x16xf32> to vector<16xf32>
      %get3A_1021 = arith.constant 53 : i32
      %get3A_1022 = arith.index_cast %rem3A_318 : i32 to index
      %get3A_1023 = arith.index_cast %get3A_1021 : i32 to index
      %get3A_1024 = arith.constant 0 : index
      %get3A_1025 = tpu.vector_load %arg8[%get3A_1022, %get3A_1023, %get3A_1024] {strides = array<i32>} : memref<12x128x16xf32, #tpu.memory_space<vmem>>, vector<1x1x16xf32>,
      %get3A_1026 = vector.shape_cast %get3A_1025 : vector<1x1x16xf32> to vector<16xf32>
      %get3A_1027 = arith.constant 54 : i32
      %get3A_1028 = arith.index_cast %rem3A_318 : i32 to index
      %get3A_1029 = arith.index_cast %get3A_1027 : i32 to index
      %get3A_1030 = arith.constant 0 : index
      %get3A_1031 = tpu.vector_load %arg8[%get3A_1028, %get3A_1029, %get3A_1030] {strides = array<i32>} : memref<12x128x16xf32, #tpu.memory_space<vmem>>, vector<1x1x16xf32>,
      %get3A_1032 = vector.shape_cast %get3A_1031 : vector<1x1x16xf32> to vector<16xf32>
      %get3A_1033 = arith.constant 55 : i32
      %get3A_1034 = arith.index_cast %rem3A_318 : i32 to index
      %get3A_1035 = arith.index_cast %get3A_1033 : i32 to index
      %get3A_1036 = arith.constant 0 : index
      %get3A_1037 = tpu.vector_load %arg8[%get3A_1034, %get3A_1035, %get3A_1036] {strides = array<i32>} : memref<12x128x16xf32, #tpu.memory_space<vmem>>, vector<1x1x16xf32>,
      %get3A_1038 = vector.shape_cast %get3A_1037 : vector<1x1x16xf32> to vector<16xf32>
      %get3A_1039 = arith.constant 56 : i32
      %get3A_1040 = arith.index_cast %rem3A_318 : i32 to index
      %get3A_1041 = arith.index_cast %get3A_1039 : i32 to index
      %get3A_1042 = arith.constant 0 : index
      %get3A_1043 = tpu.vector_load %arg8[%get3A_1040, %get3A_1041, %get3A_1042] {strides = array<i32>} : memref<12x128x16xf32, #tpu.memory_space<vmem>>, vector<1x1x16xf32>,
      %get3A_1044 = vector.shape_cast %get3A_1043 : vector<1x1x16xf32> to vector<16xf32>
      %get3A_1045 = arith.constant 57 : i32
      %get3A_1046 = arith.index_cast %rem3A_318 : i32 to index
      %get3A_1047 = arith.index_cast %get3A_1045 : i32 to index
      %get3A_1048 = arith.constant 0 : index
      %get3A_1049 = tpu.vector_load %arg8[%get3A_1046, %get3A_1047, %get3A_1048] {strides = array<i32>} : memref<12x128x16xf32, #tpu.memory_space<vmem>>, vector<1x1x16xf32>,
      %get3A_1050 = vector.shape_cast %get3A_1049 : vector<1x1x16xf32> to vector<16xf32>
      %get3A_1051 = arith.constant 58 : i32
      %get3A_1052 = arith.index_cast %rem3A_318 : i32 to index
      %get3A_1053 = arith.index_cast %get3A_1051 : i32 to index
      %get3A_1054 = arith.constant 0 : index
      %get3A_1055 = tpu.vector_load %arg8[%get3A_1052, %get3A_1053, %get3A_1054] {strides = array<i32>} : memref<12x128x16xf32, #tpu.memory_space<vmem>>, vector<1x1x16xf32>,
      %get3A_1056 = vector.shape_cast %get3A_1055 : vector<1x1x16xf32> to vector<16xf32>
      %get3A_1057 = arith.constant 59 : i32
      %get3A_1058 = arith.index_cast %rem3A_318 : i32 to index
      %get3A_1059 = arith.index_cast %get3A_1057 : i32 to index
      %get3A_1060 = arith.constant 0 : index
      %get3A_1061 = tpu.vector_load %arg8[%get3A_1058, %get3A_1059, %get3A_1060] {strides = array<i32>} : memref<12x128x16xf32, #tpu.memory_space<vmem>>, vector<1x1x16xf32>,
      %get3A_1062 = vector.shape_cast %get3A_1061 : vector<1x1x16xf32> to vector<16xf32>
      %get3A_1063 = arith.constant 60 : i32
      %get3A_1064 = arith.index_cast %rem3A_318 : i32 to index
      %get3A_1065 = arith.index_cast %get3A_1063 : i32 to index
      %get3A_1066 = arith.constant 0 : index
      %get3A_1067 = tpu.vector_load %arg8[%get3A_1064, %get3A_1065, %get3A_1066] {strides = array<i32>} : memref<12x128x16xf32, #tpu.memory_space<vmem>>, vector<1x1x16xf32>,
      %get3A_1068 = vector.shape_cast %get3A_1067 : vector<1x1x16xf32> to vector<16xf32>
      %get3A_1069 = arith.constant 61 : i32
      %get3A_1070 = arith.index_cast %rem3A_318 : i32 to index
      %get3A_1071 = arith.index_cast %get3A_1069 : i32 to index
      %get3A_1072 = arith.constant 0 : index
      %get3A_1073 = tpu.vector_load %arg8[%get3A_1070, %get3A_1071, %get3A_1072] {strides = array<i32>} : memref<12x128x16xf32, #tpu.memory_space<vmem>>, vector<1x1x16xf32>,
      %get3A_1074 = vector.shape_cast %get3A_1073 : vector<1x1x16xf32> to vector<16xf32>
      %get3A_1075 = arith.constant 62 : i32
      %get3A_1076 = arith.index_cast %rem3A_318 : i32 to index
      %get3A_1077 = arith.index_cast %get3A_1075 : i32 to index
      %get3A_1078 = arith.constant 0 : index
      %get3A_1079 = tpu.vector_load %arg8[%get3A_1076, %get3A_1077, %get3A_1078] {strides = array<i32>} : memref<12x128x16xf32, #tpu.memory_space<vmem>>, vector<1x1x16xf32>,
      %get3A_1080 = vector.shape_cast %get3A_1079 : vector<1x1x16xf32> to vector<16xf32>
      %get3A_1081 = arith.constant 63 : i32
      %get3A_1082 = arith.index_cast %rem3A_318 : i32 to index
      %get3A_1083 = arith.index_cast %get3A_1081 : i32 to index
      %get3A_1084 = arith.constant 0 : index
      %get3A_1085 = tpu.vector_load %arg8[%get3A_1082, %get3A_1083, %get3A_1084] {strides = array<i32>} : memref<12x128x16xf32, #tpu.memory_space<vmem>>, vector<1x1x16xf32>,
      %get3A_1086 = vector.shape_cast %get3A_1085 : vector<1x1x16xf32> to vector<16xf32>
      %slice3A_1087 = vector.extract_strided_slice %get3A_990 {offsets = [0], sizes = [1], strides = [1]} : vector<16xi32> to vector<1xi32>
      %squeeze3A_1088 = vector.extract %slice3A_1087[0] : i32 from vector<1xi32>
      %swap3A_1089 = arith.index_cast %squeeze3A_1088 : i32 to index
      %swap3A_1090 = arith.constant 0 : index
      %swap3A_1091 = tpu.vector_load %arg9[%swap3A_1089, %swap3A_1090] {strides = array<i32>} : memref<5008x16xf32, #tpu.memory_space<vmem>>, vector<1x16xf32>,
      %swap3A_1092 = vector.shape_cast %swap3A_1091 : vector<1x16xf32> to vector<16xf32>
      %swap3A_1093 = vector.shape_cast %get3A_996 : vector<16xf32> to vector<1x16xf32>
      tpu.vector_store %arg9[%swap3A_1089, %swap3A_1090], %swap3A_1093 {add = true, strides = array<i32>} : memref<5008x16xf32, #tpu.memory_space<vmem>>, vector<1x16xf32>,
      %slice3A_1094 = vector.extract_strided_slice %get3A_990 {offsets = [1], sizes = [1], strides = [1]} : vector<16xi32> to vector<1xi32>
      %squeeze3A_1095 = vector.extract %slice3A_1094[0] : i32 from vector<1xi32>
      %swap3A_1096 = arith.index_cast %squeeze3A_1095 : i32 to index
      %swap3A_1097 = arith.constant 0 : index
      %swap3A_1098 = tpu.vector_load %arg9[%swap3A_1096, %swap3A_1097] {strides = array<i32>} : memref<5008x16xf32, #tpu.memory_space<vmem>>, vector<1x16xf32>,
      %swap3A_1099 = vector.shape_cast %swap3A_1098 : vector<1x16xf32> to vector<16xf32>
      %swap3A_1100 = vector.shape_cast %get3A_1002 : vector<16xf32> to vector<1x16xf32>
      tpu.vector_store %arg9[%swap3A_1096, %swap3A_1097], %swap3A_1100 {add = true, strides = array<i32>} : memref<5008x16xf32, #tpu.memory_space<vmem>>, vector<1x16xf32>,
      %slice3A_1101 = vector.extract_strided_slice %get3A_990 {offsets = [2], sizes = [1], strides = [1]} : vector<16xi32> to vector<1xi32>
      %squeeze3A_1102 = vector.extract %slice3A_1101[0] : i32 from vector<1xi32>
      %swap3A_1103 = arith.index_cast %squeeze3A_1102 : i32 to index
      %swap3A_1104 = arith.constant 0 : index
      %swap3A_1105 = tpu.vector_load %arg9[%swap3A_1103, %swap3A_1104] {strides = array<i32>} : memref<5008x16xf32, #tpu.memory_space<vmem>>, vector<1x16xf32>,
      %swap3A_1106 = vector.shape_cast %swap3A_1105 : vector<1x16xf32> to vector<16xf32>
      %swap3A_1107 = vector.shape_cast %get3A_1008 : vector<16xf32> to vector<1x16xf32>
      tpu.vector_store %arg9[%swap3A_1103, %swap3A_1104], %swap3A_1107 {add = true, strides = array<i32>} : memref<5008x16xf32, #tpu.memory_space<vmem>>, vector<1x16xf32>,
      %slice3A_1108 = vector.extract_strided_slice %get3A_990 {offsets = [3], sizes = [1], strides = [1]} : vector<16xi32> to vector<1xi32>
      %squeeze3A_1109 = vector.extract %slice3A_1108[0] : i32 from vector<1xi32>
      %swap3A_1110 = arith.index_cast %squeeze3A_1109 : i32 to index
      %swap3A_1111 = arith.constant 0 : index
      %swap3A_1112 = tpu.vector_load %arg9[%swap3A_1110, %swap3A_1111] {strides = array<i32>} : memref<5008x16xf32, #tpu.memory_space<vmem>>, vector<1x16xf32>,
      %swap3A_1113 = vector.shape_cast %swap3A_1112 : vector<1x16xf32> to vector<16xf32>
      %swap3A_1114 = vector.shape_cast %get3A_1014 : vector<16xf32> to vector<1x16xf32>
      tpu.vector_store %arg9[%swap3A_1110, %swap3A_1111], %swap3A_1114 {add = true, strides = array<i32>} : memref<5008x16xf32, #tpu.memory_space<vmem>>, vector<1x16xf32>,
      %slice3A_1115 = vector.extract_strided_slice %get3A_990 {offsets = [4], sizes = [1], strides = [1]} : vector<16xi32> to vector<1xi32>
      %squeeze3A_1116 = vector.extract %slice3A_1115[0] : i32 from vector<1xi32>
      %swap3A_1117 = arith.index_cast %squeeze3A_1116 : i32 to index
      %swap3A_1118 = arith.constant 0 : index
      %swap3A_1119 = tpu.vector_load %arg9[%swap3A_1117, %swap3A_1118] {strides = array<i32>} : memref<5008x16xf32, #tpu.memory_space<vmem>>, vector<1x16xf32>,
      %swap3A_1120 = vector.shape_cast %swap3A_1119 : vector<1x16xf32> to vector<16xf32>
      %swap3A_1121 = vector.shape_cast %get3A_1020 : vector<16xf32> to vector<1x16xf32>
      tpu.vector_store %arg9[%swap3A_1117, %swap3A_1118], %swap3A_1121 {add = true, strides = array<i32>} : memref<5008x16xf32, #tpu.memory_space<vmem>>, vector<1x16xf32>,
      %slice3A_1122 = vector.extract_strided_slice %get3A_990 {offsets = [5], sizes = [1], strides = [1]} : vector<16xi32> to vector<1xi32>
      %squeeze3A_1123 = vector.extract %slice3A_1122[0] : i32 from vector<1xi32>
      %swap3A_1124 = arith.index_cast %squeeze3A_1123 : i32 to index
      %swap3A_1125 = arith.constant 0 : index
      %swap3A_1126 = tpu.vector_load %arg9[%swap3A_1124, %swap3A_1125] {strides = array<i32>} : memref<5008x16xf32, #tpu.memory_space<vmem>>, vector<1x16xf32>,
      %swap3A_1127 = vector.shape_cast %swap3A_1126 : vector<1x16xf32> to vector<16xf32>
      %swap3A_1128 = vector.shape_cast %get3A_1026 : vector<16xf32> to vector<1x16xf32>
      tpu.vector_store %arg9[%swap3A_1124, %swap3A_1125], %swap3A_1128 {add = true, strides = array<i32>} : memref<5008x16xf32, #tpu.memory_space<vmem>>, vector<1x16xf32>,
      %slice3A_1129 = vector.extract_strided_slice %get3A_990 {offsets = [6], sizes = [1], strides = [1]} : vector<16xi32> to vector<1xi32>
      %squeeze3A_1130 = vector.extract %slice3A_1129[0] : i32 from vector<1xi32>
      %swap3A_1131 = arith.index_cast %squeeze3A_1130 : i32 to index
      %swap3A_1132 = arith.constant 0 : index
      %swap3A_1133 = tpu.vector_load %arg9[%swap3A_1131, %swap3A_1132] {strides = array<i32>} : memref<5008x16xf32, #tpu.memory_space<vmem>>, vector<1x16xf32>,
      %swap3A_1134 = vector.shape_cast %swap3A_1133 : vector<1x16xf32> to vector<16xf32>
      %swap3A_1135 = vector.shape_cast %get3A_1032 : vector<16xf32> to vector<1x16xf32>
      tpu.vector_store %arg9[%swap3A_1131, %swap3A_1132], %swap3A_1135 {add = true, strides = array<i32>} : memref<5008x16xf32, #tpu.memory_space<vmem>>, vector<1x16xf32>,
      %slice3A_1136 = vector.extract_strided_slice %get3A_990 {offsets = [7], sizes = [1], strides = [1]} : vector<16xi32> to vector<1xi32>
      %squeeze3A_1137 = vector.extract %slice3A_1136[0] : i32 from vector<1xi32>
      %swap3A_1138 = arith.index_cast %squeeze3A_1137 : i32 to index
      %swap3A_1139 = arith.constant 0 : index
      %swap3A_1140 = tpu.vector_load %arg9[%swap3A_1138, %swap3A_1139] {strides = array<i32>} : memref<5008x16xf32, #tpu.memory_space<vmem>>, vector<1x16xf32>,
      %swap3A_1141 = vector.shape_cast %swap3A_1140 : vector<1x16xf32> to vector<16xf32>
      %swap3A_1142 = vector.shape_cast %get3A_1038 : vector<16xf32> to vector<1x16xf32>
      tpu.vector_store %arg9[%swap3A_1138, %swap3A_1139], %swap3A_1142 {add = true, strides = array<i32>} : memref<5008x16xf32, #tpu.memory_space<vmem>>, vector<1x16xf32>,
      %slice3A_1143 = vector.extract_strided_slice %get3A_990 {offsets = [8], sizes = [1], strides = [1]} : vector<16xi32> to vector<1xi32>
      %squeeze3A_1144 = vector.extract %slice3A_1143[0] : i32 from vector<1xi32>
      %swap3A_1145 = arith.index_cast %squeeze3A_1144 : i32 to index
      %swap3A_1146 = arith.constant 0 : index
      %swap3A_1147 = tpu.vector_load %arg9[%swap3A_1145, %swap3A_1146] {strides = array<i32>} : memref<5008x16xf32, #tpu.memory_space<vmem>>, vector<1x16xf32>,
      %swap3A_1148 = vector.shape_cast %swap3A_1147 : vector<1x16xf32> to vector<16xf32>
      %swap3A_1149 = vector.shape_cast %get3A_1044 : vector<16xf32> to vector<1x16xf32>
      tpu.vector_store %arg9[%swap3A_1145, %swap3A_1146], %swap3A_1149 {add = true, strides = array<i32>} : memref<5008x16xf32, #tpu.memory_space<vmem>>, vector<1x16xf32>,
      %slice3A_1150 = vector.extract_strided_slice %get3A_990 {offsets = [9], sizes = [1], strides = [1]} : vector<16xi32> to vector<1xi32>
      %squeeze3A_1151 = vector.extract %slice3A_1150[0] : i32 from vector<1xi32>
      %swap3A_1152 = arith.index_cast %squeeze3A_1151 : i32 to index
      %swap3A_1153 = arith.constant 0 : index
      %swap3A_1154 = tpu.vector_load %arg9[%swap3A_1152, %swap3A_1153] {strides = array<i32>} : memref<5008x16xf32, #tpu.memory_space<vmem>>, vector<1x16xf32>,
      %swap3A_1155 = vector.shape_cast %swap3A_1154 : vector<1x16xf32> to vector<16xf32>
      %swap3A_1156 = vector.shape_cast %get3A_1050 : vector<16xf32> to vector<1x16xf32>
      tpu.vector_store %arg9[%swap3A_1152, %swap3A_1153], %swap3A_1156 {add = true, strides = array<i32>} : memref<5008x16xf32, #tpu.memory_space<vmem>>, vector<1x16xf32>,
      %slice3A_1157 = vector.extract_strided_slice %get3A_990 {offsets = [10], sizes = [1], strides = [1]} : vector<16xi32> to vector<1xi32>
      %squeeze3A_1158 = vector.extract %slice3A_1157[0] : i32 from vector<1xi32>
      %swap3A_1159 = arith.index_cast %squeeze3A_1158 : i32 to index
      %swap3A_1160 = arith.constant 0 : index
      %swap3A_1161 = tpu.vector_load %arg9[%swap3A_1159, %swap3A_1160] {strides = array<i32>} : memref<5008x16xf32, #tpu.memory_space<vmem>>, vector<1x16xf32>,
      %swap3A_1162 = vector.shape_cast %swap3A_1161 : vector<1x16xf32> to vector<16xf32>
      %swap3A_1163 = vector.shape_cast %get3A_1056 : vector<16xf32> to vector<1x16xf32>
      tpu.vector_store %arg9[%swap3A_1159, %swap3A_1160], %swap3A_1163 {add = true, strides = array<i32>} : memref<5008x16xf32, #tpu.memory_space<vmem>>, vector<1x16xf32>,
      %slice3A_1164 = vector.extract_strided_slice %get3A_990 {offsets = [11], sizes = [1], strides = [1]} : vector<16xi32> to vector<1xi32>
      %squeeze3A_1165 = vector.extract %slice3A_1164[0] : i32 from vector<1xi32>
      %swap3A_1166 = arith.index_cast %squeeze3A_1165 : i32 to index
      %swap3A_1167 = arith.constant 0 : index
      %swap3A_1168 = tpu.vector_load %arg9[%swap3A_1166, %swap3A_1167] {strides = array<i32>} : memref<5008x16xf32, #tpu.memory_space<vmem>>, vector<1x16xf32>,
      %swap3A_1169 = vector.shape_cast %swap3A_1168 : vector<1x16xf32> to vector<16xf32>
      %swap3A_1170 = vector.shape_cast %get3A_1062 : vector<16xf32> to vector<1x16xf32>
      tpu.vector_store %arg9[%swap3A_1166, %swap3A_1167], %swap3A_1170 {add = true, strides = array<i32>} : memref<5008x16xf32, #tpu.memory_space<vmem>>, vector<1x16xf32>,
      %slice3A_1171 = vector.extract_strided_slice %get3A_990 {offsets = [12], sizes = [1], strides = [1]} : vector<16xi32> to vector<1xi32>
      %squeeze3A_1172 = vector.extract %slice3A_1171[0] : i32 from vector<1xi32>
      %swap3A_1173 = arith.index_cast %squeeze3A_1172 : i32 to index
      %swap3A_1174 = arith.constant 0 : index
      %swap3A_1175 = tpu.vector_load %arg9[%swap3A_1173, %swap3A_1174] {strides = array<i32>} : memref<5008x16xf32, #tpu.memory_space<vmem>>, vector<1x16xf32>,
      %swap3A_1176 = vector.shape_cast %swap3A_1175 : vector<1x16xf32> to vector<16xf32>
      %swap3A_1177 = vector.shape_cast %get3A_1068 : vector<16xf32> to vector<1x16xf32>
      tpu.vector_store %arg9[%swap3A_1173, %swap3A_1174], %swap3A_1177 {add = true, strides = array<i32>} : memref<5008x16xf32, #tpu.memory_space<vmem>>, vector<1x16xf32>,
      %slice3A_1178 = vector.extract_strided_slice %get3A_990 {offsets = [13], sizes = [1], strides = [1]} : vector<16xi32> to vector<1xi32>
      %squeeze3A_1179 = vector.extract %slice3A_1178[0] : i32 from vector<1xi32>
      %swap3A_1180 = arith.index_cast %squeeze3A_1179 : i32 to index
      %swap3A_1181 = arith.constant 0 : index
      %swap3A_1182 = tpu.vector_load %arg9[%swap3A_1180, %swap3A_1181] {strides = array<i32>} : memref<5008x16xf32, #tpu.memory_space<vmem>>, vector<1x16xf32>,
      %swap3A_1183 = vector.shape_cast %swap3A_1182 : vector<1x16xf32> to vector<16xf32>
      %swap3A_1184 = vector.shape_cast %get3A_1074 : vector<16xf32> to vector<1x16xf32>
      tpu.vector_store %arg9[%swap3A_1180, %swap3A_1181], %swap3A_1184 {add = true, strides = array<i32>} : memref<5008x16xf32, #tpu.memory_space<vmem>>, vector<1x16xf32>,
      %slice3A_1185 = vector.extract_strided_slice %get3A_990 {offsets = [14], sizes = [1], strides = [1]} : vector<16xi32> to vector<1xi32>
      %squeeze3A_1186 = vector.extract %slice3A_1185[0] : i32 from vector<1xi32>
      %swap3A_1187 = arith.index_cast %squeeze3A_1186 : i32 to index
      %swap3A_1188 = arith.constant 0 : index
      %swap3A_1189 = tpu.vector_load %arg9[%swap3A_1187, %swap3A_1188] {strides = array<i32>} : memref<5008x16xf32, #tpu.memory_space<vmem>>, vector<1x16xf32>,
      %swap3A_1190 = vector.shape_cast %swap3A_1189 : vector<1x16xf32> to vector<16xf32>
      %swap3A_1191 = vector.shape_cast %get3A_1080 : vector<16xf32> to vector<1x16xf32>
      tpu.vector_store %arg9[%swap3A_1187, %swap3A_1188], %swap3A_1191 {add = true, strides = array<i32>} : memref<5008x16xf32, #tpu.memory_space<vmem>>, vector<1x16xf32>,
      %slice3A_1192 = vector.extract_strided_slice %get3A_990 {offsets = [15], sizes = [1], strides = [1]} : vector<16xi32> to vector<1xi32>
      %squeeze3A_1193 = vector.extract %slice3A_1192[0] : i32 from vector<1xi32>
      %swap3A_1194 = arith.index_cast %squeeze3A_1193 : i32 to index
      %swap3A_1195 = arith.constant 0 : index
      %swap3A_1196 = tpu.vector_load %arg9[%swap3A_1194, %swap3A_1195] {strides = array<i32>} : memref<5008x16xf32, #tpu.memory_space<vmem>>, vector<1x16xf32>,
      %swap3A_1197 = vector.shape_cast %swap3A_1196 : vector<1x16xf32> to vector<16xf32>
      %swap3A_1198 = vector.shape_cast %get3A_1086 : vector<16xf32> to vector<1x16xf32>
      tpu.vector_store %arg9[%swap3A_1194, %swap3A_1195], %swap3A_1198 {add = true, strides = array<i32>} : memref<5008x16xf32, #tpu.memory_space<vmem>>, vector<1x16xf32>,
      %add3A_1199 = arith.constant 64 : i32
      %add3A_1200 = arith.addi %mul3A_346, %add3A_1199 : i32
      %get3A_1201 = arith.index_cast %rem3A_344 : i32 to index
      %get3A_1202 = arith.index_cast %add3A_1200 : i32 to index
      %get3A_1203 = tpu.vector_load %arg7[%get3A_1201, %get3A_1202] {strides = array<i32>} : memref<3x1280xi32, #tpu.memory_space<vmem>>, vector<1x16xi32>,
      %get3A_1204 = vector.shape_cast %get3A_1203 : vector<1x16xi32> to vector<16xi32>
      %get3A_1205 = arith.constant 64 : i32
      %get3A_1206 = arith.index_cast %rem3A_318 : i32 to index
      %get3A_1207 = arith.index_cast %get3A_1205 : i32 to index
      %get3A_1208 = arith.constant 0 : index
      %get3A_1209 = tpu.vector_load %arg8[%get3A_1206, %get3A_1207, %get3A_1208] {strides = array<i32>} : memref<12x128x16xf32, #tpu.memory_space<vmem>>, vector<1x1x16xf32>,
      %get3A_1210 = vector.shape_cast %get3A_1209 : vector<1x1x16xf32> to vector<16xf32>
      %get3A_1211 = arith.constant 65 : i32
      %get3A_1212 = arith.index_cast %rem3A_318 : i32 to index
      %get3A_1213 = arith.index_cast %get3A_1211 : i32 to index
      %get3A_1214 = arith.constant 0 : index
      %get3A_1215 = tpu.vector_load %arg8[%get3A_1212, %get3A_1213, %get3A_1214] {strides = array<i32>} : memref<12x128x16xf32, #tpu.memory_space<vmem>>, vector<1x1x16xf32>,
      %get3A_1216 = vector.shape_cast %get3A_1215 : vector<1x1x16xf32> to vector<16xf32>
      %get3A_1217 = arith.constant 66 : i32
      %get3A_1218 = arith.index_cast %rem3A_318 : i32 to index
      %get3A_1219 = arith.index_cast %get3A_1217 : i32 to index
      %get3A_1220 = arith.constant 0 : index
      %get3A_1221 = tpu.vector_load %arg8[%get3A_1218, %get3A_1219, %get3A_1220] {strides = array<i32>} : memref<12x128x16xf32, #tpu.memory_space<vmem>>, vector<1x1x16xf32>,
      %get3A_1222 = vector.shape_cast %get3A_1221 : vector<1x1x16xf32> to vector<16xf32>
      %get3A_1223 = arith.constant 67 : i32
      %get3A_1224 = arith.index_cast %rem3A_318 : i32 to index
      %get3A_1225 = arith.index_cast %get3A_1223 : i32 to index
      %get3A_1226 = arith.constant 0 : index
      %get3A_1227 = tpu.vector_load %arg8[%get3A_1224, %get3A_1225, %get3A_1226] {strides = array<i32>} : memref<12x128x16xf32, #tpu.memory_space<vmem>>, vector<1x1x16xf32>,
      %get3A_1228 = vector.shape_cast %get3A_1227 : vector<1x1x16xf32> to vector<16xf32>
      %get3A_1229 = arith.constant 68 : i32
      %get3A_1230 = arith.index_cast %rem3A_318 : i32 to index
      %get3A_1231 = arith.index_cast %get3A_1229 : i32 to index
      %get3A_1232 = arith.constant 0 : index
      %get3A_1233 = tpu.vector_load %arg8[%get3A_1230, %get3A_1231, %get3A_1232] {strides = array<i32>} : memref<12x128x16xf32, #tpu.memory_space<vmem>>, vector<1x1x16xf32>,
      %get3A_1234 = vector.shape_cast %get3A_1233 : vector<1x1x16xf32> to vector<16xf32>
      %get3A_1235 = arith.constant 69 : i32
      %get3A_1236 = arith.index_cast %rem3A_318 : i32 to index
      %get3A_1237 = arith.index_cast %get3A_1235 : i32 to index
      %get3A_1238 = arith.constant 0 : index
      %get3A_1239 = tpu.vector_load %arg8[%get3A_1236, %get3A_1237, %get3A_1238] {strides = array<i32>} : memref<12x128x16xf32, #tpu.memory_space<vmem>>, vector<1x1x16xf32>,
      %get3A_1240 = vector.shape_cast %get3A_1239 : vector<1x1x16xf32> to vector<16xf32>
      %get3A_1241 = arith.constant 70 : i32
      %get3A_1242 = arith.index_cast %rem3A_318 : i32 to index
      %get3A_1243 = arith.index_cast %get3A_1241 : i32 to index
      %get3A_1244 = arith.constant 0 : index
      %get3A_1245 = tpu.vector_load %arg8[%get3A_1242, %get3A_1243, %get3A_1244] {strides = array<i32>} : memref<12x128x16xf32, #tpu.memory_space<vmem>>, vector<1x1x16xf32>,
      %get3A_1246 = vector.shape_cast %get3A_1245 : vector<1x1x16xf32> to vector<16xf32>
      %get3A_1247 = arith.constant 71 : i32
      %get3A_1248 = arith.index_cast %rem3A_318 : i32 to index
      %get3A_1249 = arith.index_cast %get3A_1247 : i32 to index
      %get3A_1250 = arith.constant 0 : index
      %get3A_1251 = tpu.vector_load %arg8[%get3A_1248, %get3A_1249, %get3A_1250] {strides = array<i32>} : memref<12x128x16xf32, #tpu.memory_space<vmem>>, vector<1x1x16xf32>,
      %get3A_1252 = vector.shape_cast %get3A_1251 : vector<1x1x16xf32> to vector<16xf32>
      %get3A_1253 = arith.constant 72 : i32
      %get3A_1254 = arith.index_cast %rem3A_318 : i32 to index
      %get3A_1255 = arith.index_cast %get3A_1253 : i32 to index
      %get3A_1256 = arith.constant 0 : index
      %get3A_1257 = tpu.vector_load %arg8[%get3A_1254, %get3A_1255, %get3A_1256] {strides = array<i32>} : memref<12x128x16xf32, #tpu.memory_space<vmem>>, vector<1x1x16xf32>,
      %get3A_1258 = vector.shape_cast %get3A_1257 : vector<1x1x16xf32> to vector<16xf32>
      %get3A_1259 = arith.constant 73 : i32
      %get3A_1260 = arith.index_cast %rem3A_318 : i32 to index
      %get3A_1261 = arith.index_cast %get3A_1259 : i32 to index
      %get3A_1262 = arith.constant 0 : index
      %get3A_1263 = tpu.vector_load %arg8[%get3A_1260, %get3A_1261, %get3A_1262] {strides = array<i32>} : memref<12x128x16xf32, #tpu.memory_space<vmem>>, vector<1x1x16xf32>,
      %get3A_1264 = vector.shape_cast %get3A_1263 : vector<1x1x16xf32> to vector<16xf32>
      %get3A_1265 = arith.constant 74 : i32
      %get3A_1266 = arith.index_cast %rem3A_318 : i32 to index
      %get3A_1267 = arith.index_cast %get3A_1265 : i32 to index
      %get3A_1268 = arith.constant 0 : index
      %get3A_1269 = tpu.vector_load %arg8[%get3A_1266, %get3A_1267, %get3A_1268] {strides = array<i32>} : memref<12x128x16xf32, #tpu.memory_space<vmem>>, vector<1x1x16xf32>,
      %get3A_1270 = vector.shape_cast %get3A_1269 : vector<1x1x16xf32> to vector<16xf32>
      %get3A_1271 = arith.constant 75 : i32
      %get3A_1272 = arith.index_cast %rem3A_318 : i32 to index
      %get3A_1273 = arith.index_cast %get3A_1271 : i32 to index
      %get3A_1274 = arith.constant 0 : index
      %get3A_1275 = tpu.vector_load %arg8[%get3A_1272, %get3A_1273, %get3A_1274] {strides = array<i32>} : memref<12x128x16xf32, #tpu.memory_space<vmem>>, vector<1x1x16xf32>,
      %get3A_1276 = vector.shape_cast %get3A_1275 : vector<1x1x16xf32> to vector<16xf32>
      %get3A_1277 = arith.constant 76 : i32
      %get3A_1278 = arith.index_cast %rem3A_318 : i32 to index
      %get3A_1279 = arith.index_cast %get3A_1277 : i32 to index
      %get3A_1280 = arith.constant 0 : index
      %get3A_1281 = tpu.vector_load %arg8[%get3A_1278, %get3A_1279, %get3A_1280] {strides = array<i32>} : memref<12x128x16xf32, #tpu.memory_space<vmem>>, vector<1x1x16xf32>,
      %get3A_1282 = vector.shape_cast %get3A_1281 : vector<1x1x16xf32> to vector<16xf32>
      %get3A_1283 = arith.constant 77 : i32
      %get3A_1284 = arith.index_cast %rem3A_318 : i32 to index
      %get3A_1285 = arith.index_cast %get3A_1283 : i32 to index
      %get3A_1286 = arith.constant 0 : index
      %get3A_1287 = tpu.vector_load %arg8[%get3A_1284, %get3A_1285, %get3A_1286] {strides = array<i32>} : memref<12x128x16xf32, #tpu.memory_space<vmem>>, vector<1x1x16xf32>,
      %get3A_1288 = vector.shape_cast %get3A_1287 : vector<1x1x16xf32> to vector<16xf32>
      %get3A_1289 = arith.constant 78 : i32
      %get3A_1290 = arith.index_cast %rem3A_318 : i32 to index
      %get3A_1291 = arith.index_cast %get3A_1289 : i32 to index
      %get3A_1292 = arith.constant 0 : index
      %get3A_1293 = tpu.vector_load %arg8[%get3A_1290, %get3A_1291, %get3A_1292] {strides = array<i32>} : memref<12x128x16xf32, #tpu.memory_space<vmem>>, vector<1x1x16xf32>,
      %get3A_1294 = vector.shape_cast %get3A_1293 : vector<1x1x16xf32> to vector<16xf32>
      %get3A_1295 = arith.constant 79 : i32
      %get3A_1296 = arith.index_cast %rem3A_318 : i32 to index
      %get3A_1297 = arith.index_cast %get3A_1295 : i32 to index
      %get3A_1298 = arith.constant 0 : index
      %get3A_1299 = tpu.vector_load %arg8[%get3A_1296, %get3A_1297, %get3A_1298] {strides = array<i32>} : memref<12x128x16xf32, #tpu.memory_space<vmem>>, vector<1x1x16xf32>,
      %get3A_1300 = vector.shape_cast %get3A_1299 : vector<1x1x16xf32> to vector<16xf32>
      %slice3A_1301 = vector.extract_strided_slice %get3A_1204 {offsets = [0], sizes = [1], strides = [1]} : vector<16xi32> to vector<1xi32>
      %squeeze3A_1302 = vector.extract %slice3A_1301[0] : i32 from vector<1xi32>
      %swap3A_1303 = arith.index_cast %squeeze3A_1302 : i32 to index
      %swap3A_1304 = arith.constant 0 : index
      %swap3A_1305 = tpu.vector_load %arg9[%swap3A_1303, %swap3A_1304] {strides = array<i32>} : memref<5008x16xf32, #tpu.memory_space<vmem>>, vector<1x16xf32>,
      %swap3A_1306 = vector.shape_cast %swap3A_1305 : vector<1x16xf32> to vector<16xf32>
      %swap3A_1307 = vector.shape_cast %get3A_1210 : vector<16xf32> to vector<1x16xf32>
      tpu.vector_store %arg9[%swap3A_1303, %swap3A_1304], %swap3A_1307 {add = true, strides = array<i32>} : memref<5008x16xf32, #tpu.memory_space<vmem>>, vector<1x16xf32>,
      %slice3A_1308 = vector.extract_strided_slice %get3A_1204 {offsets = [1], sizes = [1], strides = [1]} : vector<16xi32> to vector<1xi32>
      %squeeze3A_1309 = vector.extract %slice3A_1308[0] : i32 from vector<1xi32>
      %swap3A_1310 = arith.index_cast %squeeze3A_1309 : i32 to index
      %swap3A_1311 = arith.constant 0 : index
      %swap3A_1312 = tpu.vector_load %arg9[%swap3A_1310, %swap3A_1311] {strides = array<i32>} : memref<5008x16xf32, #tpu.memory_space<vmem>>, vector<1x16xf32>,
      %swap3A_1313 = vector.shape_cast %swap3A_1312 : vector<1x16xf32> to vector<16xf32>
      %swap3A_1314 = vector.shape_cast %get3A_1216 : vector<16xf32> to vector<1x16xf32>
      tpu.vector_store %arg9[%swap3A_1310, %swap3A_1311], %swap3A_1314 {add = true, strides = array<i32>} : memref<5008x16xf32, #tpu.memory_space<vmem>>, vector<1x16xf32>,
      %slice3A_1315 = vector.extract_strided_slice %get3A_1204 {offsets = [2], sizes = [1], strides = [1]} : vector<16xi32> to vector<1xi32>
      %squeeze3A_1316 = vector.extract %slice3A_1315[0] : i32 from vector<1xi32>
      %swap3A_1317 = arith.index_cast %squeeze3A_1316 : i32 to index
      %swap3A_1318 = arith.constant 0 : index
      %swap3A_1319 = tpu.vector_load %arg9[%swap3A_1317, %swap3A_1318] {strides = array<i32>} : memref<5008x16xf32, #tpu.memory_space<vmem>>, vector<1x16xf32>,
      %swap3A_1320 = vector.shape_cast %swap3A_1319 : vector<1x16xf32> to vector<16xf32>
      %swap3A_1321 = vector.shape_cast %get3A_1222 : vector<16xf32> to vector<1x16xf32>
      tpu.vector_store %arg9[%swap3A_1317, %swap3A_1318], %swap3A_1321 {add = true, strides = array<i32>} : memref<5008x16xf32, #tpu.memory_space<vmem>>, vector<1x16xf32>,
      %slice3A_1322 = vector.extract_strided_slice %get3A_1204 {offsets = [3], sizes = [1], strides = [1]} : vector<16xi32> to vector<1xi32>
      %squeeze3A_1323 = vector.extract %slice3A_1322[0] : i32 from vector<1xi32>
      %swap3A_1324 = arith.index_cast %squeeze3A_1323 : i32 to index
      %swap3A_1325 = arith.constant 0 : index
      %swap3A_1326 = tpu.vector_load %arg9[%swap3A_1324, %swap3A_1325] {strides = array<i32>} : memref<5008x16xf32, #tpu.memory_space<vmem>>, vector<1x16xf32>,
      %swap3A_1327 = vector.shape_cast %swap3A_1326 : vector<1x16xf32> to vector<16xf32>
      %swap3A_1328 = vector.shape_cast %get3A_1228 : vector<16xf32> to vector<1x16xf32>
      tpu.vector_store %arg9[%swap3A_1324, %swap3A_1325], %swap3A_1328 {add = true, strides = array<i32>} : memref<5008x16xf32, #tpu.memory_space<vmem>>, vector<1x16xf32>,
      %slice3A_1329 = vector.extract_strided_slice %get3A_1204 {offsets = [4], sizes = [1], strides = [1]} : vector<16xi32> to vector<1xi32>
      %squeeze3A_1330 = vector.extract %slice3A_1329[0] : i32 from vector<1xi32>
      %swap3A_1331 = arith.index_cast %squeeze3A_1330 : i32 to index
      %swap3A_1332 = arith.constant 0 : index
      %swap3A_1333 = tpu.vector_load %arg9[%swap3A_1331, %swap3A_1332] {strides = array<i32>} : memref<5008x16xf32, #tpu.memory_space<vmem>>, vector<1x16xf32>,
      %swap3A_1334 = vector.shape_cast %swap3A_1333 : vector<1x16xf32> to vector<16xf32>
      %swap3A_1335 = vector.shape_cast %get3A_1234 : vector<16xf32> to vector<1x16xf32>
      tpu.vector_store %arg9[%swap3A_1331, %swap3A_1332], %swap3A_1335 {add = true, strides = array<i32>} : memref<5008x16xf32, #tpu.memory_space<vmem>>, vector<1x16xf32>,
      %slice3A_1336 = vector.extract_strided_slice %get3A_1204 {offsets = [5], sizes = [1], strides = [1]} : vector<16xi32> to vector<1xi32>
      %squeeze3A_1337 = vector.extract %slice3A_1336[0] : i32 from vector<1xi32>
      %swap3A_1338 = arith.index_cast %squeeze3A_1337 : i32 to index
      %swap3A_1339 = arith.constant 0 : index
      %swap3A_1340 = tpu.vector_load %arg9[%swap3A_1338, %swap3A_1339] {strides = array<i32>} : memref<5008x16xf32, #tpu.memory_space<vmem>>, vector<1x16xf32>,
      %swap3A_1341 = vector.shape_cast %swap3A_1340 : vector<1x16xf32> to vector<16xf32>
      %swap3A_1342 = vector.shape_cast %get3A_1240 : vector<16xf32> to vector<1x16xf32>
      tpu.vector_store %arg9[%swap3A_1338, %swap3A_1339], %swap3A_1342 {add = true, strides = array<i32>} : memref<5008x16xf32, #tpu.memory_space<vmem>>, vector<1x16xf32>,
      %slice3A_1343 = vector.extract_strided_slice %get3A_1204 {offsets = [6], sizes = [1], strides = [1]} : vector<16xi32> to vector<1xi32>
      %squeeze3A_1344 = vector.extract %slice3A_1343[0] : i32 from vector<1xi32>
      %swap3A_1345 = arith.index_cast %squeeze3A_1344 : i32 to index
      %swap3A_1346 = arith.constant 0 : index
      %swap3A_1347 = tpu.vector_load %arg9[%swap3A_1345, %swap3A_1346] {strides = array<i32>} : memref<5008x16xf32, #tpu.memory_space<vmem>>, vector<1x16xf32>,
      %swap3A_1348 = vector.shape_cast %swap3A_1347 : vector<1x16xf32> to vector<16xf32>
      %swap3A_1349 = vector.shape_cast %get3A_1246 : vector<16xf32> to vector<1x16xf32>
      tpu.vector_store %arg9[%swap3A_1345, %swap3A_1346], %swap3A_1349 {add = true, strides = array<i32>} : memref<5008x16xf32, #tpu.memory_space<vmem>>, vector<1x16xf32>,
      %slice3A_1350 = vector.extract_strided_slice %get3A_1204 {offsets = [7], sizes = [1], strides = [1]} : vector<16xi32> to vector<1xi32>
      %squeeze3A_1351 = vector.extract %slice3A_1350[0] : i32 from vector<1xi32>
      %swap3A_1352 = arith.index_cast %squeeze3A_1351 : i32 to index
      %swap3A_1353 = arith.constant 0 : index
      %swap3A_1354 = tpu.vector_load %arg9[%swap3A_1352, %swap3A_1353] {strides = array<i32>} : memref<5008x16xf32, #tpu.memory_space<vmem>>, vector<1x16xf32>,
      %swap3A_1355 = vector.shape_cast %swap3A_1354 : vector<1x16xf32> to vector<16xf32>
      %swap3A_1356 = vector.shape_cast %get3A_1252 : vector<16xf32> to vector<1x16xf32>
      tpu.vector_store %arg9[%swap3A_1352, %swap3A_1353], %swap3A_1356 {add = true, strides = array<i32>} : memref<5008x16xf32, #tpu.memory_space<vmem>>, vector<1x16xf32>,
      %slice3A_1357 = vector.extract_strided_slice %get3A_1204 {offsets = [8], sizes = [1], strides = [1]} : vector<16xi32> to vector<1xi32>
      %squeeze3A_1358 = vector.extract %slice3A_1357[0] : i32 from vector<1xi32>
      %swap3A_1359 = arith.index_cast %squeeze3A_1358 : i32 to index
      %swap3A_1360 = arith.constant 0 : index
      %swap3A_1361 = tpu.vector_load %arg9[%swap3A_1359, %swap3A_1360] {strides = array<i32>} : memref<5008x16xf32, #tpu.memory_space<vmem>>, vector<1x16xf32>,
      %swap3A_1362 = vector.shape_cast %swap3A_1361 : vector<1x16xf32> to vector<16xf32>
      %swap3A_1363 = vector.shape_cast %get3A_1258 : vector<16xf32> to vector<1x16xf32>
      tpu.vector_store %arg9[%swap3A_1359, %swap3A_1360], %swap3A_1363 {add = true, strides = array<i32>} : memref<5008x16xf32, #tpu.memory_space<vmem>>, vector<1x16xf32>,
      %slice3A_1364 = vector.extract_strided_slice %get3A_1204 {offsets = [9], sizes = [1], strides = [1]} : vector<16xi32> to vector<1xi32>
      %squeeze3A_1365 = vector.extract %slice3A_1364[0] : i32 from vector<1xi32>
      %swap3A_1366 = arith.index_cast %squeeze3A_1365 : i32 to index
      %swap3A_1367 = arith.constant 0 : index
      %swap3A_1368 = tpu.vector_load %arg9[%swap3A_1366, %swap3A_1367] {strides = array<i32>} : memref<5008x16xf32, #tpu.memory_space<vmem>>, vector<1x16xf32>,
      %swap3A_1369 = vector.shape_cast %swap3A_1368 : vector<1x16xf32> to vector<16xf32>
      %swap3A_1370 = vector.shape_cast %get3A_1264 : vector<16xf32> to vector<1x16xf32>
      tpu.vector_store %arg9[%swap3A_1366, %swap3A_1367], %swap3A_1370 {add = true, strides = array<i32>} : memref<5008x16xf32, #tpu.memory_space<vmem>>, vector<1x16xf32>,
      %slice3A_1371 = vector.extract_strided_slice %get3A_1204 {offsets = [10], sizes = [1], strides = [1]} : vector<16xi32> to vector<1xi32>
      %squeeze3A_1372 = vector.extract %slice3A_1371[0] : i32 from vector<1xi32>
      %swap3A_1373 = arith.index_cast %squeeze3A_1372 : i32 to index
      %swap3A_1374 = arith.constant 0 : index
      %swap3A_1375 = tpu.vector_load %arg9[%swap3A_1373, %swap3A_1374] {strides = array<i32>} : memref<5008x16xf32, #tpu.memory_space<vmem>>, vector<1x16xf32>,
      %swap3A_1376 = vector.shape_cast %swap3A_1375 : vector<1x16xf32> to vector<16xf32>
      %swap3A_1377 = vector.shape_cast %get3A_1270 : vector<16xf32> to vector<1x16xf32>
      tpu.vector_store %arg9[%swap3A_1373, %swap3A_1374], %swap3A_1377 {add = true, strides = array<i32>} : memref<5008x16xf32, #tpu.memory_space<vmem>>, vector<1x16xf32>,
      %slice3A_1378 = vector.extract_strided_slice %get3A_1204 {offsets = [11], sizes = [1], strides = [1]} : vector<16xi32> to vector<1xi32>
      %squeeze3A_1379 = vector.extract %slice3A_1378[0] : i32 from vector<1xi32>
      %swap3A_1380 = arith.index_cast %squeeze3A_1379 : i32 to index
      %swap3A_1381 = arith.constant 0 : index
      %swap3A_1382 = tpu.vector_load %arg9[%swap3A_1380, %swap3A_1381] {strides = array<i32>} : memref<5008x16xf32, #tpu.memory_space<vmem>>, vector<1x16xf32>,
      %swap3A_1383 = vector.shape_cast %swap3A_1382 : vector<1x16xf32> to vector<16xf32>
      %swap3A_1384 = vector.shape_cast %get3A_1276 : vector<16xf32> to vector<1x16xf32>
      tpu.vector_store %arg9[%swap3A_1380, %swap3A_1381], %swap3A_1384 {add = true, strides = array<i32>} : memref<5008x16xf32, #tpu.memory_space<vmem>>, vector<1x16xf32>,
      %slice3A_1385 = vector.extract_strided_slice %get3A_1204 {offsets = [12], sizes = [1], strides = [1]} : vector<16xi32> to vector<1xi32>
      %squeeze3A_1386 = vector.extract %slice3A_1385[0] : i32 from vector<1xi32>
      %swap3A_1387 = arith.index_cast %squeeze3A_1386 : i32 to index
      %swap3A_1388 = arith.constant 0 : index
      %swap3A_1389 = tpu.vector_load %arg9[%swap3A_1387, %swap3A_1388] {strides = array<i32>} : memref<5008x16xf32, #tpu.memory_space<vmem>>, vector<1x16xf32>,
      %swap3A_1390 = vector.shape_cast %swap3A_1389 : vector<1x16xf32> to vector<16xf32>
      %swap3A_1391 = vector.shape_cast %get3A_1282 : vector<16xf32> to vector<1x16xf32>
      tpu.vector_store %arg9[%swap3A_1387, %swap3A_1388], %swap3A_1391 {add = true, strides = array<i32>} : memref<5008x16xf32, #tpu.memory_space<vmem>>, vector<1x16xf32>,
      %slice3A_1392 = vector.extract_strided_slice %get3A_1204 {offsets = [13], sizes = [1], strides = [1]} : vector<16xi32> to vector<1xi32>
      %squeeze3A_1393 = vector.extract %slice3A_1392[0] : i32 from vector<1xi32>
      %swap3A_1394 = arith.index_cast %squeeze3A_1393 : i32 to index
      %swap3A_1395 = arith.constant 0 : index
      %swap3A_1396 = tpu.vector_load %arg9[%swap3A_1394, %swap3A_1395] {strides = array<i32>} : memref<5008x16xf32, #tpu.memory_space<vmem>>, vector<1x16xf32>,
      %swap3A_1397 = vector.shape_cast %swap3A_1396 : vector<1x16xf32> to vector<16xf32>
      %swap3A_1398 = vector.shape_cast %get3A_1288 : vector<16xf32> to vector<1x16xf32>
      tpu.vector_store %arg9[%swap3A_1394, %swap3A_1395], %swap3A_1398 {add = true, strides = array<i32>} : memref<5008x16xf32, #tpu.memory_space<vmem>>, vector<1x16xf32>,
      %slice3A_1399 = vector.extract_strided_slice %get3A_1204 {offsets = [14], sizes = [1], strides = [1]} : vector<16xi32> to vector<1xi32>
      %squeeze3A_1400 = vector.extract %slice3A_1399[0] : i32 from vector<1xi32>
      %swap3A_1401 = arith.index_cast %squeeze3A_1400 : i32 to index
      %swap3A_1402 = arith.constant 0 : index
      %swap3A_1403 = tpu.vector_load %arg9[%swap3A_1401, %swap3A_1402] {strides = array<i32>} : memref<5008x16xf32, #tpu.memory_space<vmem>>, vector<1x16xf32>,
      %swap3A_1404 = vector.shape_cast %swap3A_1403 : vector<1x16xf32> to vector<16xf32>
      %swap3A_1405 = vector.shape_cast %get3A_1294 : vector<16xf32> to vector<1x16xf32>
      tpu.vector_store %arg9[%swap3A_1401, %swap3A_1402], %swap3A_1405 {add = true, strides = array<i32>} : memref<5008x16xf32, #tpu.memory_space<vmem>>, vector<1x16xf32>,
      %slice3A_1406 = vector.extract_strided_slice %get3A_1204 {offsets = [15], sizes = [1], strides = [1]} : vector<16xi32> to vector<1xi32>
      %squeeze3A_1407 = vector.extract %slice3A_1406[0] : i32 from vector<1xi32>
      %swap3A_1408 = arith.index_cast %squeeze3A_1407 : i32 to index
      %swap3A_1409 = arith.constant 0 : index
      %swap3A_1410 = tpu.vector_load %arg9[%swap3A_1408, %swap3A_1409] {strides = array<i32>} : memref<5008x16xf32, #tpu.memory_space<vmem>>, vector<1x16xf32>,
      %swap3A_1411 = vector.shape_cast %swap3A_1410 : vector<1x16xf32> to vector<16xf32>
      %swap3A_1412 = vector.shape_cast %get3A_1300 : vector<16xf32> to vector<1x16xf32>
      tpu.vector_store %arg9[%swap3A_1408, %swap3A_1409], %swap3A_1412 {add = true, strides = array<i32>} : memref<5008x16xf32, #tpu.memory_space<vmem>>, vector<1x16xf32>,
      %add3A_1413 = arith.constant 80 : i32
      %add3A_1414 = arith.addi %mul3A_346, %add3A_1413 : i32
      %get3A_1415 = arith.index_cast %rem3A_344 : i32 to index
      %get3A_1416 = arith.index_cast %add3A_1414 : i32 to index
      %get3A_1417 = tpu.vector_load %arg7[%get3A_1415, %get3A_1416] {strides = array<i32>} : memref<3x1280xi32, #tpu.memory_space<vmem>>, vector<1x16xi32>,
      %get3A_1418 = vector.shape_cast %get3A_1417 : vector<1x16xi32> to vector<16xi32>
      %get3A_1419 = arith.constant 80 : i32
      %get3A_1420 = arith.index_cast %rem3A_318 : i32 to index
      %get3A_1421 = arith.index_cast %get3A_1419 : i32 to index
      %get3A_1422 = arith.constant 0 : index
      %get3A_1423 = tpu.vector_load %arg8[%get3A_1420, %get3A_1421, %get3A_1422] {strides = array<i32>} : memref<12x128x16xf32, #tpu.memory_space<vmem>>, vector<1x1x16xf32>,
      %get3A_1424 = vector.shape_cast %get3A_1423 : vector<1x1x16xf32> to vector<16xf32>
      %get3A_1425 = arith.constant 81 : i32
      %get3A_1426 = arith.index_cast %rem3A_318 : i32 to index
      %get3A_1427 = arith.index_cast %get3A_1425 : i32 to index
      %get3A_1428 = arith.constant 0 : index
      %get3A_1429 = tpu.vector_load %arg8[%get3A_1426, %get3A_1427, %get3A_1428] {strides = array<i32>} : memref<12x128x16xf32, #tpu.memory_space<vmem>>, vector<1x1x16xf32>,
      %get3A_1430 = vector.shape_cast %get3A_1429 : vector<1x1x16xf32> to vector<16xf32>
      %get3A_1431 = arith.constant 82 : i32
      %get3A_1432 = arith.index_cast %rem3A_318 : i32 to index
      %get3A_1433 = arith.index_cast %get3A_1431 : i32 to index
      %get3A_1434 = arith.constant 0 : index
      %get3A_1435 = tpu.vector_load %arg8[%get3A_1432, %get3A_1433, %get3A_1434] {strides = array<i32>} : memref<12x128x16xf32, #tpu.memory_space<vmem>>, vector<1x1x16xf32>,
      %get3A_1436 = vector.shape_cast %get3A_1435 : vector<1x1x16xf32> to vector<16xf32>
      %get3A_1437 = arith.constant 83 : i32
      %get3A_1438 = arith.index_cast %rem3A_318 : i32 to index
      %get3A_1439 = arith.index_cast %get3A_1437 : i32 to index
      %get3A_1440 = arith.constant 0 : index
      %get3A_1441 = tpu.vector_load %arg8[%get3A_1438, %get3A_1439, %get3A_1440] {strides = array<i32>} : memref<12x128x16xf32, #tpu.memory_space<vmem>>, vector<1x1x16xf32>,
      %get3A_1442 = vector.shape_cast %get3A_1441 : vector<1x1x16xf32> to vector<16xf32>
      %get3A_1443 = arith.constant 84 : i32
      %get3A_1444 = arith.index_cast %rem3A_318 : i32 to index
      %get3A_1445 = arith.index_cast %get3A_1443 : i32 to index
      %get3A_1446 = arith.constant 0 : index
      %get3A_1447 = tpu.vector_load %arg8[%get3A_1444, %get3A_1445, %get3A_1446] {strides = array<i32>} : memref<12x128x16xf32, #tpu.memory_space<vmem>>, vector<1x1x16xf32>,
      %get3A_1448 = vector.shape_cast %get3A_1447 : vector<1x1x16xf32> to vector<16xf32>
      %get3A_1449 = arith.constant 85 : i32
      %get3A_1450 = arith.index_cast %rem3A_318 : i32 to index
      %get3A_1451 = arith.index_cast %get3A_1449 : i32 to index
      %get3A_1452 = arith.constant 0 : index
      %get3A_1453 = tpu.vector_load %arg8[%get3A_1450, %get3A_1451, %get3A_1452] {strides = array<i32>} : memref<12x128x16xf32, #tpu.memory_space<vmem>>, vector<1x1x16xf32>,
      %get3A_1454 = vector.shape_cast %get3A_1453 : vector<1x1x16xf32> to vector<16xf32>
      %get3A_1455 = arith.constant 86 : i32
      %get3A_1456 = arith.index_cast %rem3A_318 : i32 to index
      %get3A_1457 = arith.index_cast %get3A_1455 : i32 to index
      %get3A_1458 = arith.constant 0 : index
      %get3A_1459 = tpu.vector_load %arg8[%get3A_1456, %get3A_1457, %get3A_1458] {strides = array<i32>} : memref<12x128x16xf32, #tpu.memory_space<vmem>>, vector<1x1x16xf32>,
      %get3A_1460 = vector.shape_cast %get3A_1459 : vector<1x1x16xf32> to vector<16xf32>
      %get3A_1461 = arith.constant 87 : i32
      %get3A_1462 = arith.index_cast %rem3A_318 : i32 to index
      %get3A_1463 = arith.index_cast %get3A_1461 : i32 to index
      %get3A_1464 = arith.constant 0 : index
      %get3A_1465 = tpu.vector_load %arg8[%get3A_1462, %get3A_1463, %get3A_1464] {strides = array<i32>} : memref<12x128x16xf32, #tpu.memory_space<vmem>>, vector<1x1x16xf32>,
      %get3A_1466 = vector.shape_cast %get3A_1465 : vector<1x1x16xf32> to vector<16xf32>
      %get3A_1467 = arith.constant 88 : i32
      %get3A_1468 = arith.index_cast %rem3A_318 : i32 to index
      %get3A_1469 = arith.index_cast %get3A_1467 : i32 to index
      %get3A_1470 = arith.constant 0 : index
      %get3A_1471 = tpu.vector_load %arg8[%get3A_1468, %get3A_1469, %get3A_1470] {strides = array<i32>} : memref<12x128x16xf32, #tpu.memory_space<vmem>>, vector<1x1x16xf32>,
      %get3A_1472 = vector.shape_cast %get3A_1471 : vector<1x1x16xf32> to vector<16xf32>
      %get3A_1473 = arith.constant 89 : i32
      %get3A_1474 = arith.index_cast %rem3A_318 : i32 to index
      %get3A_1475 = arith.index_cast %get3A_1473 : i32 to index
      %get3A_1476 = arith.constant 0 : index
      %get3A_1477 = tpu.vector_load %arg8[%get3A_1474, %get3A_1475, %get3A_1476] {strides = array<i32>} : memref<12x128x16xf32, #tpu.memory_space<vmem>>, vector<1x1x16xf32>,
      %get3A_1478 = vector.shape_cast %get3A_1477 : vector<1x1x16xf32> to vector<16xf32>
      %get3A_1479 = arith.constant 90 : i32
      %get3A_1480 = arith.index_cast %rem3A_318 : i32 to index
      %get3A_1481 = arith.index_cast %get3A_1479 : i32 to index
      %get3A_1482 = arith.constant 0 : index
      %get3A_1483 = tpu.vector_load %arg8[%get3A_1480, %get3A_1481, %get3A_1482] {strides = array<i32>} : memref<12x128x16xf32, #tpu.memory_space<vmem>>, vector<1x1x16xf32>,
      %get3A_1484 = vector.shape_cast %get3A_1483 : vector<1x1x16xf32> to vector<16xf32>
      %get3A_1485 = arith.constant 91 : i32
      %get3A_1486 = arith.index_cast %rem3A_318 : i32 to index
      %get3A_1487 = arith.index_cast %get3A_1485 : i32 to index
      %get3A_1488 = arith.constant 0 : index
      %get3A_1489 = tpu.vector_load %arg8[%get3A_1486, %get3A_1487, %get3A_1488] {strides = array<i32>} : memref<12x128x16xf32, #tpu.memory_space<vmem>>, vector<1x1x16xf32>,
      %get3A_1490 = vector.shape_cast %get3A_1489 : vector<1x1x16xf32> to vector<16xf32>
      %get3A_1491 = arith.constant 92 : i32
      %get3A_1492 = arith.index_cast %rem3A_318 : i32 to index
      %get3A_1493 = arith.index_cast %get3A_1491 : i32 to index
      %get3A_1494 = arith.constant 0 : index
      %get3A_1495 = tpu.vector_load %arg8[%get3A_1492, %get3A_1493, %get3A_1494] {strides = array<i32>} : memref<12x128x16xf32, #tpu.memory_space<vmem>>, vector<1x1x16xf32>,
      %get3A_1496 = vector.shape_cast %get3A_1495 : vector<1x1x16xf32> to vector<16xf32>
      %get3A_1497 = arith.constant 93 : i32
      %get3A_1498 = arith.index_cast %rem3A_318 : i32 to index
      %get3A_1499 = arith.index_cast %get3A_1497 : i32 to index
      %get3A_1500 = arith.constant 0 : index
      %get3A_1501 = tpu.vector_load %arg8[%get3A_1498, %get3A_1499, %get3A_1500] {strides = array<i32>} : memref<12x128x16xf32, #tpu.memory_space<vmem>>, vector<1x1x16xf32>,
      %get3A_1502 = vector.shape_cast %get3A_1501 : vector<1x1x16xf32> to vector<16xf32>
      %get3A_1503 = arith.constant 94 : i32
      %get3A_1504 = arith.index_cast %rem3A_318 : i32 to index
      %get3A_1505 = arith.index_cast %get3A_1503 : i32 to index
      %get3A_1506 = arith.constant 0 : index
      %get3A_1507 = tpu.vector_load %arg8[%get3A_1504, %get3A_1505, %get3A_1506] {strides = array<i32>} : memref<12x128x16xf32, #tpu.memory_space<vmem>>, vector<1x1x16xf32>,
      %get3A_1508 = vector.shape_cast %get3A_1507 : vector<1x1x16xf32> to vector<16xf32>
      %get3A_1509 = arith.constant 95 : i32
      %get3A_1510 = arith.index_cast %rem3A_318 : i32 to index
      %get3A_1511 = arith.index_cast %get3A_1509 : i32 to index
      %get3A_1512 = arith.constant 0 : index
      %get3A_1513 = tpu.vector_load %arg8[%get3A_1510, %get3A_1511, %get3A_1512] {strides = array<i32>} : memref<12x128x16xf32, #tpu.memory_space<vmem>>, vector<1x1x16xf32>,
      %get3A_1514 = vector.shape_cast %get3A_1513 : vector<1x1x16xf32> to vector<16xf32>
      %slice3A_1515 = vector.extract_strided_slice %get3A_1418 {offsets = [0], sizes = [1], strides = [1]} : vector<16xi32> to vector<1xi32>
      %squeeze3A_1516 = vector.extract %slice3A_1515[0] : i32 from vector<1xi32>
      %swap3A_1517 = arith.index_cast %squeeze3A_1516 : i32 to index
      %swap3A_1518 = arith.constant 0 : index
      %swap3A_1519 = tpu.vector_load %arg9[%swap3A_1517, %swap3A_1518] {strides = array<i32>} : memref<5008x16xf32, #tpu.memory_space<vmem>>, vector<1x16xf32>,
      %swap3A_1520 = vector.shape_cast %swap3A_1519 : vector<1x16xf32> to vector<16xf32>
      %swap3A_1521 = vector.shape_cast %get3A_1424 : vector<16xf32> to vector<1x16xf32>
      tpu.vector_store %arg9[%swap3A_1517, %swap3A_1518], %swap3A_1521 {add = true, strides = array<i32>} : memref<5008x16xf32, #tpu.memory_space<vmem>>, vector<1x16xf32>,
      %slice3A_1522 = vector.extract_strided_slice %get3A_1418 {offsets = [1], sizes = [1], strides = [1]} : vector<16xi32> to vector<1xi32>
      %squeeze3A_1523 = vector.extract %slice3A_1522[0] : i32 from vector<1xi32>
      %swap3A_1524 = arith.index_cast %squeeze3A_1523 : i32 to index
      %swap3A_1525 = arith.constant 0 : index
      %swap3A_1526 = tpu.vector_load %arg9[%swap3A_1524, %swap3A_1525] {strides = array<i32>} : memref<5008x16xf32, #tpu.memory_space<vmem>>, vector<1x16xf32>,
      %swap3A_1527 = vector.shape_cast %swap3A_1526 : vector<1x16xf32> to vector<16xf32>
      %swap3A_1528 = vector.shape_cast %get3A_1430 : vector<16xf32> to vector<1x16xf32>
      tpu.vector_store %arg9[%swap3A_1524, %swap3A_1525], %swap3A_1528 {add = true, strides = array<i32>} : memref<5008x16xf32, #tpu.memory_space<vmem>>, vector<1x16xf32>,
      %slice3A_1529 = vector.extract_strided_slice %get3A_1418 {offsets = [2], sizes = [1], strides = [1]} : vector<16xi32> to vector<1xi32>
      %squeeze3A_1530 = vector.extract %slice3A_1529[0] : i32 from vector<1xi32>
      %swap3A_1531 = arith.index_cast %squeeze3A_1530 : i32 to index
      %swap3A_1532 = arith.constant 0 : index
      %swap3A_1533 = tpu.vector_load %arg9[%swap3A_1531, %swap3A_1532] {strides = array<i32>} : memref<5008x16xf32, #tpu.memory_space<vmem>>, vector<1x16xf32>,
      %swap3A_1534 = vector.shape_cast %swap3A_1533 : vector<1x16xf32> to vector<16xf32>
      %swap3A_1535 = vector.shape_cast %get3A_1436 : vector<16xf32> to vector<1x16xf32>
      tpu.vector_store %arg9[%swap3A_1531, %swap3A_1532], %swap3A_1535 {add = true, strides = array<i32>} : memref<5008x16xf32, #tpu.memory_space<vmem>>, vector<1x16xf32>,
      %slice3A_1536 = vector.extract_strided_slice %get3A_1418 {offsets = [3], sizes = [1], strides = [1]} : vector<16xi32> to vector<1xi32>
      %squeeze3A_1537 = vector.extract %slice3A_1536[0] : i32 from vector<1xi32>
      %swap3A_1538 = arith.index_cast %squeeze3A_1537 : i32 to index
      %swap3A_1539 = arith.constant 0 : index
      %swap3A_1540 = tpu.vector_load %arg9[%swap3A_1538, %swap3A_1539] {strides = array<i32>} : memref<5008x16xf32, #tpu.memory_space<vmem>>, vector<1x16xf32>,
      %swap3A_1541 = vector.shape_cast %swap3A_1540 : vector<1x16xf32> to vector<16xf32>
      %swap3A_1542 = vector.shape_cast %get3A_1442 : vector<16xf32> to vector<1x16xf32>
      tpu.vector_store %arg9[%swap3A_1538, %swap3A_1539], %swap3A_1542 {add = true, strides = array<i32>} : memref<5008x16xf32, #tpu.memory_space<vmem>>, vector<1x16xf32>,
      %slice3A_1543 = vector.extract_strided_slice %get3A_1418 {offsets = [4], sizes = [1], strides = [1]} : vector<16xi32> to vector<1xi32>
      %squeeze3A_1544 = vector.extract %slice3A_1543[0] : i32 from vector<1xi32>
      %swap3A_1545 = arith.index_cast %squeeze3A_1544 : i32 to index
      %swap3A_1546 = arith.constant 0 : index
      %swap3A_1547 = tpu.vector_load %arg9[%swap3A_1545, %swap3A_1546] {strides = array<i32>} : memref<5008x16xf32, #tpu.memory_space<vmem>>, vector<1x16xf32>,
      %swap3A_1548 = vector.shape_cast %swap3A_1547 : vector<1x16xf32> to vector<16xf32>
      %swap3A_1549 = vector.shape_cast %get3A_1448 : vector<16xf32> to vector<1x16xf32>
      tpu.vector_store %arg9[%swap3A_1545, %swap3A_1546], %swap3A_1549 {add = true, strides = array<i32>} : memref<5008x16xf32, #tpu.memory_space<vmem>>, vector<1x16xf32>,
      %slice3A_1550 = vector.extract_strided_slice %get3A_1418 {offsets = [5], sizes = [1], strides = [1]} : vector<16xi32> to vector<1xi32>
      %squeeze3A_1551 = vector.extract %slice3A_1550[0] : i32 from vector<1xi32>
      %swap3A_1552 = arith.index_cast %squeeze3A_1551 : i32 to index
      %swap3A_1553 = arith.constant 0 : index
      %swap3A_1554 = tpu.vector_load %arg9[%swap3A_1552, %swap3A_1553] {strides = array<i32>} : memref<5008x16xf32, #tpu.memory_space<vmem>>, vector<1x16xf32>,
      %swap3A_1555 = vector.shape_cast %swap3A_1554 : vector<1x16xf32> to vector<16xf32>
      %swap3A_1556 = vector.shape_cast %get3A_1454 : vector<16xf32> to vector<1x16xf32>
      tpu.vector_store %arg9[%swap3A_1552, %swap3A_1553], %swap3A_1556 {add = true, strides = array<i32>} : memref<5008x16xf32, #tpu.memory_space<vmem>>, vector<1x16xf32>,
      %slice3A_1557 = vector.extract_strided_slice %get3A_1418 {offsets = [6], sizes = [1], strides = [1]} : vector<16xi32> to vector<1xi32>
      %squeeze3A_1558 = vector.extract %slice3A_1557[0] : i32 from vector<1xi32>
      %swap3A_1559 = arith.index_cast %squeeze3A_1558 : i32 to index
      %swap3A_1560 = arith.constant 0 : index
      %swap3A_1561 = tpu.vector_load %arg9[%swap3A_1559, %swap3A_1560] {strides = array<i32>} : memref<5008x16xf32, #tpu.memory_space<vmem>>, vector<1x16xf32>,
      %swap3A_1562 = vector.shape_cast %swap3A_1561 : vector<1x16xf32> to vector<16xf32>
      %swap3A_1563 = vector.shape_cast %get3A_1460 : vector<16xf32> to vector<1x16xf32>
      tpu.vector_store %arg9[%swap3A_1559, %swap3A_1560], %swap3A_1563 {add = true, strides = array<i32>} : memref<5008x16xf32, #tpu.memory_space<vmem>>, vector<1x16xf32>,
      %slice3A_1564 = vector.extract_strided_slice %get3A_1418 {offsets = [7], sizes = [1], strides = [1]} : vector<16xi32> to vector<1xi32>
      %squeeze3A_1565 = vector.extract %slice3A_1564[0] : i32 from vector<1xi32>
      %swap3A_1566 = arith.index_cast %squeeze3A_1565 : i32 to index
      %swap3A_1567 = arith.constant 0 : index
      %swap3A_1568 = tpu.vector_load %arg9[%swap3A_1566, %swap3A_1567] {strides = array<i32>} : memref<5008x16xf32, #tpu.memory_space<vmem>>, vector<1x16xf32>,
      %swap3A_1569 = vector.shape_cast %swap3A_1568 : vector<1x16xf32> to vector<16xf32>
      %swap3A_1570 = vector.shape_cast %get3A_1466 : vector<16xf32> to vector<1x16xf32>
      tpu.vector_store %arg9[%swap3A_1566, %swap3A_1567], %swap3A_1570 {add = true, strides = array<i32>} : memref<5008x16xf32, #tpu.memory_space<vmem>>, vector<1x16xf32>,
      %slice3A_1571 = vector.extract_strided_slice %get3A_1418 {offsets = [8], sizes = [1], strides = [1]} : vector<16xi32> to vector<1xi32>
      %squeeze3A_1572 = vector.extract %slice3A_1571[0] : i32 from vector<1xi32>
      %swap3A_1573 = arith.index_cast %squeeze3A_1572 : i32 to index
      %swap3A_1574 = arith.constant 0 : index
      %swap3A_1575 = tpu.vector_load %arg9[%swap3A_1573, %swap3A_1574] {strides = array<i32>} : memref<5008x16xf32, #tpu.memory_space<vmem>>, vector<1x16xf32>,
      %swap3A_1576 = vector.shape_cast %swap3A_1575 : vector<1x16xf32> to vector<16xf32>
      %swap3A_1577 = vector.shape_cast %get3A_1472 : vector<16xf32> to vector<1x16xf32>
      tpu.vector_store %arg9[%swap3A_1573, %swap3A_1574], %swap3A_1577 {add = true, strides = array<i32>} : memref<5008x16xf32, #tpu.memory_space<vmem>>, vector<1x16xf32>,
      %slice3A_1578 = vector.extract_strided_slice %get3A_1418 {offsets = [9], sizes = [1], strides = [1]} : vector<16xi32> to vector<1xi32>
      %squeeze3A_1579 = vector.extract %slice3A_1578[0] : i32 from vector<1xi32>
      %swap3A_1580 = arith.index_cast %squeeze3A_1579 : i32 to index
      %swap3A_1581 = arith.constant 0 : index
      %swap3A_1582 = tpu.vector_load %arg9[%swap3A_1580, %swap3A_1581] {strides = array<i32>} : memref<5008x16xf32, #tpu.memory_space<vmem>>, vector<1x16xf32>,
      %swap3A_1583 = vector.shape_cast %swap3A_1582 : vector<1x16xf32> to vector<16xf32>
      %swap3A_1584 = vector.shape_cast %get3A_1478 : vector<16xf32> to vector<1x16xf32>
      tpu.vector_store %arg9[%swap3A_1580, %swap3A_1581], %swap3A_1584 {add = true, strides = array<i32>} : memref<5008x16xf32, #tpu.memory_space<vmem>>, vector<1x16xf32>,
      %slice3A_1585 = vector.extract_strided_slice %get3A_1418 {offsets = [10], sizes = [1], strides = [1]} : vector<16xi32> to vector<1xi32>
      %squeeze3A_1586 = vector.extract %slice3A_1585[0] : i32 from vector<1xi32>
      %swap3A_1587 = arith.index_cast %squeeze3A_1586 : i32 to index
      %swap3A_1588 = arith.constant 0 : index
      %swap3A_1589 = tpu.vector_load %arg9[%swap3A_1587, %swap3A_1588] {strides = array<i32>} : memref<5008x16xf32, #tpu.memory_space<vmem>>, vector<1x16xf32>,
      %swap3A_1590 = vector.shape_cast %swap3A_1589 : vector<1x16xf32> to vector<16xf32>
      %swap3A_1591 = vector.shape_cast %get3A_1484 : vector<16xf32> to vector<1x16xf32>
      tpu.vector_store %arg9[%swap3A_1587, %swap3A_1588], %swap3A_1591 {add = true, strides = array<i32>} : memref<5008x16xf32, #tpu.memory_space<vmem>>, vector<1x16xf32>,
      %slice3A_1592 = vector.extract_strided_slice %get3A_1418 {offsets = [11], sizes = [1], strides = [1]} : vector<16xi32> to vector<1xi32>
      %squeeze3A_1593 = vector.extract %slice3A_1592[0] : i32 from vector<1xi32>
      %swap3A_1594 = arith.index_cast %squeeze3A_1593 : i32 to index
      %swap3A_1595 = arith.constant 0 : index
      %swap3A_1596 = tpu.vector_load %arg9[%swap3A_1594, %swap3A_1595] {strides = array<i32>} : memref<5008x16xf32, #tpu.memory_space<vmem>>, vector<1x16xf32>,
      %swap3A_1597 = vector.shape_cast %swap3A_1596 : vector<1x16xf32> to vector<16xf32>
      %swap3A_1598 = vector.shape_cast %get3A_1490 : vector<16xf32> to vector<1x16xf32>
      tpu.vector_store %arg9[%swap3A_1594, %swap3A_1595], %swap3A_1598 {add = true, strides = array<i32>} : memref<5008x16xf32, #tpu.memory_space<vmem>>, vector<1x16xf32>,
      %slice3A_1599 = vector.extract_strided_slice %get3A_1418 {offsets = [12], sizes = [1], strides = [1]} : vector<16xi32> to vector<1xi32>
      %squeeze3A_1600 = vector.extract %slice3A_1599[0] : i32 from vector<1xi32>
      %swap3A_1601 = arith.index_cast %squeeze3A_1600 : i32 to index
      %swap3A_1602 = arith.constant 0 : index
      %swap3A_1603 = tpu.vector_load %arg9[%swap3A_1601, %swap3A_1602] {strides = array<i32>} : memref<5008x16xf32, #tpu.memory_space<vmem>>, vector<1x16xf32>,
      %swap3A_1604 = vector.shape_cast %swap3A_1603 : vector<1x16xf32> to vector<16xf32>
      %swap3A_1605 = vector.shape_cast %get3A_1496 : vector<16xf32> to vector<1x16xf32>
      tpu.vector_store %arg9[%swap3A_1601, %swap3A_1602], %swap3A_1605 {add = true, strides = array<i32>} : memref<5008x16xf32, #tpu.memory_space<vmem>>, vector<1x16xf32>,
      %slice3A_1606 = vector.extract_strided_slice %get3A_1418 {offsets = [13], sizes = [1], strides = [1]} : vector<16xi32> to vector<1xi32>
      %squeeze3A_1607 = vector.extract %slice3A_1606[0] : i32 from vector<1xi32>
      %swap3A_1608 = arith.index_cast %squeeze3A_1607 : i32 to index
      %swap3A_1609 = arith.constant 0 : index
      %swap3A_1610 = tpu.vector_load %arg9[%swap3A_1608, %swap3A_1609] {strides = array<i32>} : memref<5008x16xf32, #tpu.memory_space<vmem>>, vector<1x16xf32>,
      %swap3A_1611 = vector.shape_cast %swap3A_1610 : vector<1x16xf32> to vector<16xf32>
      %swap3A_1612 = vector.shape_cast %get3A_1502 : vector<16xf32> to vector<1x16xf32>
      tpu.vector_store %arg9[%swap3A_1608, %swap3A_1609], %swap3A_1612 {add = true, strides = array<i32>} : memref<5008x16xf32, #tpu.memory_space<vmem>>, vector<1x16xf32>,
      %slice3A_1613 = vector.extract_strided_slice %get3A_1418 {offsets = [14], sizes = [1], strides = [1]} : vector<16xi32> to vector<1xi32>
      %squeeze3A_1614 = vector.extract %slice3A_1613[0] : i32 from vector<1xi32>
      %swap3A_1615 = arith.index_cast %squeeze3A_1614 : i32 to index
      %swap3A_1616 = arith.constant 0 : index
      %swap3A_1617 = tpu.vector_load %arg9[%swap3A_1615, %swap3A_1616] {strides = array<i32>} : memref<5008x16xf32, #tpu.memory_space<vmem>>, vector<1x16xf32>,
      %swap3A_1618 = vector.shape_cast %swap3A_1617 : vector<1x16xf32> to vector<16xf32>
      %swap3A_1619 = vector.shape_cast %get3A_1508 : vector<16xf32> to vector<1x16xf32>
      tpu.vector_store %arg9[%swap3A_1615, %swap3A_1616], %swap3A_1619 {add = true, strides = array<i32>} : memref<5008x16xf32, #tpu.memory_space<vmem>>, vector<1x16xf32>,
      %slice3A_1620 = vector.extract_strided_slice %get3A_1418 {offsets = [15], sizes = [1], strides = [1]} : vector<16xi32> to vector<1xi32>
      %squeeze3A_1621 = vector.extract %slice3A_1620[0] : i32 from vector<1xi32>
      %swap3A_1622 = arith.index_cast %squeeze3A_1621 : i32 to index
      %swap3A_1623 = arith.constant 0 : index
      %swap3A_1624 = tpu.vector_load %arg9[%swap3A_1622, %swap3A_1623] {strides = array<i32>} : memref<5008x16xf32, #tpu.memory_space<vmem>>, vector<1x16xf32>,
      %swap3A_1625 = vector.shape_cast %swap3A_1624 : vector<1x16xf32> to vector<16xf32>
      %swap3A_1626 = vector.shape_cast %get3A_1514 : vector<16xf32> to vector<1x16xf32>
      tpu.vector_store %arg9[%swap3A_1622, %swap3A_1623], %swap3A_1626 {add = true, strides = array<i32>} : memref<5008x16xf32, #tpu.memory_space<vmem>>, vector<1x16xf32>,
      %add3A_1627 = arith.constant 96 : i32
      %add3A_1628 = arith.addi %mul3A_346, %add3A_1627 : i32
      %get3A_1629 = arith.index_cast %rem3A_344 : i32 to index
      %get3A_1630 = arith.index_cast %add3A_1628 : i32 to index
      %get3A_1631 = tpu.vector_load %arg7[%get3A_1629, %get3A_1630] {strides = array<i32>} : memref<3x1280xi32, #tpu.memory_space<vmem>>, vector<1x16xi32>,
      %get3A_1632 = vector.shape_cast %get3A_1631 : vector<1x16xi32> to vector<16xi32>
      %get3A_1633 = arith.constant 96 : i32
      %get3A_1634 = arith.index_cast %rem3A_318 : i32 to index
      %get3A_1635 = arith.index_cast %get3A_1633 : i32 to index
      %get3A_1636 = arith.constant 0 : index
      %get3A_1637 = tpu.vector_load %arg8[%get3A_1634, %get3A_1635, %get3A_1636] {strides = array<i32>} : memref<12x128x16xf32, #tpu.memory_space<vmem>>, vector<1x1x16xf32>,
      %get3A_1638 = vector.shape_cast %get3A_1637 : vector<1x1x16xf32> to vector<16xf32>
      %get3A_1639 = arith.constant 97 : i32
      %get3A_1640 = arith.index_cast %rem3A_318 : i32 to index
      %get3A_1641 = arith.index_cast %get3A_1639 : i32 to index
      %get3A_1642 = arith.constant 0 : index
      %get3A_1643 = tpu.vector_load %arg8[%get3A_1640, %get3A_1641, %get3A_1642] {strides = array<i32>} : memref<12x128x16xf32, #tpu.memory_space<vmem>>, vector<1x1x16xf32>,
      %get3A_1644 = vector.shape_cast %get3A_1643 : vector<1x1x16xf32> to vector<16xf32>
      %get3A_1645 = arith.constant 98 : i32
      %get3A_1646 = arith.index_cast %rem3A_318 : i32 to index
      %get3A_1647 = arith.index_cast %get3A_1645 : i32 to index
      %get3A_1648 = arith.constant 0 : index
      %get3A_1649 = tpu.vector_load %arg8[%get3A_1646, %get3A_1647, %get3A_1648] {strides = array<i32>} : memref<12x128x16xf32, #tpu.memory_space<vmem>>, vector<1x1x16xf32>,
      %get3A_1650 = vector.shape_cast %get3A_1649 : vector<1x1x16xf32> to vector<16xf32>
      %get3A_1651 = arith.constant 99 : i32
      %get3A_1652 = arith.index_cast %rem3A_318 : i32 to index
      %get3A_1653 = arith.index_cast %get3A_1651 : i32 to index
      %get3A_1654 = arith.constant 0 : index
      %get3A_1655 = tpu.vector_load %arg8[%get3A_1652, %get3A_1653, %get3A_1654] {strides = array<i32>} : memref<12x128x16xf32, #tpu.memory_space<vmem>>, vector<1x1x16xf32>,
      %get3A_1656 = vector.shape_cast %get3A_1655 : vector<1x1x16xf32> to vector<16xf32>
      %get3A_1657 = arith.constant 100 : i32
      %get3A_1658 = arith.index_cast %rem3A_318 : i32 to index
      %get3A_1659 = arith.index_cast %get3A_1657 : i32 to index
      %get3A_1660 = arith.constant 0 : index
      %get3A_1661 = tpu.vector_load %arg8[%get3A_1658, %get3A_1659, %get3A_1660] {strides = array<i32>} : memref<12x128x16xf32, #tpu.memory_space<vmem>>, vector<1x1x16xf32>,
      %get3A_1662 = vector.shape_cast %get3A_1661 : vector<1x1x16xf32> to vector<16xf32>
      %get3A_1663 = arith.constant 101 : i32
      %get3A_1664 = arith.index_cast %rem3A_318 : i32 to index
      %get3A_1665 = arith.index_cast %get3A_1663 : i32 to index
      %get3A_1666 = arith.constant 0 : index
      %get3A_1667 = tpu.vector_load %arg8[%get3A_1664, %get3A_1665, %get3A_1666] {strides = array<i32>} : memref<12x128x16xf32, #tpu.memory_space<vmem>>, vector<1x1x16xf32>,
      %get3A_1668 = vector.shape_cast %get3A_1667 : vector<1x1x16xf32> to vector<16xf32>
      %get3A_1669 = arith.constant 102 : i32
      %get3A_1670 = arith.index_cast %rem3A_318 : i32 to index
      %get3A_1671 = arith.index_cast %get3A_1669 : i32 to index
      %get3A_1672 = arith.constant 0 : index
      %get3A_1673 = tpu.vector_load %arg8[%get3A_1670, %get3A_1671, %get3A_1672] {strides = array<i32>} : memref<12x128x16xf32, #tpu.memory_space<vmem>>, vector<1x1x16xf32>,
      %get3A_1674 = vector.shape_cast %get3A_1673 : vector<1x1x16xf32> to vector<16xf32>
      %get3A_1675 = arith.constant 103 : i32
      %get3A_1676 = arith.index_cast %rem3A_318 : i32 to index
      %get3A_1677 = arith.index_cast %get3A_1675 : i32 to index
      %get3A_1678 = arith.constant 0 : index
      %get3A_1679 = tpu.vector_load %arg8[%get3A_1676, %get3A_1677, %get3A_1678] {strides = array<i32>} : memref<12x128x16xf32, #tpu.memory_space<vmem>>, vector<1x1x16xf32>,
      %get3A_1680 = vector.shape_cast %get3A_1679 : vector<1x1x16xf32> to vector<16xf32>
      %get3A_1681 = arith.constant 104 : i32
      %get3A_1682 = arith.index_cast %rem3A_318 : i32 to index
      %get3A_1683 = arith.index_cast %get3A_1681 : i32 to index
      %get3A_1684 = arith.constant 0 : index
      %get3A_1685 = tpu.vector_load %arg8[%get3A_1682, %get3A_1683, %get3A_1684] {strides = array<i32>} : memref<12x128x16xf32, #tpu.memory_space<vmem>>, vector<1x1x16xf32>,
      %get3A_1686 = vector.shape_cast %get3A_1685 : vector<1x1x16xf32> to vector<16xf32>
      %get3A_1687 = arith.constant 105 : i32
      %get3A_1688 = arith.index_cast %rem3A_318 : i32 to index
      %get3A_1689 = arith.index_cast %get3A_1687 : i32 to index
      %get3A_1690 = arith.constant 0 : index
      %get3A_1691 = tpu.vector_load %arg8[%get3A_1688, %get3A_1689, %get3A_1690] {strides = array<i32>} : memref<12x128x16xf32, #tpu.memory_space<vmem>>, vector<1x1x16xf32>,
      %get3A_1692 = vector.shape_cast %get3A_1691 : vector<1x1x16xf32> to vector<16xf32>
      %get3A_1693 = arith.constant 106 : i32
      %get3A_1694 = arith.index_cast %rem3A_318 : i32 to index
      %get3A_1695 = arith.index_cast %get3A_1693 : i32 to index
      %get3A_1696 = arith.constant 0 : index
      %get3A_1697 = tpu.vector_load %arg8[%get3A_1694, %get3A_1695, %get3A_1696] {strides = array<i32>} : memref<12x128x16xf32, #tpu.memory_space<vmem>>, vector<1x1x16xf32>,
      %get3A_1698 = vector.shape_cast %get3A_1697 : vector<1x1x16xf32> to vector<16xf32>
      %get3A_1699 = arith.constant 107 : i32
      %get3A_1700 = arith.index_cast %rem3A_318 : i32 to index
      %get3A_1701 = arith.index_cast %get3A_1699 : i32 to index
      %get3A_1702 = arith.constant 0 : index
      %get3A_1703 = tpu.vector_load %arg8[%get3A_1700, %get3A_1701, %get3A_1702] {strides = array<i32>} : memref<12x128x16xf32, #tpu.memory_space<vmem>>, vector<1x1x16xf32>,
      %get3A_1704 = vector.shape_cast %get3A_1703 : vector<1x1x16xf32> to vector<16xf32>
      %get3A_1705 = arith.constant 108 : i32
      %get3A_1706 = arith.index_cast %rem3A_318 : i32 to index
      %get3A_1707 = arith.index_cast %get3A_1705 : i32 to index
      %get3A_1708 = arith.constant 0 : index
      %get3A_1709 = tpu.vector_load %arg8[%get3A_1706, %get3A_1707, %get3A_1708] {strides = array<i32>} : memref<12x128x16xf32, #tpu.memory_space<vmem>>, vector<1x1x16xf32>,
      %get3A_1710 = vector.shape_cast %get3A_1709 : vector<1x1x16xf32> to vector<16xf32>
      %get3A_1711 = arith.constant 109 : i32
      %get3A_1712 = arith.index_cast %rem3A_318 : i32 to index
      %get3A_1713 = arith.index_cast %get3A_1711 : i32 to index
      %get3A_1714 = arith.constant 0 : index
      %get3A_1715 = tpu.vector_load %arg8[%get3A_1712, %get3A_1713, %get3A_1714] {strides = array<i32>} : memref<12x128x16xf32, #tpu.memory_space<vmem>>, vector<1x1x16xf32>,
      %get3A_1716 = vector.shape_cast %get3A_1715 : vector<1x1x16xf32> to vector<16xf32>
      %get3A_1717 = arith.constant 110 : i32
      %get3A_1718 = arith.index_cast %rem3A_318 : i32 to index
      %get3A_1719 = arith.index_cast %get3A_1717 : i32 to index
      %get3A_1720 = arith.constant 0 : index
      %get3A_1721 = tpu.vector_load %arg8[%get3A_1718, %get3A_1719, %get3A_1720] {strides = array<i32>} : memref<12x128x16xf32, #tpu.memory_space<vmem>>, vector<1x1x16xf32>,
      %get3A_1722 = vector.shape_cast %get3A_1721 : vector<1x1x16xf32> to vector<16xf32>
      %get3A_1723 = arith.constant 111 : i32
      %get3A_1724 = arith.index_cast %rem3A_318 : i32 to index
      %get3A_1725 = arith.index_cast %get3A_1723 : i32 to index
      %get3A_1726 = arith.constant 0 : index
      %get3A_1727 = tpu.vector_load %arg8[%get3A_1724, %get3A_1725, %get3A_1726] {strides = array<i32>} : memref<12x128x16xf32, #tpu.memory_space<vmem>>, vector<1x1x16xf32>,
      %get3A_1728 = vector.shape_cast %get3A_1727 : vector<1x1x16xf32> to vector<16xf32>
      %slice3A_1729 = vector.extract_strided_slice %get3A_1632 {offsets = [0], sizes = [1], strides = [1]} : vector<16xi32> to vector<1xi32>
      %squeeze3A_1730 = vector.extract %slice3A_1729[0] : i32 from vector<1xi32>
      %swap3A_1731 = arith.index_cast %squeeze3A_1730 : i32 to index
      %swap3A_1732 = arith.constant 0 : index
      %swap3A_1733 = tpu.vector_load %arg9[%swap3A_1731, %swap3A_1732] {strides = array<i32>} : memref<5008x16xf32, #tpu.memory_space<vmem>>, vector<1x16xf32>,
      %swap3A_1734 = vector.shape_cast %swap3A_1733 : vector<1x16xf32> to vector<16xf32>
      %swap3A_1735 = vector.shape_cast %get3A_1638 : vector<16xf32> to vector<1x16xf32>
      tpu.vector_store %arg9[%swap3A_1731, %swap3A_1732], %swap3A_1735 {add = true, strides = array<i32>} : memref<5008x16xf32, #tpu.memory_space<vmem>>, vector<1x16xf32>,
      %slice3A_1736 = vector.extract_strided_slice %get3A_1632 {offsets = [1], sizes = [1], strides = [1]} : vector<16xi32> to vector<1xi32>
      %squeeze3A_1737 = vector.extract %slice3A_1736[0] : i32 from vector<1xi32>
      %swap3A_1738 = arith.index_cast %squeeze3A_1737 : i32 to index
      %swap3A_1739 = arith.constant 0 : index
      %swap3A_1740 = tpu.vector_load %arg9[%swap3A_1738, %swap3A_1739] {strides = array<i32>} : memref<5008x16xf32, #tpu.memory_space<vmem>>, vector<1x16xf32>,
      %swap3A_1741 = vector.shape_cast %swap3A_1740 : vector<1x16xf32> to vector<16xf32>
      %swap3A_1742 = vector.shape_cast %get3A_1644 : vector<16xf32> to vector<1x16xf32>
      tpu.vector_store %arg9[%swap3A_1738, %swap3A_1739], %swap3A_1742 {add = true, strides = array<i32>} : memref<5008x16xf32, #tpu.memory_space<vmem>>, vector<1x16xf32>,
      %slice3A_1743 = vector.extract_strided_slice %get3A_1632 {offsets = [2], sizes = [1], strides = [1]} : vector<16xi32> to vector<1xi32>
      %squeeze3A_1744 = vector.extract %slice3A_1743[0] : i32 from vector<1xi32>
      %swap3A_1745 = arith.index_cast %squeeze3A_1744 : i32 to index
      %swap3A_1746 = arith.constant 0 : index
      %swap3A_1747 = tpu.vector_load %arg9[%swap3A_1745, %swap3A_1746] {strides = array<i32>} : memref<5008x16xf32, #tpu.memory_space<vmem>>, vector<1x16xf32>,
      %swap3A_1748 = vector.shape_cast %swap3A_1747 : vector<1x16xf32> to vector<16xf32>
      %swap3A_1749 = vector.shape_cast %get3A_1650 : vector<16xf32> to vector<1x16xf32>
      tpu.vector_store %arg9[%swap3A_1745, %swap3A_1746], %swap3A_1749 {add = true, strides = array<i32>} : memref<5008x16xf32, #tpu.memory_space<vmem>>, vector<1x16xf32>,
      %slice3A_1750 = vector.extract_strided_slice %get3A_1632 {offsets = [3], sizes = [1], strides = [1]} : vector<16xi32> to vector<1xi32>
      %squeeze3A_1751 = vector.extract %slice3A_1750[0] : i32 from vector<1xi32>
      %swap3A_1752 = arith.index_cast %squeeze3A_1751 : i32 to index
      %swap3A_1753 = arith.constant 0 : index
      %swap3A_1754 = tpu.vector_load %arg9[%swap3A_1752, %swap3A_1753] {strides = array<i32>} : memref<5008x16xf32, #tpu.memory_space<vmem>>, vector<1x16xf32>,
      %swap3A_1755 = vector.shape_cast %swap3A_1754 : vector<1x16xf32> to vector<16xf32>
      %swap3A_1756 = vector.shape_cast %get3A_1656 : vector<16xf32> to vector<1x16xf32>
      tpu.vector_store %arg9[%swap3A_1752, %swap3A_1753], %swap3A_1756 {add = true, strides = array<i32>} : memref<5008x16xf32, #tpu.memory_space<vmem>>, vector<1x16xf32>,
      %slice3A_1757 = vector.extract_strided_slice %get3A_1632 {offsets = [4], sizes = [1], strides = [1]} : vector<16xi32> to vector<1xi32>
      %squeeze3A_1758 = vector.extract %slice3A_1757[0] : i32 from vector<1xi32>
      %swap3A_1759 = arith.index_cast %squeeze3A_1758 : i32 to index
      %swap3A_1760 = arith.constant 0 : index
      %swap3A_1761 = tpu.vector_load %arg9[%swap3A_1759, %swap3A_1760] {strides = array<i32>} : memref<5008x16xf32, #tpu.memory_space<vmem>>, vector<1x16xf32>,
      %swap3A_1762 = vector.shape_cast %swap3A_1761 : vector<1x16xf32> to vector<16xf32>
      %swap3A_1763 = vector.shape_cast %get3A_1662 : vector<16xf32> to vector<1x16xf32>
      tpu.vector_store %arg9[%swap3A_1759, %swap3A_1760], %swap3A_1763 {add = true, strides = array<i32>} : memref<5008x16xf32, #tpu.memory_space<vmem>>, vector<1x16xf32>,
      %slice3A_1764 = vector.extract_strided_slice %get3A_1632 {offsets = [5], sizes = [1], strides = [1]} : vector<16xi32> to vector<1xi32>
      %squeeze3A_1765 = vector.extract %slice3A_1764[0] : i32 from vector<1xi32>
      %swap3A_1766 = arith.index_cast %squeeze3A_1765 : i32 to index
      %swap3A_1767 = arith.constant 0 : index
      %swap3A_1768 = tpu.vector_load %arg9[%swap3A_1766, %swap3A_1767] {strides = array<i32>} : memref<5008x16xf32, #tpu.memory_space<vmem>>, vector<1x16xf32>,
      %swap3A_1769 = vector.shape_cast %swap3A_1768 : vector<1x16xf32> to vector<16xf32>
      %swap3A_1770 = vector.shape_cast %get3A_1668 : vector<16xf32> to vector<1x16xf32>
      tpu.vector_store %arg9[%swap3A_1766, %swap3A_1767], %swap3A_1770 {add = true, strides = array<i32>} : memref<5008x16xf32, #tpu.memory_space<vmem>>, vector<1x16xf32>,
      %slice3A_1771 = vector.extract_strided_slice %get3A_1632 {offsets = [6], sizes = [1], strides = [1]} : vector<16xi32> to vector<1xi32>
      %squeeze3A_1772 = vector.extract %slice3A_1771[0] : i32 from vector<1xi32>
      %swap3A_1773 = arith.index_cast %squeeze3A_1772 : i32 to index
      %swap3A_1774 = arith.constant 0 : index
      %swap3A_1775 = tpu.vector_load %arg9[%swap3A_1773, %swap3A_1774] {strides = array<i32>} : memref<5008x16xf32, #tpu.memory_space<vmem>>, vector<1x16xf32>,
      %swap3A_1776 = vector.shape_cast %swap3A_1775 : vector<1x16xf32> to vector<16xf32>
      %swap3A_1777 = vector.shape_cast %get3A_1674 : vector<16xf32> to vector<1x16xf32>
      tpu.vector_store %arg9[%swap3A_1773, %swap3A_1774], %swap3A_1777 {add = true, strides = array<i32>} : memref<5008x16xf32, #tpu.memory_space<vmem>>, vector<1x16xf32>,
      %slice3A_1778 = vector.extract_strided_slice %get3A_1632 {offsets = [7], sizes = [1], strides = [1]} : vector<16xi32> to vector<1xi32>
      %squeeze3A_1779 = vector.extract %slice3A_1778[0] : i32 from vector<1xi32>
      %swap3A_1780 = arith.index_cast %squeeze3A_1779 : i32 to index
      %swap3A_1781 = arith.constant 0 : index
      %swap3A_1782 = tpu.vector_load %arg9[%swap3A_1780, %swap3A_1781] {strides = array<i32>} : memref<5008x16xf32, #tpu.memory_space<vmem>>, vector<1x16xf32>,
      %swap3A_1783 = vector.shape_cast %swap3A_1782 : vector<1x16xf32> to vector<16xf32>
      %swap3A_1784 = vector.shape_cast %get3A_1680 : vector<16xf32> to vector<1x16xf32>
      tpu.vector_store %arg9[%swap3A_1780, %swap3A_1781], %swap3A_1784 {add = true, strides = array<i32>} : memref<5008x16xf32, #tpu.memory_space<vmem>>, vector<1x16xf32>,
      %slice3A_1785 = vector.extract_strided_slice %get3A_1632 {offsets = [8], sizes = [1], strides = [1]} : vector<16xi32> to vector<1xi32>
      %squeeze3A_1786 = vector.extract %slice3A_1785[0] : i32 from vector<1xi32>
      %swap3A_1787 = arith.index_cast %squeeze3A_1786 : i32 to index
      %swap3A_1788 = arith.constant 0 : index
      %swap3A_1789 = tpu.vector_load %arg9[%swap3A_1787, %swap3A_1788] {strides = array<i32>} : memref<5008x16xf32, #tpu.memory_space<vmem>>, vector<1x16xf32>,
      %swap3A_1790 = vector.shape_cast %swap3A_1789 : vector<1x16xf32> to vector<16xf32>
      %swap3A_1791 = vector.shape_cast %get3A_1686 : vector<16xf32> to vector<1x16xf32>
      tpu.vector_store %arg9[%swap3A_1787, %swap3A_1788], %swap3A_1791 {add = true, strides = array<i32>} : memref<5008x16xf32, #tpu.memory_space<vmem>>, vector<1x16xf32>,
      %slice3A_1792 = vector.extract_strided_slice %get3A_1632 {offsets = [9], sizes = [1], strides = [1]} : vector<16xi32> to vector<1xi32>
      %squeeze3A_1793 = vector.extract %slice3A_1792[0] : i32 from vector<1xi32>
      %swap3A_1794 = arith.index_cast %squeeze3A_1793 : i32 to index
      %swap3A_1795 = arith.constant 0 : index
      %swap3A_1796 = tpu.vector_load %arg9[%swap3A_1794, %swap3A_1795] {strides = array<i32>} : memref<5008x16xf32, #tpu.memory_space<vmem>>, vector<1x16xf32>,
      %swap3A_1797 = vector.shape_cast %swap3A_1796 : vector<1x16xf32> to vector<16xf32>
      %swap3A_1798 = vector.shape_cast %get3A_1692 : vector<16xf32> to vector<1x16xf32>
      tpu.vector_store %arg9[%swap3A_1794, %swap3A_1795], %swap3A_1798 {add = true, strides = array<i32>} : memref<5008x16xf32, #tpu.memory_space<vmem>>, vector<1x16xf32>,
      %slice3A_1799 = vector.extract_strided_slice %get3A_1632 {offsets = [10], sizes = [1], strides = [1]} : vector<16xi32> to vector<1xi32>
      %squeeze3A_1800 = vector.extract %slice3A_1799[0] : i32 from vector<1xi32>
      %swap3A_1801 = arith.index_cast %squeeze3A_1800 : i32 to index
      %swap3A_1802 = arith.constant 0 : index
      %swap3A_1803 = tpu.vector_load %arg9[%swap3A_1801, %swap3A_1802] {strides = array<i32>} : memref<5008x16xf32, #tpu.memory_space<vmem>>, vector<1x16xf32>,
      %swap3A_1804 = vector.shape_cast %swap3A_1803 : vector<1x16xf32> to vector<16xf32>
      %swap3A_1805 = vector.shape_cast %get3A_1698 : vector<16xf32> to vector<1x16xf32>
      tpu.vector_store %arg9[%swap3A_1801, %swap3A_1802], %swap3A_1805 {add = true, strides = array<i32>} : memref<5008x16xf32, #tpu.memory_space<vmem>>, vector<1x16xf32>,
      %slice3A_1806 = vector.extract_strided_slice %get3A_1632 {offsets = [11], sizes = [1], strides = [1]} : vector<16xi32> to vector<1xi32>
      %squeeze3A_1807 = vector.extract %slice3A_1806[0] : i32 from vector<1xi32>
      %swap3A_1808 = arith.index_cast %squeeze3A_1807 : i32 to index
      %swap3A_1809 = arith.constant 0 : index
      %swap3A_1810 = tpu.vector_load %arg9[%swap3A_1808, %swap3A_1809] {strides = array<i32>} : memref<5008x16xf32, #tpu.memory_space<vmem>>, vector<1x16xf32>,
      %swap3A_1811 = vector.shape_cast %swap3A_1810 : vector<1x16xf32> to vector<16xf32>
      %swap3A_1812 = vector.shape_cast %get3A_1704 : vector<16xf32> to vector<1x16xf32>
      tpu.vector_store %arg9[%swap3A_1808, %swap3A_1809], %swap3A_1812 {add = true, strides = array<i32>} : memref<5008x16xf32, #tpu.memory_space<vmem>>, vector<1x16xf32>,
      %slice3A_1813 = vector.extract_strided_slice %get3A_1632 {offsets = [12], sizes = [1], strides = [1]} : vector<16xi32> to vector<1xi32>
      %squeeze3A_1814 = vector.extract %slice3A_1813[0] : i32 from vector<1xi32>
      %swap3A_1815 = arith.index_cast %squeeze3A_1814 : i32 to index
      %swap3A_1816 = arith.constant 0 : index
      %swap3A_1817 = tpu.vector_load %arg9[%swap3A_1815, %swap3A_1816] {strides = array<i32>} : memref<5008x16xf32, #tpu.memory_space<vmem>>, vector<1x16xf32>,
      %swap3A_1818 = vector.shape_cast %swap3A_1817 : vector<1x16xf32> to vector<16xf32>
      %swap3A_1819 = vector.shape_cast %get3A_1710 : vector<16xf32> to vector<1x16xf32>
      tpu.vector_store %arg9[%swap3A_1815, %swap3A_1816], %swap3A_1819 {add = true, strides = array<i32>} : memref<5008x16xf32, #tpu.memory_space<vmem>>, vector<1x16xf32>,
      %slice3A_1820 = vector.extract_strided_slice %get3A_1632 {offsets = [13], sizes = [1], strides = [1]} : vector<16xi32> to vector<1xi32>
      %squeeze3A_1821 = vector.extract %slice3A_1820[0] : i32 from vector<1xi32>
      %swap3A_1822 = arith.index_cast %squeeze3A_1821 : i32 to index
      %swap3A_1823 = arith.constant 0 : index
      %swap3A_1824 = tpu.vector_load %arg9[%swap3A_1822, %swap3A_1823] {strides = array<i32>} : memref<5008x16xf32, #tpu.memory_space<vmem>>, vector<1x16xf32>,
      %swap3A_1825 = vector.shape_cast %swap3A_1824 : vector<1x16xf32> to vector<16xf32>
      %swap3A_1826 = vector.shape_cast %get3A_1716 : vector<16xf32> to vector<1x16xf32>
      tpu.vector_store %arg9[%swap3A_1822, %swap3A_1823], %swap3A_1826 {add = true, strides = array<i32>} : memref<5008x16xf32, #tpu.memory_space<vmem>>, vector<1x16xf32>,
      %slice3A_1827 = vector.extract_strided_slice %get3A_1632 {offsets = [14], sizes = [1], strides = [1]} : vector<16xi32> to vector<1xi32>
      %squeeze3A_1828 = vector.extract %slice3A_1827[0] : i32 from vector<1xi32>
      %swap3A_1829 = arith.index_cast %squeeze3A_1828 : i32 to index
      %swap3A_1830 = arith.constant 0 : index
      %swap3A_1831 = tpu.vector_load %arg9[%swap3A_1829, %swap3A_1830] {strides = array<i32>} : memref<5008x16xf32, #tpu.memory_space<vmem>>, vector<1x16xf32>,
      %swap3A_1832 = vector.shape_cast %swap3A_1831 : vector<1x16xf32> to vector<16xf32>
      %swap3A_1833 = vector.shape_cast %get3A_1722 : vector<16xf32> to vector<1x16xf32>
      tpu.vector_store %arg9[%swap3A_1829, %swap3A_1830], %swap3A_1833 {add = true, strides = array<i32>} : memref<5008x16xf32, #tpu.memory_space<vmem>>, vector<1x16xf32>,
      %slice3A_1834 = vector.extract_strided_slice %get3A_1632 {offsets = [15], sizes = [1], strides = [1]} : vector<16xi32> to vector<1xi32>
      %squeeze3A_1835 = vector.extract %slice3A_1834[0] : i32 from vector<1xi32>
      %swap3A_1836 = arith.index_cast %squeeze3A_1835 : i32 to index
      %swap3A_1837 = arith.constant 0 : index
      %swap3A_1838 = tpu.vector_load %arg9[%swap3A_1836, %swap3A_1837] {strides = array<i32>} : memref<5008x16xf32, #tpu.memory_space<vmem>>, vector<1x16xf32>,
      %swap3A_1839 = vector.shape_cast %swap3A_1838 : vector<1x16xf32> to vector<16xf32>
      %swap3A_1840 = vector.shape_cast %get3A_1728 : vector<16xf32> to vector<1x16xf32>
      tpu.vector_store %arg9[%swap3A_1836, %swap3A_1837], %swap3A_1840 {add = true, strides = array<i32>} : memref<5008x16xf32, #tpu.memory_space<vmem>>, vector<1x16xf32>,
      %add3A_1841 = arith.constant 112 : i32
      %add3A_1842 = arith.addi %mul3A_346, %add3A_1841 : i32
      %get3A_1843 = arith.index_cast %rem3A_344 : i32 to index
      %get3A_1844 = arith.index_cast %add3A_1842 : i32 to index
      %get3A_1845 = tpu.vector_load %arg7[%get3A_1843, %get3A_1844] {strides = array<i32>} : memref<3x1280xi32, #tpu.memory_space<vmem>>, vector<1x16xi32>,
      %get3A_1846 = vector.shape_cast %get3A_1845 : vector<1x16xi32> to vector<16xi32>
      %get3A_1847 = arith.constant 112 : i32
      %get3A_1848 = arith.index_cast %rem3A_318 : i32 to index
      %get3A_1849 = arith.index_cast %get3A_1847 : i32 to index
      %get3A_1850 = arith.constant 0 : index
      %get3A_1851 = tpu.vector_load %arg8[%get3A_1848, %get3A_1849, %get3A_1850] {strides = array<i32>} : memref<12x128x16xf32, #tpu.memory_space<vmem>>, vector<1x1x16xf32>,
      %get3A_1852 = vector.shape_cast %get3A_1851 : vector<1x1x16xf32> to vector<16xf32>
      %get3A_1853 = arith.constant 113 : i32
      %get3A_1854 = arith.index_cast %rem3A_318 : i32 to index
      %get3A_1855 = arith.index_cast %get3A_1853 : i32 to index
      %get3A_1856 = arith.constant 0 : index
      %get3A_1857 = tpu.vector_load %arg8[%get3A_1854, %get3A_1855, %get3A_1856] {strides = array<i32>} : memref<12x128x16xf32, #tpu.memory_space<vmem>>, vector<1x1x16xf32>,
      %get3A_1858 = vector.shape_cast %get3A_1857 : vector<1x1x16xf32> to vector<16xf32>
      %get3A_1859 = arith.constant 114 : i32
      %get3A_1860 = arith.index_cast %rem3A_318 : i32 to index
      %get3A_1861 = arith.index_cast %get3A_1859 : i32 to index
      %get3A_1862 = arith.constant 0 : index
      %get3A_1863 = tpu.vector_load %arg8[%get3A_1860, %get3A_1861, %get3A_1862] {strides = array<i32>} : memref<12x128x16xf32, #tpu.memory_space<vmem>>, vector<1x1x16xf32>,
      %get3A_1864 = vector.shape_cast %get3A_1863 : vector<1x1x16xf32> to vector<16xf32>
      %get3A_1865 = arith.constant 115 : i32
      %get3A_1866 = arith.index_cast %rem3A_318 : i32 to index
      %get3A_1867 = arith.index_cast %get3A_1865 : i32 to index
      %get3A_1868 = arith.constant 0 : index
      %get3A_1869 = tpu.vector_load %arg8[%get3A_1866, %get3A_1867, %get3A_1868] {strides = array<i32>} : memref<12x128x16xf32, #tpu.memory_space<vmem>>, vector<1x1x16xf32>,
      %get3A_1870 = vector.shape_cast %get3A_1869 : vector<1x1x16xf32> to vector<16xf32>
      %get3A_1871 = arith.constant 116 : i32
      %get3A_1872 = arith.index_cast %rem3A_318 : i32 to index
      %get3A_1873 = arith.index_cast %get3A_1871 : i32 to index
      %get3A_1874 = arith.constant 0 : index
      %get3A_1875 = tpu.vector_load %arg8[%get3A_1872, %get3A_1873, %get3A_1874] {strides = array<i32>} : memref<12x128x16xf32, #tpu.memory_space<vmem>>, vector<1x1x16xf32>,
      %get3A_1876 = vector.shape_cast %get3A_1875 : vector<1x1x16xf32> to vector<16xf32>
      %get3A_1877 = arith.constant 117 : i32
      %get3A_1878 = arith.index_cast %rem3A_318 : i32 to index
      %get3A_1879 = arith.index_cast %get3A_1877 : i32 to index
      %get3A_1880 = arith.constant 0 : index
      %get3A_1881 = tpu.vector_load %arg8[%get3A_1878, %get3A_1879, %get3A_1880] {strides = array<i32>} : memref<12x128x16xf32, #tpu.memory_space<vmem>>, vector<1x1x16xf32>,
      %get3A_1882 = vector.shape_cast %get3A_1881 : vector<1x1x16xf32> to vector<16xf32>
      %get3A_1883 = arith.constant 118 : i32
      %get3A_1884 = arith.index_cast %rem3A_318 : i32 to index
      %get3A_1885 = arith.index_cast %get3A_1883 : i32 to index
      %get3A_1886 = arith.constant 0 : index
      %get3A_1887 = tpu.vector_load %arg8[%get3A_1884, %get3A_1885, %get3A_1886] {strides = array<i32>} : memref<12x128x16xf32, #tpu.memory_space<vmem>>, vector<1x1x16xf32>,
      %get3A_1888 = vector.shape_cast %get3A_1887 : vector<1x1x16xf32> to vector<16xf32>
      %get3A_1889 = arith.constant 119 : i32
      %get3A_1890 = arith.index_cast %rem3A_318 : i32 to index
      %get3A_1891 = arith.index_cast %get3A_1889 : i32 to index
      %get3A_1892 = arith.constant 0 : index
      %get3A_1893 = tpu.vector_load %arg8[%get3A_1890, %get3A_1891, %get3A_1892] {strides = array<i32>} : memref<12x128x16xf32, #tpu.memory_space<vmem>>, vector<1x1x16xf32>,
      %get3A_1894 = vector.shape_cast %get3A_1893 : vector<1x1x16xf32> to vector<16xf32>
      %get3A_1895 = arith.constant 120 : i32
      %get3A_1896 = arith.index_cast %rem3A_318 : i32 to index
      %get3A_1897 = arith.index_cast %get3A_1895 : i32 to index
      %get3A_1898 = arith.constant 0 : index
      %get3A_1899 = tpu.vector_load %arg8[%get3A_1896, %get3A_1897, %get3A_1898] {strides = array<i32>} : memref<12x128x16xf32, #tpu.memory_space<vmem>>, vector<1x1x16xf32>,
      %get3A_1900 = vector.shape_cast %get3A_1899 : vector<1x1x16xf32> to vector<16xf32>
      %get3A_1901 = arith.constant 121 : i32
      %get3A_1902 = arith.index_cast %rem3A_318 : i32 to index
      %get3A_1903 = arith.index_cast %get3A_1901 : i32 to index
      %get3A_1904 = arith.constant 0 : index
      %get3A_1905 = tpu.vector_load %arg8[%get3A_1902, %get3A_1903, %get3A_1904] {strides = array<i32>} : memref<12x128x16xf32, #tpu.memory_space<vmem>>, vector<1x1x16xf32>,
      %get3A_1906 = vector.shape_cast %get3A_1905 : vector<1x1x16xf32> to vector<16xf32>
      %get3A_1907 = arith.constant 122 : i32
      %get3A_1908 = arith.index_cast %rem3A_318 : i32 to index
      %get3A_1909 = arith.index_cast %get3A_1907 : i32 to index
      %get3A_1910 = arith.constant 0 : index
      %get3A_1911 = tpu.vector_load %arg8[%get3A_1908, %get3A_1909, %get3A_1910] {strides = array<i32>} : memref<12x128x16xf32, #tpu.memory_space<vmem>>, vector<1x1x16xf32>,
      %get3A_1912 = vector.shape_cast %get3A_1911 : vector<1x1x16xf32> to vector<16xf32>
      %get3A_1913 = arith.constant 123 : i32
      %get3A_1914 = arith.index_cast %rem3A_318 : i32 to index
      %get3A_1915 = arith.index_cast %get3A_1913 : i32 to index
      %get3A_1916 = arith.constant 0 : index
      %get3A_1917 = tpu.vector_load %arg8[%get3A_1914, %get3A_1915, %get3A_1916] {strides = array<i32>} : memref<12x128x16xf32, #tpu.memory_space<vmem>>, vector<1x1x16xf32>,
      %get3A_1918 = vector.shape_cast %get3A_1917 : vector<1x1x16xf32> to vector<16xf32>
      %get3A_1919 = arith.constant 124 : i32
      %get3A_1920 = arith.index_cast %rem3A_318 : i32 to index
      %get3A_1921 = arith.index_cast %get3A_1919 : i32 to index
      %get3A_1922 = arith.constant 0 : index
      %get3A_1923 = tpu.vector_load %arg8[%get3A_1920, %get3A_1921, %get3A_1922] {strides = array<i32>} : memref<12x128x16xf32, #tpu.memory_space<vmem>>, vector<1x1x16xf32>,
      %get3A_1924 = vector.shape_cast %get3A_1923 : vector<1x1x16xf32> to vector<16xf32>
      %get3A_1925 = arith.constant 125 : i32
      %get3A_1926 = arith.index_cast %rem3A_318 : i32 to index
      %get3A_1927 = arith.index_cast %get3A_1925 : i32 to index
      %get3A_1928 = arith.constant 0 : index
      %get3A_1929 = tpu.vector_load %arg8[%get3A_1926, %get3A_1927, %get3A_1928] {strides = array<i32>} : memref<12x128x16xf32, #tpu.memory_space<vmem>>, vector<1x1x16xf32>,
      %get3A_1930 = vector.shape_cast %get3A_1929 : vector<1x1x16xf32> to vector<16xf32>
      %get3A_1931 = arith.constant 126 : i32
      %get3A_1932 = arith.index_cast %rem3A_318 : i32 to index
      %get3A_1933 = arith.index_cast %get3A_1931 : i32 to index
      %get3A_1934 = arith.constant 0 : index
      %get3A_1935 = tpu.vector_load %arg8[%get3A_1932, %get3A_1933, %get3A_1934] {strides = array<i32>} : memref<12x128x16xf32, #tpu.memory_space<vmem>>, vector<1x1x16xf32>,
      %get3A_1936 = vector.shape_cast %get3A_1935 : vector<1x1x16xf32> to vector<16xf32>
      %get3A_1937 = arith.constant 127 : i32
      %get3A_1938 = arith.index_cast %rem3A_318 : i32 to index
      %get3A_1939 = arith.index_cast %get3A_1937 : i32 to index
      %get3A_1940 = arith.constant 0 : index
      %get3A_1941 = tpu.vector_load %arg8[%get3A_1938, %get3A_1939, %get3A_1940] {strides = array<i32>} : memref<12x128x16xf32, #tpu.memory_space<vmem>>, vector<1x1x16xf32>,
      %get3A_1942 = vector.shape_cast %get3A_1941 : vector<1x1x16xf32> to vector<16xf32>
      %slice3A_1943 = vector.extract_strided_slice %get3A_1846 {offsets = [0], sizes = [1], strides = [1]} : vector<16xi32> to vector<1xi32>
      %squeeze3A_1944 = vector.extract %slice3A_1943[0] : i32 from vector<1xi32>
      %swap3A_1945 = arith.index_cast %squeeze3A_1944 : i32 to index
      %swap3A_1946 = arith.constant 0 : index
      %swap3A_1947 = tpu.vector_load %arg9[%swap3A_1945, %swap3A_1946] {strides = array<i32>} : memref<5008x16xf32, #tpu.memory_space<vmem>>, vector<1x16xf32>,
      %swap3A_1948 = vector.shape_cast %swap3A_1947 : vector<1x16xf32> to vector<16xf32>
      %swap3A_1949 = vector.shape_cast %get3A_1852 : vector<16xf32> to vector<1x16xf32>
      tpu.vector_store %arg9[%swap3A_1945, %swap3A_1946], %swap3A_1949 {add = true, strides = array<i32>} : memref<5008x16xf32, #tpu.memory_space<vmem>>, vector<1x16xf32>,
      %slice3A_1950 = vector.extract_strided_slice %get3A_1846 {offsets = [1], sizes = [1], strides = [1]} : vector<16xi32> to vector<1xi32>
      %squeeze3A_1951 = vector.extract %slice3A_1950[0] : i32 from vector<1xi32>
      %swap3A_1952 = arith.index_cast %squeeze3A_1951 : i32 to index
      %swap3A_1953 = arith.constant 0 : index
      %swap3A_1954 = tpu.vector_load %arg9[%swap3A_1952, %swap3A_1953] {strides = array<i32>} : memref<5008x16xf32, #tpu.memory_space<vmem>>, vector<1x16xf32>,
      %swap3A_1955 = vector.shape_cast %swap3A_1954 : vector<1x16xf32> to vector<16xf32>
      %swap3A_1956 = vector.shape_cast %get3A_1858 : vector<16xf32> to vector<1x16xf32>
      tpu.vector_store %arg9[%swap3A_1952, %swap3A_1953], %swap3A_1956 {add = true, strides = array<i32>} : memref<5008x16xf32, #tpu.memory_space<vmem>>, vector<1x16xf32>,
      %slice3A_1957 = vector.extract_strided_slice %get3A_1846 {offsets = [2], sizes = [1], strides = [1]} : vector<16xi32> to vector<1xi32>
      %squeeze3A_1958 = vector.extract %slice3A_1957[0] : i32 from vector<1xi32>
      %swap3A_1959 = arith.index_cast %squeeze3A_1958 : i32 to index
      %swap3A_1960 = arith.constant 0 : index
      %swap3A_1961 = tpu.vector_load %arg9[%swap3A_1959, %swap3A_1960] {strides = array<i32>} : memref<5008x16xf32, #tpu.memory_space<vmem>>, vector<1x16xf32>,
      %swap3A_1962 = vector.shape_cast %swap3A_1961 : vector<1x16xf32> to vector<16xf32>
      %swap3A_1963 = vector.shape_cast %get3A_1864 : vector<16xf32> to vector<1x16xf32>
      tpu.vector_store %arg9[%swap3A_1959, %swap3A_1960], %swap3A_1963 {add = true, strides = array<i32>} : memref<5008x16xf32, #tpu.memory_space<vmem>>, vector<1x16xf32>,
      %slice3A_1964 = vector.extract_strided_slice %get3A_1846 {offsets = [3], sizes = [1], strides = [1]} : vector<16xi32> to vector<1xi32>
      %squeeze3A_1965 = vector.extract %slice3A_1964[0] : i32 from vector<1xi32>
      %swap3A_1966 = arith.index_cast %squeeze3A_1965 : i32 to index
      %swap3A_1967 = arith.constant 0 : index
      %swap3A_1968 = tpu.vector_load %arg9[%swap3A_1966, %swap3A_1967] {strides = array<i32>} : memref<5008x16xf32, #tpu.memory_space<vmem>>, vector<1x16xf32>,
      %swap3A_1969 = vector.shape_cast %swap3A_1968 : vector<1x16xf32> to vector<16xf32>
      %swap3A_1970 = vector.shape_cast %get3A_1870 : vector<16xf32> to vector<1x16xf32>
      tpu.vector_store %arg9[%swap3A_1966, %swap3A_1967], %swap3A_1970 {add = true, strides = array<i32>} : memref<5008x16xf32, #tpu.memory_space<vmem>>, vector<1x16xf32>,
      %slice3A_1971 = vector.extract_strided_slice %get3A_1846 {offsets = [4], sizes = [1], strides = [1]} : vector<16xi32> to vector<1xi32>
      %squeeze3A_1972 = vector.extract %slice3A_1971[0] : i32 from vector<1xi32>
      %swap3A_1973 = arith.index_cast %squeeze3A_1972 : i32 to index
      %swap3A_1974 = arith.constant 0 : index
      %swap3A_1975 = tpu.vector_load %arg9[%swap3A_1973, %swap3A_1974] {strides = array<i32>} : memref<5008x16xf32, #tpu.memory_space<vmem>>, vector<1x16xf32>,
      %swap3A_1976 = vector.shape_cast %swap3A_1975 : vector<1x16xf32> to vector<16xf32>
      %swap3A_1977 = vector.shape_cast %get3A_1876 : vector<16xf32> to vector<1x16xf32>
      tpu.vector_store %arg9[%swap3A_1973, %swap3A_1974], %swap3A_1977 {add = true, strides = array<i32>} : memref<5008x16xf32, #tpu.memory_space<vmem>>, vector<1x16xf32>,
      %slice3A_1978 = vector.extract_strided_slice %get3A_1846 {offsets = [5], sizes = [1], strides = [1]} : vector<16xi32> to vector<1xi32>
      %squeeze3A_1979 = vector.extract %slice3A_1978[0] : i32 from vector<1xi32>
      %swap3A_1980 = arith.index_cast %squeeze3A_1979 : i32 to index
      %swap3A_1981 = arith.constant 0 : index
      %swap3A_1982 = tpu.vector_load %arg9[%swap3A_1980, %swap3A_1981] {strides = array<i32>} : memref<5008x16xf32, #tpu.memory_space<vmem>>, vector<1x16xf32>,
      %swap3A_1983 = vector.shape_cast %swap3A_1982 : vector<1x16xf32> to vector<16xf32>
      %swap3A_1984 = vector.shape_cast %get3A_1882 : vector<16xf32> to vector<1x16xf32>
      tpu.vector_store %arg9[%swap3A_1980, %swap3A_1981], %swap3A_1984 {add = true, strides = array<i32>} : memref<5008x16xf32, #tpu.memory_space<vmem>>, vector<1x16xf32>,
      %slice3A_1985 = vector.extract_strided_slice %get3A_1846 {offsets = [6], sizes = [1], strides = [1]} : vector<16xi32> to vector<1xi32>
      %squeeze3A_1986 = vector.extract %slice3A_1985[0] : i32 from vector<1xi32>
      %swap3A_1987 = arith.index_cast %squeeze3A_1986 : i32 to index
      %swap3A_1988 = arith.constant 0 : index
      %swap3A_1989 = tpu.vector_load %arg9[%swap3A_1987, %swap3A_1988] {strides = array<i32>} : memref<5008x16xf32, #tpu.memory_space<vmem>>, vector<1x16xf32>,
      %swap3A_1990 = vector.shape_cast %swap3A_1989 : vector<1x16xf32> to vector<16xf32>
      %swap3A_1991 = vector.shape_cast %get3A_1888 : vector<16xf32> to vector<1x16xf32>
      tpu.vector_store %arg9[%swap3A_1987, %swap3A_1988], %swap3A_1991 {add = true, strides = array<i32>} : memref<5008x16xf32, #tpu.memory_space<vmem>>, vector<1x16xf32>,
      %slice3A_1992 = vector.extract_strided_slice %get3A_1846 {offsets = [7], sizes = [1], strides = [1]} : vector<16xi32> to vector<1xi32>
      %squeeze3A_1993 = vector.extract %slice3A_1992[0] : i32 from vector<1xi32>
      %swap3A_1994 = arith.index_cast %squeeze3A_1993 : i32 to index
      %swap3A_1995 = arith.constant 0 : index
      %swap3A_1996 = tpu.vector_load %arg9[%swap3A_1994, %swap3A_1995] {strides = array<i32>} : memref<5008x16xf32, #tpu.memory_space<vmem>>, vector<1x16xf32>,
      %swap3A_1997 = vector.shape_cast %swap3A_1996 : vector<1x16xf32> to vector<16xf32>
      %swap3A_1998 = vector.shape_cast %get3A_1894 : vector<16xf32> to vector<1x16xf32>
      tpu.vector_store %arg9[%swap3A_1994, %swap3A_1995], %swap3A_1998 {add = true, strides = array<i32>} : memref<5008x16xf32, #tpu.memory_space<vmem>>, vector<1x16xf32>,
      %slice3A_1999 = vector.extract_strided_slice %get3A_1846 {offsets = [8], sizes = [1], strides = [1]} : vector<16xi32> to vector<1xi32>
      %squeeze3A_2000 = vector.extract %slice3A_1999[0] : i32 from vector<1xi32>
      %swap3A_2001 = arith.index_cast %squeeze3A_2000 : i32 to index
      %swap3A_2002 = arith.constant 0 : index
      %swap3A_2003 = tpu.vector_load %arg9[%swap3A_2001, %swap3A_2002] {strides = array<i32>} : memref<5008x16xf32, #tpu.memory_space<vmem>>, vector<1x16xf32>,
      %swap3A_2004 = vector.shape_cast %swap3A_2003 : vector<1x16xf32> to vector<16xf32>
      %swap3A_2005 = vector.shape_cast %get3A_1900 : vector<16xf32> to vector<1x16xf32>
      tpu.vector_store %arg9[%swap3A_2001, %swap3A_2002], %swap3A_2005 {add = true, strides = array<i32>} : memref<5008x16xf32, #tpu.memory_space<vmem>>, vector<1x16xf32>,
      %slice3A_2006 = vector.extract_strided_slice %get3A_1846 {offsets = [9], sizes = [1], strides = [1]} : vector<16xi32> to vector<1xi32>
      %squeeze3A_2007 = vector.extract %slice3A_2006[0] : i32 from vector<1xi32>
      %swap3A_2008 = arith.index_cast %squeeze3A_2007 : i32 to index
      %swap3A_2009 = arith.constant 0 : index
      %swap3A_2010 = tpu.vector_load %arg9[%swap3A_2008, %swap3A_2009] {strides = array<i32>} : memref<5008x16xf32, #tpu.memory_space<vmem>>, vector<1x16xf32>,
      %swap3A_2011 = vector.shape_cast %swap3A_2010 : vector<1x16xf32> to vector<16xf32>
      %swap3A_2012 = vector.shape_cast %get3A_1906 : vector<16xf32> to vector<1x16xf32>
      tpu.vector_store %arg9[%swap3A_2008, %swap3A_2009], %swap3A_2012 {add = true, strides = array<i32>} : memref<5008x16xf32, #tpu.memory_space<vmem>>, vector<1x16xf32>,
      %slice3A_2013 = vector.extract_strided_slice %get3A_1846 {offsets = [10], sizes = [1], strides = [1]} : vector<16xi32> to vector<1xi32>
      %squeeze3A_2014 = vector.extract %slice3A_2013[0] : i32 from vector<1xi32>
      %swap3A_2015 = arith.index_cast %squeeze3A_2014 : i32 to index
      %swap3A_2016 = arith.constant 0 : index
      %swap3A_2017 = tpu.vector_load %arg9[%swap3A_2015, %swap3A_2016] {strides = array<i32>} : memref<5008x16xf32, #tpu.memory_space<vmem>>, vector<1x16xf32>,
      %swap3A_2018 = vector.shape_cast %swap3A_2017 : vector<1x16xf32> to vector<16xf32>
      %swap3A_2019 = vector.shape_cast %get3A_1912 : vector<16xf32> to vector<1x16xf32>
      tpu.vector_store %arg9[%swap3A_2015, %swap3A_2016], %swap3A_2019 {add = true, strides = array<i32>} : memref<5008x16xf32, #tpu.memory_space<vmem>>, vector<1x16xf32>,
      %slice3A_2020 = vector.extract_strided_slice %get3A_1846 {offsets = [11], sizes = [1], strides = [1]} : vector<16xi32> to vector<1xi32>
      %squeeze3A_2021 = vector.extract %slice3A_2020[0] : i32 from vector<1xi32>
      %swap3A_2022 = arith.index_cast %squeeze3A_2021 : i32 to index
      %swap3A_2023 = arith.constant 0 : index
      %swap3A_2024 = tpu.vector_load %arg9[%swap3A_2022, %swap3A_2023] {strides = array<i32>} : memref<5008x16xf32, #tpu.memory_space<vmem>>, vector<1x16xf32>,
      %swap3A_2025 = vector.shape_cast %swap3A_2024 : vector<1x16xf32> to vector<16xf32>
      %swap3A_2026 = vector.shape_cast %get3A_1918 : vector<16xf32> to vector<1x16xf32>
      tpu.vector_store %arg9[%swap3A_2022, %swap3A_2023], %swap3A_2026 {add = true, strides = array<i32>} : memref<5008x16xf32, #tpu.memory_space<vmem>>, vector<1x16xf32>,
      %slice3A_2027 = vector.extract_strided_slice %get3A_1846 {offsets = [12], sizes = [1], strides = [1]} : vector<16xi32> to vector<1xi32>
      %squeeze3A_2028 = vector.extract %slice3A_2027[0] : i32 from vector<1xi32>
      %swap3A_2029 = arith.index_cast %squeeze3A_2028 : i32 to index
      %swap3A_2030 = arith.constant 0 : index
      %swap3A_2031 = tpu.vector_load %arg9[%swap3A_2029, %swap3A_2030] {strides = array<i32>} : memref<5008x16xf32, #tpu.memory_space<vmem>>, vector<1x16xf32>,
      %swap3A_2032 = vector.shape_cast %swap3A_2031 : vector<1x16xf32> to vector<16xf32>
      %swap3A_2033 = vector.shape_cast %get3A_1924 : vector<16xf32> to vector<1x16xf32>
      tpu.vector_store %arg9[%swap3A_2029, %swap3A_2030], %swap3A_2033 {add = true, strides = array<i32>} : memref<5008x16xf32, #tpu.memory_space<vmem>>, vector<1x16xf32>,
      %slice3A_2034 = vector.extract_strided_slice %get3A_1846 {offsets = [13], sizes = [1], strides = [1]} : vector<16xi32> to vector<1xi32>
      %squeeze3A_2035 = vector.extract %slice3A_2034[0] : i32 from vector<1xi32>
      %swap3A_2036 = arith.index_cast %squeeze3A_2035 : i32 to index
      %swap3A_2037 = arith.constant 0 : index
      %swap3A_2038 = tpu.vector_load %arg9[%swap3A_2036, %swap3A_2037] {strides = array<i32>} : memref<5008x16xf32, #tpu.memory_space<vmem>>, vector<1x16xf32>,
      %swap3A_2039 = vector.shape_cast %swap3A_2038 : vector<1x16xf32> to vector<16xf32>
      %swap3A_2040 = vector.shape_cast %get3A_1930 : vector<16xf32> to vector<1x16xf32>
      tpu.vector_store %arg9[%swap3A_2036, %swap3A_2037], %swap3A_2040 {add = true, strides = array<i32>} : memref<5008x16xf32, #tpu.memory_space<vmem>>, vector<1x16xf32>,
      %slice3A_2041 = vector.extract_strided_slice %get3A_1846 {offsets = [14], sizes = [1], strides = [1]} : vector<16xi32> to vector<1xi32>
      %squeeze3A_2042 = vector.extract %slice3A_2041[0] : i32 from vector<1xi32>
      %swap3A_2043 = arith.index_cast %squeeze3A_2042 : i32 to index
      %swap3A_2044 = arith.constant 0 : index
      %swap3A_2045 = tpu.vector_load %arg9[%swap3A_2043, %swap3A_2044] {strides = array<i32>} : memref<5008x16xf32, #tpu.memory_space<vmem>>, vector<1x16xf32>,
      %swap3A_2046 = vector.shape_cast %swap3A_2045 : vector<1x16xf32> to vector<16xf32>
      %swap3A_2047 = vector.shape_cast %get3A_1936 : vector<16xf32> to vector<1x16xf32>
      tpu.vector_store %arg9[%swap3A_2043, %swap3A_2044], %swap3A_2047 {add = true, strides = array<i32>} : memref<5008x16xf32, #tpu.memory_space<vmem>>, vector<1x16xf32>,
      %slice3A_2048 = vector.extract_strided_slice %get3A_1846 {offsets = [15], sizes = [1], strides = [1]} : vector<16xi32> to vector<1xi32>
      %squeeze3A_2049 = vector.extract %slice3A_2048[0] : i32 from vector<1xi32>
      %swap3A_2050 = arith.index_cast %squeeze3A_2049 : i32 to index
      %swap3A_2051 = arith.constant 0 : index
      %swap3A_2052 = tpu.vector_load %arg9[%swap3A_2050, %swap3A_2051] {strides = array<i32>} : memref<5008x16xf32, #tpu.memory_space<vmem>>, vector<1x16xf32>,
      %swap3A_2053 = vector.shape_cast %swap3A_2052 : vector<1x16xf32> to vector<16xf32>
      %swap3A_2054 = vector.shape_cast %get3A_1942 : vector<16xf32> to vector<1x16xf32>
      tpu.vector_store %arg9[%swap3A_2050, %swap3A_2051], %swap3A_2054 {add = true, strides = array<i32>} : memref<5008x16xf32, #tpu.memory_space<vmem>>, vector<1x16xf32>,
    }
    %scan3A_306 = arith.constant 1250 : i32
    %mul3A_307 = arith.constant 5000 : i32
    %mul3A_308 = arith.muli %arg0, %mul3A_307 : i32
    "tpu.region"() ({
      %run_scoped3A = tpu.sem_alloc : memref<!tpu.dma_semaphore, #tpu.memory_space<semaphore_mem>>
      %dma_start3A_309 = arith.constant 0 : i32
      %dma_start3A_310 = arith.constant 0 : i32
      %dma_start3A_311 = tpu.memref_slice %arg9[%dma_start3A_309, %dma_start3A_310] : memref<5008x16xf32, #tpu.memory_space<vmem>> -> memref<5000x16xf32, #tpu.memory_space<vmem>>
      %dma_start3A_312 = tpu.memref_slice %arg5[%mul3A_308, %mul3A_0] : memref<10000x256xf32, #tpu.memory_space<hbm>> -> memref<5000x16xf32, #tpu.memory_space<hbm>>
      %dma_start3A_313 = tpu.memref_slice %arg5[%mul3A_308, %mul3A_0] : memref<10000x256xf32, #tpu.memory_space<hbm>> -> memref<5000x16xf32, #tpu.memory_space<hbm>>
      %dma_start3A_314 = arith.constant 0 : i32
      %dma_start3A_315 = arith.constant 0 : i32
      %dma_start3A_316 = tpu.memref_slice %arg9[%dma_start3A_314, %dma_start3A_315] : memref<5008x16xf32, #tpu.memory_space<vmem>> -> memref<5000x16xf32, #tpu.memory_space<vmem>>
      tpu.enqueue_dma source(%dma_start3A_316 : memref<5000x16xf32, #tpu.memory_space<vmem>>) target(%dma_start3A_313 : memref<5000x16xf32, #tpu.memory_space<hbm>>) target_semaphore(%run_scoped3A : memref<!tpu.dma_semaphore, #tpu.memory_space<semaphore_mem>>)
      %dma_wait3A_317 = arith.constant 0 : i32
      %dma_wait3A_318 = arith.constant 0 : i32
      %dma_wait3A_319 = tpu.memref_slice %arg9[%dma_wait3A_317, %dma_wait3A_318] : memref<5008x16xf32, #tpu.memory_space<vmem>> -> memref<5000x16xf32, #tpu.memory_space<vmem>>
      %dma_wait3A_320 = tpu.memref_slice %arg5[%mul3A_308, %mul3A_0] : memref<10000x256xf32, #tpu.memory_space<hbm>> -> memref<5000x16xf32, #tpu.memory_space<hbm>>
      %dma_wait3A_321 = tpu.memref_slice %arg5[%mul3A_308, %mul3A_0] : memref<10000x256xf32, #tpu.memory_space<hbm>> -> memref<5000x16xf32, #tpu.memory_space<hbm>>
      %dma_wait3A_322 = arith.constant 0 : i32
      %dma_wait3A_323 = arith.constant 0 : i32
      %dma_wait3A_324 = tpu.memref_slice %arg9[%dma_wait3A_322, %dma_wait3A_323] : memref<5008x16xf32, #tpu.memory_space<vmem>> -> memref<5000x16xf32, #tpu.memory_space<vmem>>
      tpu.wait_dma2 semaphore(%run_scoped3A : memref<!tpu.dma_semaphore, #tpu.memory_space<semaphore_mem>>) src(%dma_wait3A_324 : memref<5000x16xf32, #tpu.memory_space<vmem>>) dst(%dma_wait3A_321 : memref<5000x16xf32, #tpu.memory_space<hbm>>)
      tpu.yield
    }) : () -> ()
    return
  }
}

module attributes {stable_mosaic.version = 14 : i64} {
  func.func @body(%arg0: i32, %arg1: memref<1000x256xf32, #tpu.memory_space<vmem>>, %arg2: memref<1000x256xf32, #tpu.memory_space<vmem>>) attributes {dimension_semantics = [#tpu.dimension_semantics<arbitrary>], iteration_bounds = array<i64: 10>, scalar_prefetch = 0 : i64, scratch_operands = 0 : i64, tpu.core_type = #tpu.core_type<tc>, window_params = [{transform_indices = @transform_0, window_bounds = array<i64: 1000, 256>}, {transform_indices = @transform_1, window_bounds = array<i64: 1000, 256>}]} {
    %get3A = arith.constant 0 : index
    %get3A_0 = arith.constant 0 : index
    %get3A_1 = vector.load %arg1[%get3A, %get3A_0] : memref<1000x256xf32, #tpu.memory_space<vmem>>, vector<1000x256xf32>
    %max3A = arith.constant 0.000000e+00 : f32
    %max3A_2 = vector.broadcast %max3A : f32 to vector<1000x256xf32>
    %max3A_3 = arith.maximumf %get3A_1, %max3A_2 : vector<1000x256xf32>
    %mul3A = arith.mulf %max3A_3, %max3A_3 : vector<1000x256xf32>
    %reduce_sum3A = arith.constant dense<0.000000e+00> : vector<1000xf32>
    %reduce_sum3A_4 = vector.multi_reduction <add>, %mul3A, %reduce_sum3A [1] : vector<1000x256xf32> to vector<1000xf32>
    %broadcast_in_dim3A = vector.shape_cast %reduce_sum3A_4 : vector<1000xf32> to vector<1000x1xf32>
    %sqrt3A = math.sqrt %broadcast_in_dim3A : vector<1000x1xf32>
    %max3A_5 = arith.constant 9.99999996E-13 : f32
    %max3A_6 = vector.broadcast %max3A_5 : f32 to vector<1000x1xf32>
    %max3A_7 = arith.maximumf %sqrt3A, %max3A_6 : vector<1000x1xf32>
    %div3A = vector.broadcast %max3A_7 : vector<1000x1xf32> to vector<1000x256xf32>
    %div3A_8 = arith.divf %max3A_3, %div3A : vector<1000x256xf32>
    %swap3A = arith.constant 0 : index
    %swap3A_9 = arith.constant 0 : index
    %swap3A_10 = vector.load %arg2[%swap3A, %swap3A_9] : memref<1000x256xf32, #tpu.memory_space<vmem>>, vector<1000x256xf32>
    tpu.vector_store %arg2[%swap3A, %swap3A_9], %div3A_8 {strides = array<i32>} : memref<1000x256xf32, #tpu.memory_space<vmem>>, vector<1000x256xf32>,
    return
  }
  func.func @transform_0(%arg0: i32) -> (i32, i32) {
    %c0_i32 = arith.constant 0 : i32
    %c0_i32_0 = arith.constant 0 : i32
    return %arg0, %c0_i32 : i32, i32
  }
  func.func @transform_1(%arg0: i32) -> (i32, i32) {
    %c0_i32 = arith.constant 0 : i32
    %c0_i32_0 = arith.constant 0 : i32
    return %arg0, %c0_i32 : i32, i32
  }
}

</mosaic_0001>

<sc_bundles>
// kernel: kernel.4.cloned.1.call-start
scs
__scs_entry_jumppad:
0x0: {  	(pc) =	sbr.rel $0x88, $3  }
0x1: {  	(tag) =	ssettag $0x0;
	lr =	simm.s32 $0x1  }
0x2: {  	[smem:$0x3F9F] =	sst lr;
	_ =	strace $0xD0000000  }
0x3: {  	_ = 	snop  }
0x4: {  	_ = 	snop  }
0x5: {  	_ = 	snop  }
0x6: {  	_ = 	snop  }
0x7: {  	_ = 	snop  }
__scs_overlays_trampoline_lowered:
0x8: {  	[smem:$0x3FAE] =	sst s0  }
0x9: {  	[smem:$0x3FAF] =	sst s1  }
0xa: {  	[smem:$0x3FB0] =	sst s2  }
0xb: {  	[smem:$0x3FB1] =	sst s3  }
0xc: {  	[smem:$0x3FB2] =	sst s4  }
0xd: {  	[smem:$0x3FB3] =	sst s5  }
0xe: {  	[smem:$0x3FB4] =	sst s6  }
0xf: {  	[smem:$0x3FB5] =	sst s7  }
0x10: {  	[smem:$0x3FB6] =	sst s8  }
0x11: {  	[smem:$0x3FB7] =	sst s9;
	s0 =	simm.s32 @!p0 $0x0  }
0x12: {  	s1 =	sld [smem:$0x3F9D];
	s0 =	simm.s32 @p0 $0x1  }
0x13: {  	[smem:$0x3FB8] =	sst s0;
	s0 =	simm.s32 @!p1 $0x0  }
0x14: {  	s2 =	sld [smem:$0x3F9C];
	s0 =	simm.s32 @p1 $0x1  }
0x15: {  	[smem:$0x3FB9] =	sst s0;
	s0 =	simm.s32 @!p2 $0x0  }
0x16: {  	s3 =	sld [smem:$0x3FDB];
	s0 =	simm.s32 @p2 $0x1  }
0x17: {  	s4 =	simm.s32 $0x1BF5;
	[smem:$0x3FBB] =	sst s0  }
0x18: {  	s0 =	sld [smem:$0x3F9E];
	_ =	swait.ge [sflag:s4], $0x0  }
0x19: {  	s7 =	sld [smem:$0x3F9F]  }
0x1a: {  	s8 =	sadd.s32 $0xFFFFE003, lr  }
0x1b: {  	s9 =	sadd.s32 $0xFFFFFEF7, lr;
	s5 =	simm.s32 $0xFFFFFFFF;
	p2 =	slt.u32 s8, $0xFFFFF086  }
0x1c: {  	p1 =	slt.u32 s9, $0xF7A;
	s5 =	simm.s32 @!p2 $0x0  }
0x1d: {  	s5 =	simm.s32 @p1 $0x1;
	p0 =	seq.s32 s7, s2  }
0x1e: {  	s7 =	smul.u32 @!p0 $0xF7A, s2;
	p2 =	seq.s32 @!p0 s5, $0x0  }
0x1f: {  	s9 =	smul.u32 $0xF7A, s1;
	s8 =	simm.s32 @!p0 $0x1BF5;
	p2 =	por !p2, p0  }
0x20: {  	[sflag:s8] =	ssyncset.s32 @!p0 $0xFFFFF086;
	s6 =	sadd.s32 @!p0 s3, s7;
	s7 =	simm.s32 @!p0 $0x108  }
0x21: {  	s3 =	sadd.s32 s3, s9;
	s6 =	sadd.s32 @!p0 $0x88, s6;
	s7 =	simm.s32 @p2 $0x1082  }
0x22: {  	[simem:s7], [sflag:s8] =	dma.local @!p0 [hbm:s6], $0xF7A  }
0x23: {  	s9 =	sor.u32 $0xD0000000, s2;
	s6 =	simm.s32 $0x108;
	_ =	swait.ge @!p0 [sflag:s8], $0x0  }
0x24: {  	s3 =	sadd.s32 $0x88, s3;
	s6 =	simm.s32 @!p1 $0x1082;
	[sflag:s4] =	ssyncset.s32 $0xFFFFF086  }
0x25: {  	[simem:s6], [sflag:s4] =	dma.local [hbm:s3], $0xF7A  }
0x26: {  	[smem:$0x3F9F] =	sst s1;
	(tag) =	ssettag s2;
	_ =	strace s9  }
0x27: {  	s1 =	sld [smem:$0x3FAF]  }
0x28: {  	s2 =	sld [smem:$0x3FB0]  }
0x29: {  	s4 =	sld [smem:$0x3FB2]  }
0x2a: {  	p0 =	seq.s32 s5, $0x0;
	s5 =	sld [smem:$0x3FB3]  }
0x2b: {  	s6 =	sld [smem:$0x3FB4]  }
0x2c: {  	s7 =	sld [smem:$0x3FB5]  }
0x2d: {  	s3 =	simm.s32 $0x108;
	s8 =	sld [smem:$0x3FB6]  }
0x2e: {  	s3 =	simm.s32 @!p0 $0x1082;
	s9 =	sld [smem:$0x3FB7]  }
0x2f: {  	lr =	sadd.s32 s0, s3;
	s0 =	sld [smem:$0x3FAE]  }
0x30: {  	s3 =	sld [smem:$0x3FB1]  }
0x31: {  	[smem:$0x3FBA] =	sst s10  }
0x32: {  	s10 =	sld [smem:$0x3FB8];
	_ =	sdelay $0x3  }
0x33: {  	p0 =	seq.s32 s10, $0x1;
	s10 =	sld [smem:$0x3FBA];
	_ =	sdelay $0x3  }
0x34: {  	[smem:$0x3FBA] =	sst s10  }
0x35: {  	s10 =	sld [smem:$0x3FB9];
	_ =	sdelay $0x3  }
0x36: {  	p1 =	seq.s32 s10, $0x1;
	s10 =	sld [smem:$0x3FBA];
	_ =	sdelay $0x3  }
0x37: {  	[smem:$0x3FBA] =	sst s10  }
0x38: {  	s10 =	sld [smem:$0x3FBB]  }
0x39: {  	_ = 	snop;
	(pc) =	sbr.ind lr, $3  }
0x3a: {  	_ = 	snop  }
0x3b: {  	_ = 	snop  }
0x3c: {  	p2 =	seq.s32 s10, $0x1;
	s10 =	sld [smem:$0x3FBA]  }
0x3d: {  	_ =	shalt  }
0x3e: {  	_ =	shalt  }
0x3f: {  	_ =	shalt  }
0x40: {  	_ =	shalt  }
0x41: {  	_ =	shalt  }
0x42: {  	_ =	shalt  }
0x43: {  	_ =	shalt  }
0x44: {  	_ =	shalt  }
0x45: {  	_ =	shalt  }
0x46: {  	_ =	shalt  }
0x47: {  	_ =	shalt  }
0x48: {  	_ =	shalt  }
0x49: {  	_ =	shalt  }
0x4a: {  	_ =	shalt  }
0x4b: {  	_ =	shalt  }
0x4c: {  	_ =	shalt  }
0x4d: {  	_ =	shalt  }
0x4e: {  	_ =	shalt  }
0x4f: {  	_ =	shalt  }
0x50: {  	_ =	shalt  }
0x51: {  	_ =	shalt  }
0x52: {  	_ =	shalt  }
0x53: {  	_ =	shalt  }
0x54: {  	_ =	shalt  }
0x55: {  	_ =	shalt  }
0x56: {  	_ =	shalt  }
0x57: {  	_ =	shalt  }
0x58: {  	_ =	shalt  }
0x59: {  	_ =	shalt  }
0x5a: {  	_ =	shalt  }
0x5b: {  	_ =	shalt  }
0x5c: {  	_ =	shalt  }
0x5d: {  	_ =	shalt  }
0x5e: {  	_ =	shalt  }
0x5f: {  	_ =	shalt  }
0x60: {  	_ =	shalt  }
0x61: {  	_ =	shalt  }
0x62: {  	_ =	shalt  }
0x63: {  	_ =	shalt  }
0x64: {  	_ =	shalt  }
0x65: {  	_ =	shalt  }
0x66: {  	_ =	shalt  }
0x67: {  	_ =	shalt  }
0x68: {  	_ =	shalt  }
0x69: {  	_ =	shalt  }
0x6a: {  	_ =	shalt  }
0x6b: {  	_ =	shalt  }
0x6c: {  	_ =	shalt  }
0x6d: {  	_ =	shalt  }
0x6e: {  	_ =	shalt  }
0x6f: {  	_ =	shalt  }
0x70: {  	_ =	shalt  }
0x71: {  	_ =	shalt  }
0x72: {  	_ =	shalt  }
0x73: {  	_ =	shalt  }
0x74: {  	_ =	shalt  }
0x75: {  	_ =	shalt  }
0x76: {  	_ =	shalt  }
0x77: {  	_ =	shalt  }
0x78: {  	_ =	shalt  }
0x79: {  	_ =	shalt  }
0x7a: {  	_ =	shalt  }
0x7b: {  	_ =	shalt  }
0x7c: {  	_ =	shalt  }
0x7d: {  	_ =	shalt  }
0x7e: {  	_ =	shalt  }
0x7f: {  	_ =	shalt  }
0x80: {  	_ =	shalt  }
0x81: {  	_ =	shalt  }
0x82: {  	_ =	shalt  }
0x83: {  	_ =	shalt  }
0x84: {  	_ =	shalt  }
0x85: {  	_ =	shalt  }
0x86: {  	_ =	shalt  }
0x87: {  	_ =	shalt  }
.Lfunc_end0:
.L_simem_size_0:
called_computation_lowered:
.L_overlay_start_0:
0x88: {  	s2 =	sld [smem:$0x3FD9]  }
0x89: {  	s3 =	sld [smem:$0x3FFE];
	_ =	sdelay $0x1  }
0x8a: {  	s1 =	srdreg.scid  }
0x8b: {  	s0 =	sand.u32 $0x1, s1  }
0x8c: {  	s17 =	sshll.u32 s0, $0xA;
	s2 =	sadd.s32 s3, s2  }
0x8d: {  	s2 =	sadd.s32 s2, s17  }
0x8e: {  	[smem:$0x3FC6] =	sst s2  }
0x8f: {  	_ = 	snop  }
0x90: {  	s2 =	sld [smem:$0x3FD0];
	(tm) =	ssettm $0x1  }
0x91: {  	s18 =	sld [smem:$0x3FFB];
	_ =	sdelay $0x3  }
0x92: {  	_ =	strace s18  }
0x93: {  	s3 =	sld [smem:$0x3FFC];
	_ =	sdelay $0x3  }
0x94: {  	_ =	strace s3  }
0x95: {  	s3 =	sld [smem:$0x3FFD];
	_ =	sdelay $0x3  }
0x96: {  	_ =	strace s3  }
0x97: {  	_ =	strace $0x8FFFFFFF  }
0x98: {  	s19 =	sld [smem:$0x3FDB];
	_ =	sdelay $0x1  }
0x99: {  	s4 =	simm.s32 $_scs_section_size  }
0x9a: {  	s5 =	simm.s32 $_size__tile_overlayer_lowered;
	s6 =	simm.s32 $_tile_overlayer_lowered  }
0x9b: {  	s22 =	simm.s32 $0x1BFF;
	s21 =	sshll.u32 s6, $0x1;
	s3 =	sadd.s32 s4, s19  }
0x9c: {  	s7 =	simm.s32 $0x0;
	s20 =	sshll.u32 s5, $0x1;
	s5 =	sadd.s32 s21, s3  }
0x9d: {  	[timem:s7], [sflag:s22] =	dma.local [hbm:s5], s20  }
0x9e: {  	_ =	swait.ge [sflag:s22], s20  }
0x9f: {  	s4 =	ssub.s32 $0x0, s20;
	[sflag:s22] =	ssyncset.done $0x0  }
0xa0: {  	[sflag:s22] =	ssyncadd.s32 s4;
	_ =	sdelay $0x1  }
0xa1: {  	s23 =	simm.s32 $0x1B8B  }
0xa2: {  	_ =	swait.ge [sflag:s23], $0x1  }
0xa3: {  	[sflag:s23] =	ssyncset.done $0x0  }
0xa4: {  	s25 =	simm.s32 $0x1B8E;
	s24 =	sld [smem:$0x3FFE];
	[sflag:s23] =	ssyncadd.s32 $0xFFFFFFFF  }
0xa5: {  	s26 =	simm.s32 $execute0_lowered;
	[smem:$0x3FD2] =	sst s25  }
0xa6: {  	s5 =	sshll.u32 s26, $0x1;
	_ =	strace $0x80000046;
	[dreg:$0x1] =	wrdreg $0xFFFFFFFF  }
0xa7: {  	s28 =	simm.s32 $_size_execute0_lowered;
	s3 =	sadd.s32 s3, s5;
	[dreg:$0x0] =	wrdreg $0x0  }
0xa8: {  	s5 =	sshll.u32 s28, $0x1;
	[dreg:$0x2] =	wrdreg s3  }
0xa9: {  	[dreg:$0x3] =	wrdreg s5  }
0xaa: {  	[dreg:$0x4] =	wrdreg $0xC0  }
0xab: {  	_ =	task [dreg:s7], $0x5FFFF  }
0xac: {  	[dreg:$0x1] =	wrdreg $0xFFFFFFFF  }
0xad: {  	[dreg:$0x0] =	wrdreg $0x60  }
0xae: {  	[dreg:$0x2] =	wrdreg s2  }
0xaf: {  	[dreg:$0x3] =	wrdreg s24  }
0xb0: {  	[dreg:$0x4] =	wrdreg $0x9  }
0xb1: {  	_ =	task.clear_ibuf [dreg:s7], $0x5FFFF;
	_ =	strace $0x90000046  }
0xb2: {  	s29 =	simm.s32 $0x9;
	_ =	strace $0x80000048  }
0xb3: {  	_ =	swait.ge [sflag:s29], $0x1  }
0xb4: {  	[sflag:s29] =	ssyncadd.s32 $0xFFFFFFFF  }
0xb5: {  	_ =	strace $0x90000048  }
0xb6: {  	_ =	sfence  }
0xb7: {  	s30 =	sld [smem:$0x0];
	_ =	sdelay $0x2  }
0xb8: {  	s31 =	sshll.u32 s1, $0xD;
	s1 =	sshrl.u32 s1, $0x2  }
0xb9: {  	s3 =	sand.u32 $0x4000, s31;
	s1 =	sadd.s32 s1, s30  }
0xba: {  	s0 =	sor.u32 s3, s0;
	s1 =	sshll.u32 s1, $0x11  }
0xbb: {  	s0 =	sor.u32 s1, s0  }
0xbc: {  	s0 =	sadd.s32 $0x8F2B, s0  }
0xbd: {  	[sflag:s0] =	ssyncadd.remote.s32 $0x1  }
0xbe: {  	_ =	sfence.sel $0xFFFF  }
0xbf: {  	[dreg:$0x0] =	wrdreg $0xFFFFFFFF;
	(pc) =	sbr.abs _section_cstart, $3  }
0xc0: {  	[dreg:$0x1] =	wrdreg $0xFFFFFFFF  }
0xc1: {  	_ =	task.clear_ibuf [dreg:s7], $0x2FFFF;
	_ =	strace $0x9FFFFFFF  }
0xc2: {  	(tm) =	ssettm $0x7FFFFFFF  }
0xc3: {  	_ =	shalt  }
tec
execute0_lowered:
.L_overlay_start_1:
0x0: {  	(tag) =	ssettag $0x1  }
0x1: {  	s1 =	rddreg [dreg:$0x0]  }
0x2: {  	s2 =	rddreg [dreg:$0x1];
	s4 =	simm.s32 $0x0  }
0x3: {  	s0 =	srdreg.scid;
	s9 =	stileid.u32;
	s13 =	simm.s32 $0x1  }
0x4: {  	s16 =	simm.s32 $0x80;
	s19 =	simm.s32 $0x100;
	s31 =	simm.s32 $0x5600  }
0x5: {  	s12 =	simm.s32 $0x480;
	s14 =	simm.s32 $0x6600;
	s15 =	simm.s32 $0x2  }
0x6: {  	s17 =	simm.s32 $0x10;
	s20 =	simm.s32 $0x3;
	s21 =	simm.s32 $0x0  }
0x7: {  	[smem:$0x7FF] =	sst s4;
	s0 =	sand.u32 $0x1, s0;
	s18 =	smul.u32 $0x2710, s9  }
0x8: {  	s7 =	sshll.u32 s9, $0x4;
	s6 =	sadd.s32 $0x5000, s2;
	s3 =	smul.u32 $0x138800, s0  }
0x9: {  	_ =	strace $0x80000047;
	s5 =	smul.u32 $0x27100, s0;
	s0 =	ssub.s32 $0x2, s0  }
.Ltmp0:
0xa: {  	s30 =	sshrl.u32 s0, $0x1;
	v0 =	vmov s18;
	s18 =	simm.s32 $0x7E00;
	(pc) =	sbr.rel .LBB2_1-.Ltmp0, $4  }
0xb: {  	s3 =	sor.u32 s7, s3;
	s8 =	sshrl.u32 s5, $0x3;
	s0 =	ssub.s32 s0, s30  }
0xc: {  	s3 =	sshrl.u32 s3, $0x3;
	s7 =	sadd.s32 s6, s8;
	s8 =	sadd.s32 $0xA0, s2  }
0xd: {  	s11 =	smax.u32 s0, $0x1;
	s0 =	simm.s32 $0x400;
	s3 =	sadd.s32 s3, s2  }
0xe: {  	v1 =	vimm.f32 $0.0e+00;
	s9 =	sadd.s32 $0xA0, s7;
	s10 =	sadd.s32 $0xEE00, s3;
	s3 =	simm.s32 $0x5E00  }
.LBB2_11:
0xf: {  	s21 =	sadd.s32 $0x1, s21  }
0x10: {  	p0 =	sne.s32 s21, s11  }
.Ltmp1:
0x11: {  	_ = 	snop;
	(pc) =	sbr.rel @!p0 .LBB2_12-.Ltmp1, $4  }
0x12: {  	[hbm4b:s10+s17] =	stream.strided.scatter [tilespmem:s18], [sflag:$0x3], $0x13880, s19, s17, $0x38;
	[tilespmem:$0x1B700] =	vst v63  }
0x13: {  	_ =	swait.ge [sflag:s20], $0x13880  }
0x14: {  	[sflag:s20] =	ssyncset.done $0x0  }
0x15: {  	[sflag:s20] =	ssyncadd.s32 $0xFFFEC780  }
.LBB2_1:
0x16: {  	[tilespmem:s4], [sflag:$0x1] =	stream.linear.gather [hbm4b:s2+s4], $0x500, $0x38;
	[tilespmem:$0x1B700] =	vst v63  }
0x17: {  	s22 =	simm.s32 $0xF00  }
0x18: {  	[tilespmem:s22], [sflag:$0x1] =	stream.linear.gather [hbm4b:s7+s4], $0x500, $0x38;
	[tilespmem:$0x1B700] =	vst v63  }
0x19: {  	s23 =	simm.s32 $0x0;
	s22 =	simm.s32 $0x40  }
.LBB2_2:
0x1a: {  	p0 =	sne.s32 s22, $0x4E3C0;
	[tilespmem:s23+$0x7E00] =	vst v1;
	s23 =	smov.u32 s22;
	s22 =	sadd.s32 $0x40, s22  }
.Ltmp2:
0x1b: {  	(pc) =	sbr.rel @p0 .LBB2_2-.Ltmp2, $2  }
0x1c: {  	_ =	sdelay $0x2  }
0x1d: {  	s23 =	sshra.s32 s23, $0x2  }
0x1e: {  	[tilespmem:s23+$0x7E00] =	vst v1  }
0x1f: {  	_ =	swait.ge [sflag:s13], $0x500  }
0x20: {  	[sflag:s13] =	ssyncset.done $0x0  }
0x21: {  	[sflag:s13] =	ssyncadd.s32 $0xFFFFFB00  }
0x22: {  	_ =	swait.ge [sflag:s13], $0x500  }
0x23: {  	[sflag:s13] =	ssyncset.done $0x0  }
0x24: {  	s22 =	simm.s32 $0x0;
	s23 =	simm.s32 $0x40;
	[sflag:s13] =	ssyncadd.s32 $0xFFFFFB00  }
.LBB2_4:
0x25: {  	p0 =	sne.s32 s23, $0x13C0;
	v2 =	vld [tilespmem:s22+$0x0];
	_ =	sdelay $0x1  }
.Ltmp3:
0x26: {  	(pc) =	sbr.rel @p0 .LBB2_4-.Ltmp3, $3  }
0x27: {  	_ =	sdelay $0x1  }
0x28: {  	v2 =	vadd.s32 v0, v2  }
0x29: {  	[tilespmem:s22+$0x0] =	vst v2;
	s22 =	sshra.s32 s23, $0x2;
	s23 =	sadd.s32 $0x40, s23  }
0x2a: {  	v2 =	vld [tilespmem:s22+$0x0];
	_ =	sdelay $0x4  }
0x2b: {  	v2 =	vadd.s32 v0, v2  }
0x2c: {  	s23 =	simm.s32 $0x500;
	[tilespmem:s22+$0x0] =	vst v2;
	s22 =	simm.s32 $0x0  }
0x2d: {  	[tilespmem:s23], [sflag:$0x1] =	stream.linear.gather [hbm4b:s8+s22], $0x500, $0x38;
	[tilespmem:$0x1B700] =	vst v63  }
0x2e: {  	s30 =	simm.s32 $0x1400  }
0x2f: {  	[tilespmem:s30], [sflag:$0x1] =	stream.linear.gather [hbm4b:s9+s22], $0x500, $0x38;
	[tilespmem:$0x1B700] =	vst v63  }
0x30: {  	s24 =	simm.s32 $0x1E00  }
0x31: {  	[tilespmem:s24], [sflag:$0x2] =	stream.indirect.gather [hbm4b:s1+s16], $0x10, s22, s16, $0xb8;
	[tilespmem:$0x1B700] =	vst v63  }
0x32: {  	s25 =	simm.s32 $0x2600  }
0x33: {  	[tilespmem:s25], [sflag:$0x2] =	stream.indirect.gather [hbm4b:s1+s16], $0x10, s16, s16, $0xb8;
	[tilespmem:$0x1B700] =	vst v63  }
0x34: {  	s26 =	simm.s32 $0x2E00  }
0x35: {  	[tilespmem:s26], [sflag:$0x2] =	stream.indirect.gather [hbm4b:s1+s16], $0x10, s19, s16, $0xb8;
	[tilespmem:$0x1B700] =	vst v63  }
0x36: {  	s28 =	simm.s32 $0x180;
	s24 =	simm.s32 $0x3600  }
0x37: {  	[tilespmem:s24], [sflag:$0x2] =	stream.indirect.gather [hbm4b:s1+s16], $0x10, s28, s16, $0xb8;
	[tilespmem:$0x1B700] =	vst v63  }
0x38: {  	s29 =	simm.s32 $0x200;
	s30 =	simm.s32 $0x3E00  }
0x39: {  	[tilespmem:s30], [sflag:$0x2] =	stream.indirect.gather [hbm4b:s1+s16], $0x10, s29, s16, $0xb8;
	[tilespmem:$0x1B700] =	vst v63  }
0x3a: {  	s25 =	simm.s32 $0x280;
	s26 =	simm.s32 $0x4600  }
0x3b: {  	[tilespmem:s26], [sflag:$0x2] =	stream.indirect.gather [hbm4b:s1+s16], $0x10, s25, s16, $0xb8;
	[tilespmem:$0x1B700] =	vst v63  }
0x3c: {  	s28 =	simm.s32 $0x300;
	s29 =	simm.s32 $0x4E00  }
0x3d: {  	[tilespmem:s29], [sflag:$0x2] =	stream.indirect.gather [hbm4b:s1+s16], $0x10, s28, s16, $0xb8;
	[tilespmem:$0x1B700] =	vst v63  }
0x3e: {  	s30 =	simm.s32 $0x380  }
0x3f: {  	[tilespmem:s31], [sflag:$0x2] =	stream.indirect.gather [hbm4b:s1+s16], $0x10, s30, s16, $0xb8;
	[tilespmem:$0x1B700] =	vst v63  }
.Ltmp4:
0x40: {  	_ = 	snop;
	(pc) =	sbr.rel .LBB2_6-.Ltmp4, $4  }
0x41: {  	_ = 	snop  }
0x42: {  	[tilespmem:s3], [sflag:$0x2] =	stream.indirect.gather [hbm4b:s1+s16], $0x10, s0, s16, $0xb8;
	[tilespmem:$0x1B700] =	vst v63  }
0x43: {  	s23 =	simm.s32 $0x0  }
0x44: {  	[tilespmem:s14], [sflag:$0x2] =	stream.indirect.gather [hbm4b:s1+s16], $0x10, s12, s16, $0xb8;
	[tilespmem:$0x1B700] =	vst v63  }
.LBB2_10:
0x45: {  	s26 =	sadd.s32 @!p0 $0xA, s23  }
0x46: {  	s28 =	sand.u32 @!p0 $0xFFFF, s26  }
0x47: {  	s29 =	smul.u32 @!p0 $0xCCCD, s28;
	_ =	sdelay $0x1  }
0x48: {  	s29 =	sshrl.u32 @!p0 s29, $0x13  }
0x49: {  	s30 =	smul.u32 @!p0 $0xAB, s29;
	_ =	sdelay $0x1  }
0x4a: {  	s28 =	smul.u32 @!p0 $0xAAAB, s28;
	s30 =	sshrl.u32 @!p0 s30, $0x9  }
0x4b: {  	s30 =	sand.u32 @!p0 $0x7F, s30  }
0x4c: {  	s28 =	sshrl.u32 @!p0 s28, $0x13;
	s30 =	smul.u32 @!p0 $0x3, s30  }
0x4d: {  	s28 =	smul.u32 @!p0 $0xC, s28  }
0x4e: {  	_ =	swait.ge [sflag:s15], $0x800;
	s30 =	ssub.s32 @!p0 s29, s30  }
0x4f: {  	s28 =	ssub.s32 @!p0 s26, s28;
	s29 =	smul.u32 @!p0 $0xA, s29;
	s30 =	sand.u32 @!p0 $0xFF, s30  }
0x50: {  	[sflag:s15] =	ssyncset.done $0x0;
	s28 =	sand.u32 @!p0 $0xFFFF, s28;
	s30 =	smul.u32 @!p0 $0x1400, s30  }
0x51: {  	s28 =	sshll.u32 @!p0 s28, $0xB;
	s26 =	ssub.s32 @!p0 s26, s29;
	s29 =	smul.u32 $0x5556, s25  }
0x52: {  	[sflag:s15] =	ssyncadd.s32 $0xFFFFF800;
	s28 =	sadd.s32 @!p0 $0x1E00, s28;
	s26 =	sshll.u32 @!p0 s26, $0x7  }
0x53: {  	s30 =	sshrl.u32 @!p0 s30, $0x2;
	s26 =	sand.u32 @!p0 $0x3F80, s26;
	s29 =	sshrl.u32 s29, $0x10  }
0x54: {  	s26 =	sadd.s32 @!p0 s26, s30;
	s30 =	simm.s32 @!p0 $0x80;
	s29 =	smul.u32 $0x3, s29  }
0x55: {  	[tilespmem:s28], [sflag:$0x2] =	stream.indirect.gather @!p0 [hbm4b:s1+s30], $0x10, s26, s30, $0xb8;
	[tilespmem:$0x1B700] =	vst v63  }
0x56: {  	s28 =	ssub.s32 s25, s29  }
0x57: {  	s25 =	sand.u32 $0xFFFF, s28  }
0x58: {  	s25 =	smul.u32 $0x1400, s25  }
0x59: {  	s24 =	sshll.u32 s24, $0x7  }
0x5a: {  	s24 =	sand.u32 $0xFF80, s24;
	s25 =	sshrl.u32 s25, $0x2  }
0x5b: {  	s25 =	sadd.s32 s24, s25  }
0x5c: {  	s29 =	smulhi.u32 $0xAAAAAAAB, s23;
	v2 =	vld [tilespmem:s25+$0xF00];
	_ =	sdelay $0x1  }
0x5d: {  	s24 =	sshrl.u32 s29, $0x3  }
0x5e: {  	s24 =	smul.u32 $0xC, s24;
	_ =	sdelay $0x1  }
0x5f: {  	s24 =	ssub.s32 s23, s24;
	v2 =	vshll.u32 v2, $0x6  }
0x60: {  	s24 =	sshll.u32 s24, $0xB;
	v2 =	vshra.s32 v2, $0x2  }
0x61: {  	s24 =	sand.u32 $0x3FFFF800, s24;
	v2 =	vadd.s32 $0x7E00, v2  }
0x62: {  	v3 =	vld [tilespmem:s24+$0x1E00];
	(v2sf) =	vpush v2, $0x0  }
0x63: {  	v4 =	vld [tilespmem:s24+$0x1E10]  }
0x64: {  	v5 =	vld [tilespmem:s24+$0x1E20]  }
0x65: {  	v6 =	vld [tilespmem:s24+$0x1E30]  }
0x66: {  	v7 =	vld [tilespmem:s24+$0x1E40]  }
0x67: {  	v8 =	vld [tilespmem:s24+$0x1E50]  }
0x68: {  	v9 =	vld [tilespmem:s24+$0x1E60]  }
0x69: {  	v10 =	vld [tilespmem:s24+$0x1E70]  }
0x6a: {  	v11 =	vld [tilespmem:s24+$0x1E80]  }
0x6b: {  	v12 =	vld [tilespmem:s24+$0x1E90]  }
0x6c: {  	v13 =	vld [tilespmem:s24+$0x1EA0]  }
0x6d: {  	v14 =	vld [tilespmem:s24+$0x1EB0]  }
0x6e: {  	v15 =	vld [tilespmem:s24+$0x1EC0]  }
0x6f: {  	v16 =	vld [tilespmem:s24+$0x1ED0]  }
0x70: {  	v17 =	vld [tilespmem:s24+$0x1EE0]  }
0x71: {  	v18 =	vld [tilespmem:s24+$0x1EF0];
	s30 =	spop (v2sf)  }
0x72: {  	[tilespmem:s30+$0x0] =	vst.add.f32.msk $0xffff, v3  }
0x73: {  	(v2sf) =	vpush v2, $0x1  }
0x74: {  	(v2sf) =	vpush v2, $0x2  }
0x75: {  	(v2sf) =	vpush v2, $0x3  }
0x76: {  	(v2sf) =	vpush v2, $0x4  }
0x77: {  	(v2sf) =	vpush v2, $0x5  }
0x78: {  	(v2sf) =	vpush v2, $0x6  }
0x79: {  	(v2sf) =	vpush v2, $0x7  }
0x7a: {  	(v2sf) =	vpush v2, $0x8  }
0x7b: {  	(v2sf) =	vpush v2, $0x9  }
0x7c: {  	(v2sf) =	vpush v2, $0xA  }
0x7d: {  	(v2sf) =	vpush v2, $0xB  }
0x7e: {  	(v2sf) =	vpush v2, $0xC  }
0x7f: {  	(v2sf) =	vpush v2, $0xD  }
0x80: {  	(v2sf) =	vpush v2, $0xE  }
0x81: {  	(v2sf) =	vpush v2, $0xF  }
0x82: {  	s28 =	spop (v2sf)  }
0x83: {  	[tilespmem:s28+$0x0] =	vst.add.f32.msk $0xffff, v4;
	s29 =	spop (v2sf)  }
0x84: {  	[tilespmem:s29+$0x0] =	vst.add.f32.msk $0xffff, v5;
	s30 =	spop (v2sf)  }
0x85: {  	[tilespmem:s30+$0x0] =	vst.add.f32.msk $0xffff, v6;
	s28 =	spop (v2sf)  }
0x86: {  	[tilespmem:s28+$0x0] =	vst.add.f32.msk $0xffff, v7;
	s29 =	spop (v2sf)  }
0x87: {  	[tilespmem:s29+$0x0] =	vst.add.f32.msk $0xffff, v8;
	s30 =	spop (v2sf)  }
0x88: {  	[tilespmem:s30+$0x0] =	vst.add.f32.msk $0xffff, v9;
	s28 =	spop (v2sf)  }
0x89: {  	[tilespmem:s28+$0x0] =	vst.add.f32.msk $0xffff, v10;
	s29 =	spop (v2sf)  }
0x8a: {  	[tilespmem:s29+$0x0] =	vst.add.f32.msk $0xffff, v11;
	s30 =	spop (v2sf)  }
0x8b: {  	[tilespmem:s30+$0x0] =	vst.add.f32.msk $0xffff, v12;
	s28 =	spop (v2sf)  }
0x8c: {  	[tilespmem:s28+$0x0] =	vst.add.f32.msk $0xffff, v13;
	s29 =	spop (v2sf)  }
0x8d: {  	[tilespmem:s29+$0x0] =	vst.add.f32.msk $0xffff, v14;
	s30 =	spop (v2sf)  }
0x8e: {  	[tilespmem:s30+$0x0] =	vst.add.f32.msk $0xffff, v15;
	s28 =	spop (v2sf)  }
0x8f: {  	[tilespmem:s28+$0x0] =	vst.add.f32.msk $0xffff, v16;
	s29 =	spop (v2sf)  }
0x90: {  	[tilespmem:s29+$0x0] =	vst.add.f32.msk $0xffff, v17;
	s30 =	spop (v2sf)  }
0x91: {  	[tilespmem:s30+$0x0] =	vst.add.f32.msk $0xffff, v18  }
0x92: {  	v2 =	vld [tilespmem:s25+$0xF10];
	_ =	sdelay $0x4  }
0x93: {  	v2 =	vshll.u32 v2, $0x6  }
0x94: {  	v2 =	vshra.s32 v2, $0x2  }
0x95: {  	v2 =	vadd.s32 $0x7E00, v2  }
0x96: {  	v3 =	vld [tilespmem:s24+$0x1F00];
	(v2sf) =	vpush v2, $0x0  }
0x97: {  	v4 =	vld [tilespmem:s24+$0x1F10];
	(v2sf) =	vpush v2, $0x1  }
0x98: {  	v5 =	vld [tilespmem:s24+$0x1F20];
	(v2sf) =	vpush v2, $0x2  }
0x99: {  	v6 =	vld [tilespmem:s24+$0x1F30];
	(v2sf) =	vpush v2, $0x3  }
0x9a: {  	v7 =	vld [tilespmem:s24+$0x1F40];
	(v2sf) =	vpush v2, $0x4  }
0x9b: {  	v8 =	vld [tilespmem:s24+$0x1F50];
	(v2sf) =	vpush v2, $0x5  }
0x9c: {  	v9 =	vld [tilespmem:s24+$0x1F60];
	(v2sf) =	vpush v2, $0x6  }
0x9d: {  	v10 =	vld [tilespmem:s24+$0x1F70];
	(v2sf) =	vpush v2, $0x7  }
0x9e: {  	v11 =	vld [tilespmem:s24+$0x1F80];
	(v2sf) =	vpush v2, $0x8  }
0x9f: {  	v12 =	vld [tilespmem:s24+$0x1F90];
	(v2sf) =	vpush v2, $0x9  }
0xa0: {  	v13 =	vld [tilespmem:s24+$0x1FA0];
	(v2sf) =	vpush v2, $0xA  }
0xa1: {  	v14 =	vld [tilespmem:s24+$0x1FB0];
	(v2sf) =	vpush v2, $0xB  }
0xa2: {  	v15 =	vld [tilespmem:s24+$0x1FC0];
	(v2sf) =	vpush v2, $0xC  }
0xa3: {  	v16 =	vld [tilespmem:s24+$0x1FD0];
	(v2sf) =	vpush v2, $0xD  }
0xa4: {  	v17 =	vld [tilespmem:s24+$0x1FE0];
	(v2sf) =	vpush v2, $0xE  }
0xa5: {  	v18 =	vld [tilespmem:s24+$0x1FF0];
	s28 =	spop (v2sf);
	(v2sf) =	vpush v2, $0xF  }
0xa6: {  	[tilespmem:s28+$0x0] =	vst.add.f32.msk $0xffff, v3;
	s29 =	spop (v2sf)  }
0xa7: {  	[tilespmem:s29+$0x0] =	vst.add.f32.msk $0xffff, v4;
	s30 =	spop (v2sf)  }
0xa8: {  	[tilespmem:s30+$0x0] =	vst.add.f32.msk $0xffff, v5;
	s28 =	spop (v2sf)  }
0xa9: {  	[tilespmem:s28+$0x0] =	vst.add.f32.msk $0xffff, v6;
	s29 =	spop (v2sf)  }
0xaa: {  	[tilespmem:s29+$0x0] =	vst.add.f32.msk $0xffff, v7;
	s30 =	spop (v2sf)  }
0xab: {  	[tilespmem:s30+$0x0] =	vst.add.f32.msk $0xffff, v8;
	s28 =	spop (v2sf)  }
0xac: {  	[tilespmem:s28+$0x0] =	vst.add.f32.msk $0xffff, v9;
	s29 =	spop (v2sf)  }
0xad: {  	[tilespmem:s29+$0x0] =	vst.add.f32.msk $0xffff, v10;
	s30 =	spop (v2sf)  }
0xae: {  	[tilespmem:s30+$0x0] =	vst.add.f32.msk $0xffff, v11;
	s28 =	spop (v2sf)  }
0xaf: {  	[tilespmem:s28+$0x0] =	vst.add.f32.msk $0xffff, v12;
	s29 =	spop (v2sf)  }
0xb0: {  	[tilespmem:s29+$0x0] =	vst.add.f32.msk $0xffff, v13;
	s30 =	spop (v2sf)  }
0xb1: {  	[tilespmem:s30+$0x0] =	vst.add.f32.msk $0xffff, v14;
	s28 =	spop (v2sf)  }
0xb2: {  	[tilespmem:s28+$0x0] =	vst.add.f32.msk $0xffff, v15;
	s29 =	spop (v2sf)  }
0xb3: {  	[tilespmem:s29+$0x0] =	vst.add.f32.msk $0xffff, v16;
	s30 =	spop (v2sf)  }
0xb4: {  	[tilespmem:s30+$0x0] =	vst.add.f32.msk $0xffff, v17;
	s28 =	spop (v2sf)  }
0xb5: {  	[tilespmem:s28+$0x0] =	vst.add.f32.msk $0xffff, v18  }
0xb6: {  	v2 =	vld [tilespmem:s25+$0xF20];
	_ =	sdelay $0x4  }
0xb7: {  	v2 =	vshll.u32 v2, $0x6  }
0xb8: {  	v2 =	vshra.s32 v2, $0x2  }
0xb9: {  	v2 =	vadd.s32 $0x7E00, v2  }
0xba: {  	v3 =	vld [tilespmem:s24+$0x2000];
	(v2sf) =	vpush v2, $0x0  }
0xbb: {  	v4 =	vld [tilespmem:s24+$0x2010];
	(v2sf) =	vpush v2, $0x1  }
0xbc: {  	v5 =	vld [tilespmem:s24+$0x2020];
	(v2sf) =	vpush v2, $0x2  }
0xbd: {  	v6 =	vld [tilespmem:s24+$0x2030];
	(v2sf) =	vpush v2, $0x3  }
0xbe: {  	v7 =	vld [tilespmem:s24+$0x2040];
	(v2sf) =	vpush v2, $0x4  }
0xbf: {  	v8 =	vld [tilespmem:s24+$0x2050];
	(v2sf) =	vpush v2, $0x5  }
0xc0: {  	v9 =	vld [tilespmem:s24+$0x2060];
	(v2sf) =	vpush v2, $0x6  }
0xc1: {  	v10 =	vld [tilespmem:s24+$0x2070];
	(v2sf) =	vpush v2, $0x7  }
0xc2: {  	v11 =	vld [tilespmem:s24+$0x2080];
	(v2sf) =	vpush v2, $0x8  }
0xc3: {  	v12 =	vld [tilespmem:s24+$0x2090];
	(v2sf) =	vpush v2, $0x9  }
0xc4: {  	v13 =	vld [tilespmem:s24+$0x20A0];
	(v2sf) =	vpush v2, $0xA  }
0xc5: {  	v14 =	vld [tilespmem:s24+$0x20B0];
	(v2sf) =	vpush v2, $0xB  }
0xc6: {  	v15 =	vld [tilespmem:s24+$0x20C0];
	(v2sf) =	vpush v2, $0xC  }
0xc7: {  	v16 =	vld [tilespmem:s24+$0x20D0];
	(v2sf) =	vpush v2, $0xD  }
0xc8: {  	v17 =	vld [tilespmem:s24+$0x20E0];
	(v2sf) =	vpush v2, $0xE  }
0xc9: {  	v18 =	vld [tilespmem:s24+$0x20F0];
	s29 =	spop (v2sf);
	(v2sf) =	vpush v2, $0xF  }
0xca: {  	[tilespmem:s29+$0x0] =	vst.add.f32.msk $0xffff, v3;
	s30 =	spop (v2sf)  }
0xcb: {  	[tilespmem:s30+$0x0] =	vst.add.f32.msk $0xffff, v4;
	s28 =	spop (v2sf)  }
0xcc: {  	[tilespmem:s28+$0x0] =	vst.add.f32.msk $0xffff, v5;
	s29 =	spop (v2sf)  }
0xcd: {  	[tilespmem:s29+$0x0] =	vst.add.f32.msk $0xffff, v6;
	s30 =	spop (v2sf)  }
0xce: {  	[tilespmem:s30+$0x0] =	vst.add.f32.msk $0xffff, v7;
	s28 =	spop (v2sf)  }
0xcf: {  	[tilespmem:s28+$0x0] =	vst.add.f32.msk $0xffff, v8;
	s29 =	spop (v2sf)  }
0xd0: {  	[tilespmem:s29+$0x0] =	vst.add.f32.msk $0xffff, v9;
	s30 =	spop (v2sf)  }
0xd1: {  	[tilespmem:s30+$0x0] =	vst.add.f32.msk $0xffff, v10;
	s28 =	spop (v2sf)  }
0xd2: {  	[tilespmem:s28+$0x0] =	vst.add.f32.msk $0xffff, v11;
	s29 =	spop (v2sf)  }
0xd3: {  	[tilespmem:s29+$0x0] =	vst.add.f32.msk $0xffff, v12;
	s30 =	spop (v2sf)  }
0xd4: {  	[tilespmem:s30+$0x0] =	vst.add.f32.msk $0xffff, v13;
	s28 =	spop (v2sf)  }
0xd5: {  	[tilespmem:s28+$0x0] =	vst.add.f32.msk $0xffff, v14;
	s29 =	spop (v2sf)  }
0xd6: {  	[tilespmem:s29+$0x0] =	vst.add.f32.msk $0xffff, v15;
	s30 =	spop (v2sf)  }
0xd7: {  	[tilespmem:s30+$0x0] =	vst.add.f32.msk $0xffff, v16;
	s28 =	spop (v2sf)  }
0xd8: {  	[tilespmem:s28+$0x0] =	vst.add.f32.msk $0xffff, v17;
	s29 =	spop (v2sf)  }
0xd9: {  	[tilespmem:s29+$0x0] =	vst.add.f32.msk $0xffff, v18  }
0xda: {  	v2 =	vld [tilespmem:s25+$0xF30];
	_ =	sdelay $0x4  }
0xdb: {  	v2 =	vshll.u32 v2, $0x6  }
0xdc: {  	v2 =	vshra.s32 v2, $0x2  }
0xdd: {  	v2 =	vadd.s32 $0x7E00, v2  }
0xde: {  	v3 =	vld [tilespmem:s24+$0x2100];
	(v2sf) =	vpush v2, $0x0  }
0xdf: {  	v4 =	vld [tilespmem:s24+$0x2110];
	(v2sf) =	vpush v2, $0x1  }
0xe0: {  	v5 =	vld [tilespmem:s24+$0x2120];
	(v2sf) =	vpush v2, $0x2  }
0xe1: {  	v6 =	vld [tilespmem:s24+$0x2130];
	(v2sf) =	vpush v2, $0x3  }
0xe2: {  	v7 =	vld [tilespmem:s24+$0x2140];
	(v2sf) =	vpush v2, $0x4  }
0xe3: {  	v8 =	vld [tilespmem:s24+$0x2150];
	(v2sf) =	vpush v2, $0x5  }
0xe4: {  	v9 =	vld [tilespmem:s24+$0x2160];
	(v2sf) =	vpush v2, $0x6  }
0xe5: {  	v10 =	vld [tilespmem:s24+$0x2170];
	(v2sf) =	vpush v2, $0x7  }
0xe6: {  	v11 =	vld [tilespmem:s24+$0x2180];
	(v2sf) =	vpush v2, $0x8  }
0xe7: {  	v12 =	vld [tilespmem:s24+$0x2190];
	(v2sf) =	vpush v2, $0x9  }
0xe8: {  	v13 =	vld [tilespmem:s24+$0x21A0];
	(v2sf) =	vpush v2, $0xA  }
0xe9: {  	v14 =	vld [tilespmem:s24+$0x21B0];
	(v2sf) =	vpush v2, $0xB  }
0xea: {  	v15 =	vld [tilespmem:s24+$0x21C0];
	(v2sf) =	vpush v2, $0xC  }
0xeb: {  	v16 =	vld [tilespmem:s24+$0x21D0];
	(v2sf) =	vpush v2, $0xD  }
0xec: {  	v17 =	vld [tilespmem:s24+$0x21E0];
	(v2sf) =	vpush v2, $0xE  }
0xed: {  	v18 =	vld [tilespmem:s24+$0x21F0];
	s30 =	spop (v2sf);
	(v2sf) =	vpush v2, $0xF  }
0xee: {  	[tilespmem:s30+$0x0] =	vst.add.f32.msk $0xffff, v3;
	s28 =	spop (v2sf)  }
0xef: {  	[tilespmem:s28+$0x0] =	vst.add.f32.msk $0xffff, v4;
	s29 =	spop (v2sf)  }
0xf0: {  	[tilespmem:s29+$0x0] =	vst.add.f32.msk $0xffff, v5;
	s30 =	spop (v2sf)  }
0xf1: {  	[tilespmem:s30+$0x0] =	vst.add.f32.msk $0xffff, v6;
	s28 =	spop (v2sf)  }
0xf2: {  	[tilespmem:s28+$0x0] =	vst.add.f32.msk $0xffff, v7;
	s29 =	spop (v2sf)  }
0xf3: {  	[tilespmem:s29+$0x0] =	vst.add.f32.msk $0xffff, v8;
	s30 =	spop (v2sf)  }
0xf4: {  	[tilespmem:s30+$0x0] =	vst.add.f32.msk $0xffff, v9;
	s28 =	spop (v2sf)  }
0xf5: {  	[tilespmem:s28+$0x0] =	vst.add.f32.msk $0xffff, v10;
	s29 =	spop (v2sf)  }
0xf6: {  	[tilespmem:s29+$0x0] =	vst.add.f32.msk $0xffff, v11;
	s30 =	spop (v2sf)  }
0xf7: {  	[tilespmem:s30+$0x0] =	vst.add.f32.msk $0xffff, v12;
	s28 =	spop (v2sf)  }
0xf8: {  	[tilespmem:s28+$0x0] =	vst.add.f32.msk $0xffff, v13;
	s29 =	spop (v2sf)  }
0xf9: {  	[tilespmem:s29+$0x0] =	vst.add.f32.msk $0xffff, v14;
	s30 =	spop (v2sf)  }
0xfa: {  	[tilespmem:s30+$0x0] =	vst.add.f32.msk $0xffff, v15;
	s28 =	spop (v2sf)  }
0xfb: {  	[tilespmem:s28+$0x0] =	vst.add.f32.msk $0xffff, v16;
	s29 =	spop (v2sf)  }
0xfc: {  	[tilespmem:s29+$0x0] =	vst.add.f32.msk $0xffff, v17;
	s30 =	spop (v2sf)  }
0xfd: {  	[tilespmem:s30+$0x0] =	vst.add.f32.msk $0xffff, v18  }
0xfe: {  	v2 =	vld [tilespmem:s25+$0xF40];
	_ =	sdelay $0x4  }
0xff: {  	v2 =	vshll.u32 v2, $0x6  }
0x100: {  	v2 =	vshra.s32 v2, $0x2  }
0x101: {  	v2 =	vadd.s32 $0x7E00, v2  }
0x102: {  	v3 =	vld [tilespmem:s24+$0x2200];
	(v2sf) =	vpush v2, $0x0  }
0x103: {  	v4 =	vld [tilespmem:s24+$0x2210];
	(v2sf) =	vpush v2, $0x1  }
0x104: {  	v5 =	vld [tilespmem:s24+$0x2220];
	(v2sf) =	vpush v2, $0x2  }
0x105: {  	v6 =	vld [tilespmem:s24+$0x2230];
	(v2sf) =	vpush v2, $0x3  }
0x106: {  	v7 =	vld [tilespmem:s24+$0x2240];
	(v2sf) =	vpush v2, $0x4  }
0x107: {  	v8 =	vld [tilespmem:s24+$0x2250];
	(v2sf) =	vpush v2, $0x5  }
0x108: {  	v9 =	vld [tilespmem:s24+$0x2260];
	(v2sf) =	vpush v2, $0x6  }
0x109: {  	v10 =	vld [tilespmem:s24+$0x2270];
	(v2sf) =	vpush v2, $0x7  }
0x10a: {  	v11 =	vld [tilespmem:s24+$0x2280];
	(v2sf) =	vpush v2, $0x8  }
0x10b: {  	v12 =	vld [tilespmem:s24+$0x2290];
	(v2sf) =	vpush v2, $0x9  }
0x10c: {  	v13 =	vld [tilespmem:s24+$0x22A0];
	(v2sf) =	vpush v2, $0xA  }
0x10d: {  	v14 =	vld [tilespmem:s24+$0x22B0];
	(v2sf) =	vpush v2, $0xB  }
0x10e: {  	v15 =	vld [tilespmem:s24+$0x22C0];
	(v2sf) =	vpush v2, $0xC  }
0x10f: {  	v16 =	vld [tilespmem:s24+$0x22D0];
	(v2sf) =	vpush v2, $0xD  }
0x110: {  	v17 =	vld [tilespmem:s24+$0x22E0];
	(v2sf) =	vpush v2, $0xE  }
0x111: {  	v18 =	vld [tilespmem:s24+$0x22F0];
	s28 =	spop (v2sf);
	(v2sf) =	vpush v2, $0xF  }
0x112: {  	[tilespmem:s28+$0x0] =	vst.add.f32.msk $0xffff, v3;
	s29 =	spop (v2sf)  }
0x113: {  	[tilespmem:s29+$0x0] =	vst.add.f32.msk $0xffff, v4;
	s30 =	spop (v2sf)  }
0x114: {  	[tilespmem:s30+$0x0] =	vst.add.f32.msk $0xffff, v5;
	s28 =	spop (v2sf)  }
0x115: {  	[tilespmem:s28+$0x0] =	vst.add.f32.msk $0xffff, v6;
	s29 =	spop (v2sf)  }
0x116: {  	[tilespmem:s29+$0x0] =	vst.add.f32.msk $0xffff, v7;
	s30 =	spop (v2sf)  }
0x117: {  	[tilespmem:s30+$0x0] =	vst.add.f32.msk $0xffff, v8;
	s28 =	spop (v2sf)  }
0x118: {  	[tilespmem:s28+$0x0] =	vst.add.f32.msk $0xffff, v9;
	s29 =	spop (v2sf)  }
0x119: {  	[tilespmem:s29+$0x0] =	vst.add.f32.msk $0xffff, v10;
	s30 =	spop (v2sf)  }
0x11a: {  	[tilespmem:s30+$0x0] =	vst.add.f32.msk $0xffff, v11;
	s28 =	spop (v2sf)  }
0x11b: {  	[tilespmem:s28+$0x0] =	vst.add.f32.msk $0xffff, v12;
	s29 =	spop (v2sf)  }
0x11c: {  	[tilespmem:s29+$0x0] =	vst.add.f32.msk $0xffff, v13;
	s30 =	spop (v2sf)  }
0x11d: {  	[tilespmem:s30+$0x0] =	vst.add.f32.msk $0xffff, v14;
	s28 =	spop (v2sf)  }
0x11e: {  	[tilespmem:s28+$0x0] =	vst.add.f32.msk $0xffff, v15;
	s29 =	spop (v2sf)  }
0x11f: {  	[tilespmem:s29+$0x0] =	vst.add.f32.msk $0xffff, v16;
	s30 =	spop (v2sf)  }
0x120: {  	[tilespmem:s30+$0x0] =	vst.add.f32.msk $0xffff, v17;
	s28 =	spop (v2sf)  }
0x121: {  	[tilespmem:s28+$0x0] =	vst.add.f32.msk $0xffff, v18  }
0x122: {  	v2 =	vld [tilespmem:s25+$0xF50];
	_ =	sdelay $0x4  }
0x123: {  	v2 =	vshll.u32 v2, $0x6  }
0x124: {  	v2 =	vshra.s32 v2, $0x2  }
0x125: {  	v2 =	vadd.s32 $0x7E00, v2  }
0x126: {  	v3 =	vld [tilespmem:s24+$0x2300];
	(v2sf) =	vpush v2, $0x0  }
0x127: {  	v4 =	vld [tilespmem:s24+$0x2310];
	(v2sf) =	vpush v2, $0x1  }
0x128: {  	v5 =	vld [tilespmem:s24+$0x2320];
	(v2sf) =	vpush v2, $0x2  }
0x129: {  	v6 =	vld [tilespmem:s24+$0x2330];
	(v2sf) =	vpush v2, $0x3  }
0x12a: {  	v7 =	vld [tilespmem:s24+$0x2340];
	(v2sf) =	vpush v2, $0x4  }
0x12b: {  	v8 =	vld [tilespmem:s24+$0x2350];
	(v2sf) =	vpush v2, $0x5  }
0x12c: {  	v9 =	vld [tilespmem:s24+$0x2360];
	(v2sf) =	vpush v2, $0x6  }
0x12d: {  	v10 =	vld [tilespmem:s24+$0x2370];
	(v2sf) =	vpush v2, $0x7  }
0x12e: {  	v11 =	vld [tilespmem:s24+$0x2380];
	(v2sf) =	vpush v2, $0x8  }
0x12f: {  	v12 =	vld [tilespmem:s24+$0x2390];
	(v2sf) =	vpush v2, $0x9  }
0x130: {  	v13 =	vld [tilespmem:s24+$0x23A0];
	(v2sf) =	vpush v2, $0xA  }
0x131: {  	v14 =	vld [tilespmem:s24+$0x23B0];
	(v2sf) =	vpush v2, $0xB  }
0x132: {  	v15 =	vld [tilespmem:s24+$0x23C0];
	(v2sf) =	vpush v2, $0xC  }
0x133: {  	v16 =	vld [tilespmem:s24+$0x23D0];
	(v2sf) =	vpush v2, $0xD  }
0x134: {  	v17 =	vld [tilespmem:s24+$0x23E0];
	(v2sf) =	vpush v2, $0xE  }
0x135: {  	v18 =	vld [tilespmem:s24+$0x23F0];
	s29 =	spop (v2sf);
	(v2sf) =	vpush v2, $0xF  }
0x136: {  	[tilespmem:s29+$0x0] =	vst.add.f32.msk $0xffff, v3;
	s30 =	spop (v2sf)  }
0x137: {  	[tilespmem:s30+$0x0] =	vst.add.f32.msk $0xffff, v4;
	s28 =	spop (v2sf)  }
0x138: {  	[tilespmem:s28+$0x0] =	vst.add.f32.msk $0xffff, v5;
	s29 =	spop (v2sf)  }
0x139: {  	[tilespmem:s29+$0x0] =	vst.add.f32.msk $0xffff, v6;
	s30 =	spop (v2sf)  }
0x13a: {  	[tilespmem:s30+$0x0] =	vst.add.f32.msk $0xffff, v7;
	s28 =	spop (v2sf)  }
0x13b: {  	[tilespmem:s28+$0x0] =	vst.add.f32.msk $0xffff, v8;
	s29 =	spop (v2sf)  }
0x13c: {  	[tilespmem:s29+$0x0] =	vst.add.f32.msk $0xffff, v9;
	s30 =	spop (v2sf)  }
0x13d: {  	[tilespmem:s30+$0x0] =	vst.add.f32.msk $0xffff, v10;
	s28 =	spop (v2sf)  }
0x13e: {  	[tilespmem:s28+$0x0] =	vst.add.f32.msk $0xffff, v11;
	s29 =	spop (v2sf)  }
0x13f: {  	[tilespmem:s29+$0x0] =	vst.add.f32.msk $0xffff, v12;
	s30 =	spop (v2sf)  }
0x140: {  	[tilespmem:s30+$0x0] =	vst.add.f32.msk $0xffff, v13;
	s28 =	spop (v2sf)  }
0x141: {  	[tilespmem:s28+$0x0] =	vst.add.f32.msk $0xffff, v14;
	s29 =	spop (v2sf)  }
0x142: {  	[tilespmem:s29+$0x0] =	vst.add.f32.msk $0xffff, v15;
	s30 =	spop (v2sf)  }
0x143: {  	[tilespmem:s30+$0x0] =	vst.add.f32.msk $0xffff, v16;
	s28 =	spop (v2sf)  }
0x144: {  	[tilespmem:s28+$0x0] =	vst.add.f32.msk $0xffff, v17;
	s29 =	spop (v2sf)  }
0x145: {  	[tilespmem:s29+$0x0] =	vst.add.f32.msk $0xffff, v18  }
0x146: {  	v2 =	vld [tilespmem:s25+$0xF60];
	_ =	sdelay $0x4  }
0x147: {  	v2 =	vshll.u32 v2, $0x6  }
0x148: {  	v2 =	vshra.s32 v2, $0x2  }
0x149: {  	v2 =	vadd.s32 $0x7E00, v2  }
0x14a: {  	v3 =	vld [tilespmem:s24+$0x2400];
	(v2sf) =	vpush v2, $0x0  }
0x14b: {  	v4 =	vld [tilespmem:s24+$0x2410];
	(v2sf) =	vpush v2, $0x1  }
0x14c: {  	v5 =	vld [tilespmem:s24+$0x2420];
	(v2sf) =	vpush v2, $0x2  }
0x14d: {  	v6 =	vld [tilespmem:s24+$0x2430];
	(v2sf) =	vpush v2, $0x3  }
0x14e: {  	v7 =	vld [tilespmem:s24+$0x2440];
	(v2sf) =	vpush v2, $0x4  }
0x14f: {  	v8 =	vld [tilespmem:s24+$0x2450];
	(v2sf) =	vpush v2, $0x5  }
0x150: {  	v9 =	vld [tilespmem:s24+$0x2460];
	(v2sf) =	vpush v2, $0x6  }
0x151: {  	v10 =	vld [tilespmem:s24+$0x2470];
	(v2sf) =	vpush v2, $0x7  }
0x152: {  	v11 =	vld [tilespmem:s24+$0x2480];
	(v2sf) =	vpush v2, $0x8  }
0x153: {  	v12 =	vld [tilespmem:s24+$0x2490];
	(v2sf) =	vpush v2, $0x9  }
0x154: {  	v13 =	vld [tilespmem:s24+$0x24A0];
	(v2sf) =	vpush v2, $0xA  }
0x155: {  	v14 =	vld [tilespmem:s24+$0x24B0];
	(v2sf) =	vpush v2, $0xB  }
0x156: {  	v15 =	vld [tilespmem:s24+$0x24C0];
	(v2sf) =	vpush v2, $0xC  }
0x157: {  	v16 =	vld [tilespmem:s24+$0x24D0];
	(v2sf) =	vpush v2, $0xD  }
0x158: {  	v17 =	vld [tilespmem:s24+$0x24E0];
	(v2sf) =	vpush v2, $0xE  }
0x159: {  	v18 =	vld [tilespmem:s24+$0x24F0];
	s30 =	spop (v2sf);
	(v2sf) =	vpush v2, $0xF  }
0x15a: {  	[tilespmem:s30+$0x0] =	vst.add.f32.msk $0xffff, v3;
	s28 =	spop (v2sf)  }
0x15b: {  	[tilespmem:s28+$0x0] =	vst.add.f32.msk $0xffff, v4;
	s29 =	spop (v2sf)  }
0x15c: {  	[tilespmem:s29+$0x0] =	vst.add.f32.msk $0xffff, v5;
	s30 =	spop (v2sf)  }
0x15d: {  	[tilespmem:s30+$0x0] =	vst.add.f32.msk $0xffff, v6;
	s28 =	spop (v2sf)  }
0x15e: {  	[tilespmem:s28+$0x0] =	vst.add.f32.msk $0xffff, v7;
	s29 =	spop (v2sf)  }
0x15f: {  	[tilespmem:s29+$0x0] =	vst.add.f32.msk $0xffff, v8;
	s30 =	spop (v2sf)  }
0x160: {  	[tilespmem:s30+$0x0] =	vst.add.f32.msk $0xffff, v9;
	s28 =	spop (v2sf)  }
0x161: {  	[tilespmem:s28+$0x0] =	vst.add.f32.msk $0xffff, v10;
	s29 =	spop (v2sf)  }
0x162: {  	[tilespmem:s29+$0x0] =	vst.add.f32.msk $0xffff, v11;
	s30 =	spop (v2sf)  }
0x163: {  	[tilespmem:s30+$0x0] =	vst.add.f32.msk $0xffff, v12;
	s28 =	spop (v2sf)  }
0x164: {  	[tilespmem:s28+$0x0] =	vst.add.f32.msk $0xffff, v13;
	s29 =	spop (v2sf)  }
0x165: {  	[tilespmem:s29+$0x0] =	vst.add.f32.msk $0xffff, v14;
	s30 =	spop (v2sf)  }
0x166: {  	[tilespmem:s30+$0x0] =	vst.add.f32.msk $0xffff, v15;
	s28 =	spop (v2sf)  }
0x167: {  	[tilespmem:s28+$0x0] =	vst.add.f32.msk $0xffff, v16;
	s29 =	spop (v2sf)  }
0x168: {  	[tilespmem:s29+$0x0] =	vst.add.f32.msk $0xffff, v17;
	s30 =	spop (v2sf)  }
0x169: {  	[tilespmem:s30+$0x0] =	vst.add.f32.msk $0xffff, v18  }
0x16a: {  	v2 =	vld [tilespmem:s25+$0xF70];
	_ =	sdelay $0x4  }
0x16b: {  	v2 =	vshll.u32 v2, $0x6  }
0x16c: {  	v2 =	vshra.s32 v2, $0x2  }
0x16d: {  	v2 =	vadd.s32 $0x7E00, v2  }
0x16e: {  	v3 =	vld [tilespmem:s24+$0x2500];
	(v2sf) =	vpush v2, $0x0  }
0x16f: {  	v4 =	vld [tilespmem:s24+$0x2510];
	(v2sf) =	vpush v2, $0x1  }
0x170: {  	v5 =	vld [tilespmem:s24+$0x2520];
	(v2sf) =	vpush v2, $0x2  }
0x171: {  	v6 =	vld [tilespmem:s24+$0x2530];
	(v2sf) =	vpush v2, $0x3  }
0x172: {  	v7 =	vld [tilespmem:s24+$0x2540];
	(v2sf) =	vpush v2, $0x4  }
0x173: {  	v8 =	vld [tilespmem:s24+$0x2550];
	(v2sf) =	vpush v2, $0x5  }
0x174: {  	v9 =	vld [tilespmem:s24+$0x2560];
	(v2sf) =	vpush v2, $0x6  }
0x175: {  	v10 =	vld [tilespmem:s24+$0x2570];
	(v2sf) =	vpush v2, $0x7  }
0x176: {  	v11 =	vld [tilespmem:s24+$0x2580];
	(v2sf) =	vpush v2, $0x8  }
0x177: {  	v12 =	vld [tilespmem:s24+$0x2590];
	(v2sf) =	vpush v2, $0x9  }
0x178: {  	v13 =	vld [tilespmem:s24+$0x25A0];
	(v2sf) =	vpush v2, $0xA  }
0x179: {  	v14 =	vld [tilespmem:s24+$0x25B0];
	(v2sf) =	vpush v2, $0xB  }
0x17a: {  	v15 =	vld [tilespmem:s24+$0x25C0];
	(v2sf) =	vpush v2, $0xC  }
0x17b: {  	v16 =	vld [tilespmem:s24+$0x25D0];
	(v2sf) =	vpush v2, $0xD  }
0x17c: {  	v17 =	vld [tilespmem:s24+$0x25E0];
	(v2sf) =	vpush v2, $0xE  }
0x17d: {  	v18 =	vld [tilespmem:s24+$0x25F0];
	s26 =	spop (v2sf);
	(v2sf) =	vpush v2, $0xF  }
0x17e: {  	s28 =	spop (v2sf);
	[tilespmem:s26+$0x0] =	vst.add.f32.msk $0xffff, v3  }
0x17f: {  	s29 =	spop (v2sf);
	[tilespmem:s28+$0x0] =	vst.add.f32.msk $0xffff, v4  }
0x180: {  	s30 =	spop (v2sf);
	[tilespmem:s29+$0x0] =	vst.add.f32.msk $0xffff, v5  }
0x181: {  	s26 =	spop (v2sf);
	[tilespmem:s30+$0x0] =	vst.add.f32.msk $0xffff, v6  }
0x182: {  	s28 =	spop (v2sf);
	[tilespmem:s26+$0x0] =	vst.add.f32.msk $0xffff, v7  }
0x183: {  	s29 =	spop (v2sf);
	[tilespmem:s28+$0x0] =	vst.add.f32.msk $0xffff, v8  }
0x184: {  	s30 =	spop (v2sf);
	[tilespmem:s29+$0x0] =	vst.add.f32.msk $0xffff, v9  }
0x185: {  	s26 =	spop (v2sf);
	[tilespmem:s30+$0x0] =	vst.add.f32.msk $0xffff, v10  }
0x186: {  	s28 =	spop (v2sf);
	[tilespmem:s26+$0x0] =	vst.add.f32.msk $0xffff, v11  }
0x187: {  	s23 =	sadd.s32 $0x1, s23;
	s29 =	spop (v2sf);
	[tilespmem:s28+$0x0] =	vst.add.f32.msk $0xffff, v12  }
0x188: {  	p0 =	sne.s32 s23, $0x4E2;
	s30 =	spop (v2sf);
	[tilespmem:s29+$0x0] =	vst.add.f32.msk $0xffff, v13  }
.Ltmp5:
0x189: {  	s26 =	spop (v2sf);
	[tilespmem:s30+$0x0] =	vst.add.f32.msk $0xffff, v14;
	(pc) =	sbr.rel @!p0 .LBB2_11-.Ltmp5, $4  }
0x18a: {  	s28 =	spop (v2sf);
	[tilespmem:s26+$0x0] =	vst.add.f32.msk $0xffff, v15  }
0x18b: {  	s29 =	spop (v2sf);
	[tilespmem:s28+$0x0] =	vst.add.f32.msk $0xffff, v16  }
0x18c: {  	[tilespmem:s29+$0x0] =	vst.add.f32.msk $0xffff, v17;
	s30 =	spop (v2sf)  }
0x18d: {  	s22 =	sadd.s32 $0x1, s22;
	[tilespmem:s30+$0x0] =	vst.add.f32.msk $0xffff, v18  }
.LBB2_6:
0x18e: {  	s24 =	smul.u32 $0xCCCD, s23;
	_ =	sdelay $0x1  }
0x18f: {  	s25 =	sshrl.u32 s24, $0x13  }
0x190: {  	s24 =	smul.u32 $0xA, s25;
	_ =	sdelay $0x1  }
0x191: {  	p0 =	sgt.u32 s23, $0x4D7;
	s24 =	ssub.s32 s23, s24  }
0x192: {  	s26 =	sand.u32 @!p0 $0xFFFF, s24  }
0x193: {  	p1 =	sne.s32 @!p0 s26, $0x0  }
0x194: {  	p1 =	por p0, p1  }
.Ltmp6:
0x195: {  	_ = 	snop;
	(pc) =	sbr.rel @p1 .LBB2_10-.Ltmp6, $1  }
0x196: {  	_ =	sdelay $0x3  }
0x197: {  	s26 =	sand.u32 $0xFFFF, s22  }
0x198: {  	s26 =	smul.u32 $0xCCCD, s26;
	_ =	sdelay $0x1  }
0x199: {  	s26 =	sshrl.u32 s26, $0x13  }
0x19a: {  	s26 =	sadd.s32 $0x1, s26  }
0x19b: {  	s28 =	sand.u32 $0xFF, s26  }
0x19c: {  	s28 =	smul.u32 $0xAB, s28;
	_ =	sdelay $0x1  }
0x19d: {  	s28 =	sshrl.u32 s28, $0x9  }
0x19e: {  	s28 =	smul.u32 $0x3, s28;
	_ =	sdelay $0x1  }
0x19f: {  	s26 =	ssub.s32 s26, s28  }
0x1a0: {  	s26 =	sand.u32 $0xFF, s26  }
0x1a1: {  	s26 =	smul.u32 $0x1400, s26;
	_ =	sdelay $0x1  }
0x1a2: {  	_ =	swait.ge [sflag:s13], $0x500;
	s26 =	sshrl.u32 s26, $0x2  }
0x1a3: {  	[sflag:s13] =	ssyncset.done $0x0;
	v2 =	vmov s26  }
0x1a4: {  	[sflag:s13] =	ssyncadd.s32 $0xFFFFFB00  }
0x1a5: {  	_ =	swait.ge [sflag:s13], $0x500  }
0x1a6: {  	[sflag:s13] =	ssyncset.done $0x0  }
0x1a7: {  	[sflag:s13] =	ssyncadd.s32 $0xFFFFFB00;
	s28 =	simm.s32 $0x40;
	s26 =	simm.s32 $0x0  }
.LBB2_8:
0x1a8: {  	p1 =	sne.s32 s28, $0x13C0;
	v3 =	vld.idx.msk [tilespmem:v2+s26+$0x0 ss:$0x1], $0xffff;
	_ =	sdelay $0x2  }
.Ltmp7:
0x1a9: {  	(pc) =	sbr.rel @p1 .LBB2_8-.Ltmp7, $3  }
0x1aa: {  	_ =	sdelay $0x1  }
0x1ab: {  	v3 =	vadd.s32 v0, v3  }
0x1ac: {  	[tilespmem:v2+s26+$0x0 ss:$0x1] =	vst.idx.msk $0xffff, v3;
	s26 =	sshra.s32 s28, $0x2;
	s28 =	sadd.s32 $0x40, s28  }
0x1ad: {  	p1 =	sgt.u32 s23, $0x4CD  }
0x1ae: {  	s28 =	sadd.s32 @!p1 $0x2, s25  }
0x1af: {  	s29 =	smul.u32 @!p1 $0x5556, s28;
	_ =	sdelay $0x1  }
0x1b0: {  	v3 =	vld.idx.msk [tilespmem:v2+s26+$0x0 ss:$0x1], $0xffff;
	s29 =	sshrl.u32 @!p1 s29, $0x10  }
0x1b1: {  	s29 =	smul.u32 @!p1 $0x3, s29;
	_ =	sdelay $0x1  }
0x1b2: {  	s30 =	smul.u32 @!p1 $0x500, s28;
	s28 =	ssub.s32 @!p1 s28, s29  }
0x1b3: {  	s28 =	smul.u32 @!p1 $0x500, s28  }
0x1b4: {  	v3 =	vadd.s32 v0, v3  }
0x1b5: {  	[tilespmem:v2+s26+$0x0 ss:$0x1] =	vst.idx.msk $0xffff, v3;
	s29 =	sadd.s32 @!p1 s5, s30;
	s30 =	sshrl.u32 @!p1 s30, $0x3;
	s26 =	sand.u32 @!p1 $0xFF00, s28  }
.Ltmp8:
0x1b6: {  	s28 =	sadd.s32 @!p1 s2, s30;
	s30 =	simm.s32 @!p1 $0x0;
	(pc) =	sbr.rel .LBB2_10-.Ltmp8, $4  }
0x1b7: {  	[tilespmem:s26], [sflag:$0x1] =	stream.linear.gather @!p1 [hbm4b:s28+s30], $0x500, $0x38;
	[tilespmem:$0x1B700] =	vst v63  }
0x1b8: {  	s28 =	sshrl.u32 @!p1 s29, $0x3  }
0x1b9: {  	s26 =	sadd.s32 @!p1 $0xF00, s26;
	s28 =	sadd.s32 @!p1 s6, s28  }
0x1ba: {  	[tilespmem:s26], [sflag:$0x1] =	stream.linear.gather @!p1 [hbm4b:s28+s30], $0x500, $0x38;
	[tilespmem:$0x1B700] =	vst v63  }
.LBB2_12:
0x1bb: {  	_ =	sfence.sel $0x180000  }
0x1bc: {  	[bflag:$0x0] =	sbarrier.arrive $0xFFFF  }
0x1bd: {  	_ =	strace $0x90000047  }
0x1be: {  	s0 =	stileid.u32;
	[bflag:$0x2] =	sbarrier.arrive $0xFFFF  }
0x1bf: {  	p0 =	sne.s32 s0, $0x0;
	s0 =	rddreg [dreg:$0x2]  }
0x1c0: {  	s0 =	sadd.s32 @!p0 $0x100000, s0  }
0x1c1: {  	[sflag:s0] =	ssyncadd.tile.s32 @!p0 $0x1;
	_ =	shalt  }
.Lfunc_end2:
_tile_overlayer_lowered:
.L_overlay_start_2:
0x1c2: {  	(tag) =	ssettag $0x2  }
0x1c3: {  	s0 =	rddreg [dreg:$0x0];
	s2 =	stileid.u32  }
0x1c4: {  	s1 =	rddreg [dreg:$0x1];
	p0 =	sne.s32 s2, $0x0  }
0x1c5: {  	s3 =	rddreg [dreg:$0x2];
	[bflag:$0x3] =	sbarrier.arrive $0xFFFF;
	s2 =	simm.s32 @!p0 $0x1C03  }
0x1c6: {  	[timem:s3], [sflag:s2] =	dma.local @!p0 [hbm:s0], s1  }
0x1c7: {  	s0 =	simm.s32 @!p0 $0x3  }
0x1c8: {  	_ =	swait.ge @!p0 [sflag:s0], s1  }
0x1c9: {  	s1 =	ssub.s32 @!p0 $0x0, s1;
	[sflag:s0] =	ssyncset.done @!p0 $0x0  }
0x1ca: {  	[sflag:s0] =	ssyncadd.s32 @!p0 s1  }
0x1cb: {  	[bflag:$0x3] =	sbarrier.arrive $0xFFFF  }
0x1cc: {  	_ =	shalt  }

</sc_bundles>
